<compile_context>
chip_gen: v7x
topology: tpu7x:2x2x1
jax: 0.10.2.dev20260603
libtpu: 0.0.44.dev20260713+nightly
codegen_flags: <defaults>
</compile_context>

<pallas_src>
import functools

import jax
import jax.numpy as jnp
from jax import lax
from jax.experimental import pallas as pl
from jax.experimental.pallas import tpu as pltpu
from jax.experimental.pallas import tpu_sc as plsc

_MAXD = 300
_LANES = 304
_R, _C = 160, 128
_CONF = 0.5
_IOU = 0.4
_NC, _NS = 2, 16


def _select_body(x_ref, sel_ref, idx_ref, cls_ref):
    f32 = jnp.float32
    s = x_ref[4]
    cls = jnp.zeros((_R, _C), f32)
    for c in range(1, 80):
        xc = x_ref[4 + c]
        upd = xc > s
        s = jnp.where(upd, xc, s)
        cls = jnp.where(upd, f32(c), cls)
    cls_ref[...] = cls

    lane = jax.lax.broadcasted_iota(jnp.int32, (1, _LANES), 1)
    lane128 = jax.lax.broadcasted_iota(jnp.int32, (3, _C), 1)
    sub3 = jax.lax.broadcasted_iota(jnp.int32, (3, _C), 0)
    lane128r = jax.lax.broadcasted_iota(jnp.int32, (1, _C), 1)
    row160 = jax.lax.broadcasted_iota(jnp.int32, (_R, _C), 0)
    lane2d = jax.lax.broadcasted_iota(jnp.int32, (_R, _C), 1)
    flat = row160 * _C + lane2d
    big = jnp.int32(1 << 30)

    cm = jnp.max(s, axis=0, keepdims=True)
    rw = jnp.min(jnp.where(s == cm, row160, big), axis=0, keepdims=True)

    def sel_step(k, s, cm, rw, scr, idxa):
        m = jnp.max(cm, axis=1, keepdims=True)
        fi = jnp.min(jnp.where(cm == m, rw * _C + lane128r, big),
                     axis=1, keepdims=True)
        scr = scr + jnp.where(lane == k, m, 0.0)
        mask3 = (sub3 == k // _C) & (lane128 == k % _C)
        idxa = idxa + jnp.where(mask3, fi, 0)
        s = jnp.where(flat == fi, -jnp.inf, s)
        cvec = lane2d == fi % _C
        colv = jnp.where(cvec, s, -jnp.inf)
        ncm = jnp.max(colv, axis=0, keepdims=True)
        nrw = jnp.min(jnp.where(colv == ncm, row160, big), axis=0, keepdims=True)
        cl = lane128r == fi % _C
        cm = jnp.where(cl, ncm, cm)
        rw = jnp.where(cl, nrw, rw)
        return s, cm, rw, scr, idxa

    def sel_body(k4, carry):
        s, cm, rw, scr, idxa = carry
        for u in range(10):
            s, cm, rw, scr, idxa = sel_step(k4 * 10 + u, s, cm, rw, scr, idxa)
        return s, cm, rw, scr, idxa

    init = (s, cm, rw, jnp.zeros((1, _LANES), f32), jnp.zeros((3, _C), jnp.int32))
    _, _, _, scr, idxa = jax.lax.fori_loop(0, _MAXD // 10, sel_body, init)
    sel_ref[...] = scr
    idx_ref[...] = idxa


def _sc_gather_body(x0h, x1h, x2h, x3h, clsh, idxh, out, idx_v, g_v, sem):
    wid = lax.axis_index("s") * _NC + lax.axis_index("c")
    for t, src in enumerate((x0h, x1h, x2h, x3h, clsh)):
        @pl.when(wid == t)
        def _():
            pltpu.sync_copy(idxh, idx_v)
            for j in range(3):
                pltpu.async_copy(src.at[idx_v.at[j]], g_v.at[j], sem).wait()
            pltpu.sync_copy(g_v, out.at[t])


def _nms_body(sel_ref, g_ref, o_ref, iou_ref, *, wf, hf):
    f32 = jnp.float32
    lane = jax.lax.broadcasted_iota(jnp.int32, (1, _LANES), 1)
    zrow = jnp.zeros((1, _LANES), f32)
    scr = sel_ref[...]
    xr = g_ref[0:1, :_LANES]
    yr = g_ref[1:2, :_LANES]
    wr = g_ref[2:3, :_LANES]
    hr = g_ref[3:4, :_LANES]
    clsr = g_ref[4:5, :_LANES]

    x0r = xr - wr / 2
    y0r = yr - hr / 2
    x1r = xr + wr / 2
    y1r = yr + hr / 2
    ar = (x1r - x0r) * (y1r - y0r)
    valid = ((scr > _CONF) & (lane < _MAXD)).astype(f32)

    brows = jnp.concatenate([x0r, y0r, x1r, y1r, ar, zrow, zrow, zrow], axis=0)
    ident = (jax.lax.broadcasted_iota(jnp.int32, (_LANES, _LANES), 0)
             == jax.lax.broadcasted_iota(jnp.int32, (_LANES, _LANES), 1)
             ).astype(f32)
    cols = jax.lax.dot_general(
        ident, brows, (((1,), (1,)), ((), ())),
        preferred_element_type=f32, precision=jax.lax.Precision.HIGHEST)
    x0c, y0c = cols[:, 0:1], cols[:, 1:2]
    x1c, y1c, ac = cols[:, 2:3], cols[:, 3:4], cols[:, 4:5]

    iw = jnp.maximum(jnp.minimum(x1c, x1r) - jnp.maximum(x0c, x0r), 0.0)
    ih = jnp.maximum(jnp.minimum(y1c, y1r) - jnp.maximum(y0c, y0r), 0.0)
    inter = iw * ih
    iou_ref[...] = inter / (ac + ar - inter + 1e-9)

    def nms_step(i, kr):
        row = iou_ref[pl.ds(i, 1), :]
        ki = jnp.sum(kr * (lane == i).astype(f32), axis=1, keepdims=True)
        sup = ((row > _IOU) & (lane > i)).astype(f32) * ki
        return kr * (1.0 - sup)

    def nms_body(i4, kr):
        for u in range(10):
            kr = nms_step(i4 * 10 + u, kr)
        return kr

    kr = jax.lax.fori_loop(0, _MAXD // 10, nms_body, valid)

    rows = jnp.concatenate(
        [
            jnp.clip(x0r, 0.0, wf) * kr,
            jnp.clip(y0r, 0.0, hf) * kr,
            jnp.clip(x1r, 0.0, wf) * kr,
            jnp.clip(y1r, 0.0, hf) * kr,
            scr * kr,
            clsr * kr,
            zrow,
            zrow,
        ],
        axis=0,
    )
    o_ref[...] = rows


def kernel(pred, orig_img):
    H = orig_img.shape[1]
    W = orig_img.shape[2]
    p = pred[0]
    n = p.shape[1]
    pad = _R * _C - n
    xb = jnp.concatenate(
        [
            jnp.pad(p[:4], ((0, 0), (0, pad))),
            jnp.pad(p[4:], ((0, 0), (0, pad)), constant_values=-jnp.inf),
        ],
        axis=0,
    )
    xp = xb.reshape(84, _R, _C)

    sel, idx3, clsp = pl.pallas_call(
        _select_body,
        out_shape=[
            jax.ShapeDtypeStruct((1, _LANES), jnp.float32),
            jax.ShapeDtypeStruct((3, _C), jnp.int32),
            jax.ShapeDtypeStruct((_R, _C), jnp.float32),
        ],
    )(xp)

    mesh = plsc.VectorSubcoreMesh(core_axis_name="c", subcore_axis_name="s")
    gath = functools.partial(
        pl.kernel,
        mesh=mesh,
        out_type=jax.ShapeDtypeStruct((5, 3, _C), jnp.float32),
        scratch_types=[
            pltpu.VMEM((3, _C), jnp.int32),
            pltpu.VMEM((3, _C), jnp.float32),
            pltpu.SemaphoreType.DMA,
        ],
    )(_sc_gather_body)(
        xb[0], xb[1], xb[2], xb[3], clsp.reshape(_R * _C), idx3)

    out = pl.pallas_call(
        functools.partial(_nms_body, wf=float(W), hf=float(H)),
        out_shape=jax.ShapeDtypeStruct((8, _LANES), jnp.float32),
        scratch_shapes=[pltpu.VMEM((_LANES, _LANES), jnp.float32)],
    )(sel, gath.reshape(5, 3 * _C))
    return out[:6, :_MAXD].T

# --- scband reference (transcript-rebuilt; emitter-appended) ---
"""Pipeline reference for scband-wrapper-67018669687581 (READ-ONLY COPY).

The authoritative reference and input builder live on the scoring server;
editing this copy changes nothing except your own understanding.
"""

import jax, jax.numpy as jnp
import numpy as np

MAX_DET = 300
CONF_THRESHOLD = 0.5
IOU_THRESHOLD = 0.4


def setup_inputs(seed: int = 0) -> dict:
    key = jax.random.key(seed)
    k1, k2 = jax.random.split(key)
    # YOLOv8-style raw head output: [1, 4 + num_classes, num_anchors]
    pred = jax.random.normal(k1, (1, 84, 20000), dtype=jnp.float32)
    # Original image in NHWC (as passed to forward before preprocess)
    orig_img = jax.random.uniform(k2, (1, 512, 512, 3), dtype=jnp.float32)
    return {"pred": pred, "orig_img": orig_img}


def xywh2xyxy(x):
    x0 = x[..., 0] - x[..., 2] / 2
    y0 = x[..., 1] - x[..., 3] / 2
    x1 = x[..., 0] + x[..., 2] / 2
    y1 = x[..., 1] + x[..., 3] / 2
    return jnp.stack([x0, y0, x1, y1], axis=-1)


def nms_keep(boxes, valid, iou_thr):
    # Greedy class-agnostic NMS over score-descending-sorted boxes.
    x1, y1, x2, y2 = boxes[:, 0], boxes[:, 1], boxes[:, 2], boxes[:, 3]
    areas = (x2 - x1) * (y2 - y1)
    xx1 = jnp.maximum(x1[:, None], x1[None, :])
    yy1 = jnp.maximum(y1[:, None], y1[None, :])
    xx2 = jnp.minimum(x2[:, None], x2[None, :])
    yy2 = jnp.minimum(y2[:, None], y2[None, :])
    inter = jnp.clip(xx2 - xx1, 0.0) * jnp.clip(yy2 - yy1, 0.0)
    iou = inter / (areas[:, None] + areas[None, :] - inter + 1e-9)
    M = boxes.shape[0]
    idx = jnp.arange(M)

    def body(i, keep):
        ki = keep[i]
        suppress = (iou[i] > iou_thr) & (idx > i) & ki
        return keep & (~suppress)

    return jax.lax.fori_loop(0, M, body, valid)


def reference(pred, orig_img):
    p = pred[0]                      # [84, N]
    boxes = p[:4, :].T               # [N, 4] xywh
    scores = jnp.max(p[4:, :], axis=0)     # [N]
    cls = jnp.argmax(p[4:, :], axis=0).astype(jnp.float32)  # [N]

    # keep = scores.argsort(descending)[:max_det]
    top_scores, keep_idx = jax.lax.top_k(scores, MAX_DET)
    boxes = boxes[keep_idx]
    scores = top_scores
    cls = cls[keep_idx]

    boxes = xywh2xyxy(boxes)

    # conf threshold as a validity mask (fixed-shape analogue of boolean filtering)
    valid = scores > CONF_THRESHOLD
    keep = nms_keep(boxes, valid, IOU_THRESHOLD)

    H = orig_img.shape[1]
    W = orig_img.shape[2]
    bx0 = jnp.clip(boxes[:, 0], 0.0, float(W))
    by0 = jnp.clip(boxes[:, 1], 0.0, float(H))
    bx1 = jnp.clip(boxes[:, 2], 0.0, float(W))
    by1 = jnp.clip(boxes[:, 3], 0.0, float(H))
    boxes_c = jnp.stack([bx0, by0, bx1, by1], axis=1)

    out = jnp.concatenate([boxes_c, scores[:, None], cls[:, None]], axis=1)  # [300, 6]
    out = out * keep[:, None].astype(out.dtype)  # zero-out suppressed / low-conf rows
    return out

if __name__ == "__main__":
    import jax
    _d = setup_inputs()
    print(jax.jit(kernel)(*tuple(_d.values())))

</pallas_src>

<mosaic_0001>
#map = affine_map<(d0, d1) -> (0)>
#map1 = affine_map<(d0, d1) -> (0, 0)>
#map2 = affine_map<(d0, d1) -> (0, 0, 0)>
module attributes {stable_mosaic.version = 14 : i64} {
  func.func @_sc_gather_body(%arg0: i32, %arg1: i32, %arg2: memref<20480xf32, #tpu.memory_space<hbm>>, %arg3: memref<20480xf32, #tpu.memory_space<hbm>>, %arg4: memref<20480xf32, #tpu.memory_space<hbm>>, %arg5: memref<20480xf32, #tpu.memory_space<hbm>>, %arg6: memref<20480xf32, #tpu.memory_space<hbm>>, %arg7: memref<3x128xi32, #tpu.memory_space<hbm>>, %arg8: memref<5x3x128xf32, #tpu.memory_space<hbm>>, %arg9: memref<3x128xi32, #tpu.memory_space<vmem>>, %arg10: memref<3x128xf32, #tpu.memory_space<vmem>>, %arg11: memref<!tpu.dma_semaphore, #tpu.memory_space<semaphore_mem>>) attributes {dimension_semantics = [#tpu.dimension_semantics<core_parallel>, #tpu.dimension_semantics<subcore_parallel>], iteration_bounds = array<i64: 2, 16>, scalar_prefetch = 0 : i64, scratch_operands = 3 : i64, tpu.core_type = #tpu.core_type<sc_vector_subcore>, window_params = [{transform_indices = #map}, {transform_indices = #map}, {transform_indices = #map}, {transform_indices = #map}, {transform_indices = #map}, {transform_indices = #map1}, {transform_indices = #map2}]} {
    %mul3A = arith.constant 2 : i32
    %mul3A_0 = arith.muli %arg1, %mul3A : i32
    %add3A = arith.addi %mul3A_0, %arg0 : i32
    %eq3A = arith.constant 0 : i32
    %eq3A_1 = arith.cmpi eq, %add3A, %eq3A : i32
    %convert_element_type3A = arith.extui %eq3A_1 : i1 to i32
    %cond3A = arith.constant 0 : i32
    %cond3A_2 = arith.cmpi ne, %convert_element_type3A, %cond3A : i32
    scf.if %cond3A_2 {
      "tpu.region"() ({
        %run_scoped3A_81 = tpu.sem_alloc : memref<!tpu.dma_semaphore, #tpu.memory_space<semaphore_mem>>
        tpu.enqueue_dma source(%arg7 : memref<3x128xi32, #tpu.memory_space<hbm>>) target(%arg9 : memref<3x128xi32, #tpu.memory_space<vmem>>) target_semaphore(%run_scoped3A_81 : memref<!tpu.dma_semaphore, #tpu.memory_space<semaphore_mem>>)
        tpu.wait_dma2 semaphore(%run_scoped3A_81 : memref<!tpu.dma_semaphore, #tpu.memory_space<semaphore_mem>>) src(%arg7 : memref<3x128xi32, #tpu.memory_space<hbm>>) dst(%arg9 : memref<3x128xi32, #tpu.memory_space<vmem>>)
        tpu.yield
      }) : () -> ()
      %dma_start3A = arith.constant 0 : i32
      %dma_start3A_23 = arith.constant 0 : i32
      %dma_start3A_24 = arith.constant 0 : i32
      %dma_start3A_25 = tpu.memref_slice %arg10[%dma_start3A_23, %dma_start3A_24] : memref<3x128xf32, #tpu.memory_space<vmem>> -> memref<1x128xf32, #tpu.memory_space<vmem>>
      %dma_start3A_26 = tpu.memref_squeeze %dma_start3A_25 : memref<1x128xf32, #tpu.memory_space<vmem>> -> memref<128xf32, #tpu.memory_space<vmem>>
      %dma_start3A_27 = arith.constant 0 : i32
      %dma_start3A_28 = tpu.memref_slice %arg9[%dma_start3A, %dma_start3A_27] : memref<3x128xi32, #tpu.memory_space<vmem>> -> memref<1x128xi32, #tpu.memory_space<vmem>>
      %dma_start3A_29 = tpu.memref_squeeze %dma_start3A_28 : memref<1x128xi32, #tpu.memory_space<vmem>> -> memref<128xi32, #tpu.memory_space<vmem>>
      %dma_start3A_30 = arith.constant 0 : i32
      %dma_start3A_31 = tpu.memref_slice %arg2[%dma_start3A_30] : memref<20480xf32, #tpu.memory_space<hbm>> -> memref<20480xf32, #tpu.memory_space<hbm>>
      tpu.enqueue_indirect_dma source(%dma_start3A_31 : memref<20480xf32, #tpu.memory_space<hbm>>) target(%dma_start3A_26 : memref<128xf32, #tpu.memory_space<vmem>>) offsets(%dma_start3A_29 : memref<128xi32, #tpu.memory_space<vmem>>) semaphore(%arg11 : memref<!tpu.dma_semaphore, #tpu.memory_space<semaphore_mem>>)
      %dma_wait3A = arith.constant 0 : i32
      %dma_wait3A_32 = arith.constant 0 : i32
      %dma_wait3A_33 = arith.constant 0 : i32
      %dma_wait3A_34 = tpu.memref_slice %arg10[%dma_wait3A_32, %dma_wait3A_33] : memref<3x128xf32, #tpu.memory_space<vmem>> -> memref<1x128xf32, #tpu.memory_space<vmem>>
      %dma_wait3A_35 = tpu.memref_squeeze %dma_wait3A_34 : memref<1x128xf32, #tpu.memory_space<vmem>> -> memref<128xf32, #tpu.memory_space<vmem>>
      %dma_wait3A_36 = arith.constant 0 : i32
      %dma_wait3A_37 = tpu.memref_slice %arg9[%dma_wait3A, %dma_wait3A_36] : memref<3x128xi32, #tpu.memory_space<vmem>> -> memref<1x128xi32, #tpu.memory_space<vmem>>
      %dma_wait3A_38 = tpu.memref_squeeze %dma_wait3A_37 : memref<1x128xi32, #tpu.memory_space<vmem>> -> memref<128xi32, #tpu.memory_space<vmem>>
      %dma_wait3A_39 = arith.constant 0 : i32
      %dma_wait3A_40 = tpu.memref_slice %arg2[%dma_wait3A_39] : memref<20480xf32, #tpu.memory_space<hbm>> -> memref<20480xf32, #tpu.memory_space<hbm>>
      tpu.wait_indirect_dma semaphore(%arg11 : memref<!tpu.dma_semaphore, #tpu.memory_space<semaphore_mem>>) src(%dma_wait3A_40 : memref<20480xf32, #tpu.memory_space<hbm>>) dst(%dma_wait3A_35 : memref<128xf32, #tpu.memory_space<vmem>>)
      %dma_start3A_41 = arith.constant 1 : i32
      %dma_start3A_42 = arith.constant 1 : i32
      %dma_start3A_43 = arith.constant 0 : i32
      %dma_start3A_44 = tpu.memref_slice %arg10[%dma_start3A_42, %dma_start3A_43] : memref<3x128xf32, #tpu.memory_space<vmem>> -> memref<1x128xf32, #tpu.memory_space<vmem>>
      %dma_start3A_45 = tpu.memref_squeeze %dma_start3A_44 : memref<1x128xf32, #tpu.memory_space<vmem>> -> memref<128xf32, #tpu.memory_space<vmem>>
      %dma_start3A_46 = arith.constant 0 : i32
      %dma_start3A_47 = tpu.memref_slice %arg9[%dma_start3A_41, %dma_start3A_46] : memref<3x128xi32, #tpu.memory_space<vmem>> -> memref<1x128xi32, #tpu.memory_space<vmem>>
      %dma_start3A_48 = tpu.memref_squeeze %dma_start3A_47 : memref<1x128xi32, #tpu.memory_space<vmem>> -> memref<128xi32, #tpu.memory_space<vmem>>
      %dma_start3A_49 = arith.constant 0 : i32
      %dma_start3A_50 = tpu.memref_slice %arg2[%dma_start3A_49] : memref<20480xf32, #tpu.memory_space<hbm>> -> memref<20480xf32, #tpu.memory_space<hbm>>
      tpu.enqueue_indirect_dma source(%dma_start3A_50 : memref<20480xf32, #tpu.memory_space<hbm>>) target(%dma_start3A_45 : memref<128xf32, #tpu.memory_space<vmem>>) offsets(%dma_start3A_48 : memref<128xi32, #tpu.memory_space<vmem>>) semaphore(%arg11 : memref<!tpu.dma_semaphore, #tpu.memory_space<semaphore_mem>>)
      %dma_wait3A_51 = arith.constant 1 : i32
      %dma_wait3A_52 = arith.constant 1 : i32
      %dma_wait3A_53 = arith.constant 0 : i32
      %dma_wait3A_54 = tpu.memref_slice %arg10[%dma_wait3A_52, %dma_wait3A_53] : memref<3x128xf32, #tpu.memory_space<vmem>> -> memref<1x128xf32, #tpu.memory_space<vmem>>
      %dma_wait3A_55 = tpu.memref_squeeze %dma_wait3A_54 : memref<1x128xf32, #tpu.memory_space<vmem>> -> memref<128xf32, #tpu.memory_space<vmem>>
      %dma_wait3A_56 = arith.constant 0 : i32
      %dma_wait3A_57 = tpu.memref_slice %arg9[%dma_wait3A_51, %dma_wait3A_56] : memref<3x128xi32, #tpu.memory_space<vmem>> -> memref<1x128xi32, #tpu.memory_space<vmem>>
      %dma_wait3A_58 = tpu.memref_squeeze %dma_wait3A_57 : memref<1x128xi32, #tpu.memory_space<vmem>> -> memref<128xi32, #tpu.memory_space<vmem>>
      %dma_wait3A_59 = arith.constant 0 : i32
      %dma_wait3A_60 = tpu.memref_slice %arg2[%dma_wait3A_59] : memref<20480xf32, #tpu.memory_space<hbm>> -> memref<20480xf32, #tpu.memory_space<hbm>>
      tpu.wait_indirect_dma semaphore(%arg11 : memref<!tpu.dma_semaphore, #tpu.memory_space<semaphore_mem>>) src(%dma_wait3A_60 : memref<20480xf32, #tpu.memory_space<hbm>>) dst(%dma_wait3A_55 : memref<128xf32, #tpu.memory_space<vmem>>)
      %dma_start3A_61 = arith.constant 2 : i32
      %dma_start3A_62 = arith.constant 2 : i32
      %dma_start3A_63 = arith.constant 0 : i32
      %dma_start3A_64 = tpu.memref_slice %arg10[%dma_start3A_62, %dma_start3A_63] : memref<3x128xf32, #tpu.memory_space<vmem>> -> memref<1x128xf32, #tpu.memory_space<vmem>>
      %dma_start3A_65 = tpu.memref_squeeze %dma_start3A_64 : memref<1x128xf32, #tpu.memory_space<vmem>> -> memref<128xf32, #tpu.memory_space<vmem>>
      %dma_start3A_66 = arith.constant 0 : i32
      %dma_start3A_67 = tpu.memref_slice %arg9[%dma_start3A_61, %dma_start3A_66] : memref<3x128xi32, #tpu.memory_space<vmem>> -> memref<1x128xi32, #tpu.memory_space<vmem>>
      %dma_start3A_68 = tpu.memref_squeeze %dma_start3A_67 : memref<1x128xi32, #tpu.memory_space<vmem>> -> memref<128xi32, #tpu.memory_space<vmem>>
      %dma_start3A_69 = arith.constant 0 : i32
      %dma_start3A_70 = tpu.memref_slice %arg2[%dma_start3A_69] : memref<20480xf32, #tpu.memory_space<hbm>> -> memref<20480xf32, #tpu.memory_space<hbm>>
      tpu.enqueue_indirect_dma source(%dma_start3A_70 : memref<20480xf32, #tpu.memory_space<hbm>>) target(%dma_start3A_65 : memref<128xf32, #tpu.memory_space<vmem>>) offsets(%dma_start3A_68 : memref<128xi32, #tpu.memory_space<vmem>>) semaphore(%arg11 : memref<!tpu.dma_semaphore, #tpu.memory_space<semaphore_mem>>)
      %dma_wait3A_71 = arith.constant 2 : i32
      %dma_wait3A_72 = arith.constant 2 : i32
      %dma_wait3A_73 = arith.constant 0 : i32
      %dma_wait3A_74 = tpu.memref_slice %arg10[%dma_wait3A_72, %dma_wait3A_73] : memref<3x128xf32, #tpu.memory_space<vmem>> -> memref<1x128xf32, #tpu.memory_space<vmem>>
      %dma_wait3A_75 = tpu.memref_squeeze %dma_wait3A_74 : memref<1x128xf32, #tpu.memory_space<vmem>> -> memref<128xf32, #tpu.memory_space<vmem>>
      %dma_wait3A_76 = arith.constant 0 : i32
      %dma_wait3A_77 = tpu.memref_slice %arg9[%dma_wait3A_71, %dma_wait3A_76] : memref<3x128xi32, #tpu.memory_space<vmem>> -> memref<1x128xi32, #tpu.memory_space<vmem>>
      %dma_wait3A_78 = tpu.memref_squeeze %dma_wait3A_77 : memref<1x128xi32, #tpu.memory_space<vmem>> -> memref<128xi32, #tpu.memory_space<vmem>>
      %dma_wait3A_79 = arith.constant 0 : i32
      %dma_wait3A_80 = tpu.memref_slice %arg2[%dma_wait3A_79] : memref<20480xf32, #tpu.memory_space<hbm>> -> memref<20480xf32, #tpu.memory_space<hbm>>
      tpu.wait_indirect_dma semaphore(%arg11 : memref<!tpu.dma_semaphore, #tpu.memory_space<semaphore_mem>>) src(%dma_wait3A_80 : memref<20480xf32, #tpu.memory_space<hbm>>) dst(%dma_wait3A_75 : memref<128xf32, #tpu.memory_space<vmem>>)
      %run_scoped3A = arith.constant 0 : i32
      "tpu.region"() ({
        %run_scoped3A_81 = tpu.sem_alloc : memref<!tpu.dma_semaphore, #tpu.memory_space<semaphore_mem>>
        %dma_start3A_82 = arith.constant 0 : i32
        %dma_start3A_83 = arith.constant 0 : i32
        %dma_start3A_84 = tpu.memref_slice %arg8[%run_scoped3A, %dma_start3A_82, %dma_start3A_83] : memref<5x3x128xf32, #tpu.memory_space<hbm>> -> memref<1x3x128xf32, #tpu.memory_space<hbm>>
        %dma_start3A_85 = tpu.memref_squeeze %dma_start3A_84 : memref<1x3x128xf32, #tpu.memory_space<hbm>> -> memref<3x128xf32, #tpu.memory_space<hbm>>
        %dma_start3A_86 = arith.constant 0 : i32
        %dma_start3A_87 = arith.constant 0 : i32
        %dma_start3A_88 = tpu.memref_slice %arg8[%run_scoped3A, %dma_start3A_86, %dma_start3A_87] : memref<5x3x128xf32, #tpu.memory_space<hbm>> -> memref<1x3x128xf32, #tpu.memory_space<hbm>>
        %dma_start3A_89 = tpu.memref_squeeze %dma_start3A_88 : memref<1x3x128xf32, #tpu.memory_space<hbm>> -> memref<3x128xf32, #tpu.memory_space<hbm>>
        tpu.enqueue_dma source(%arg10 : memref<3x128xf32, #tpu.memory_space<vmem>>) target(%dma_start3A_89 : memref<3x128xf32, #tpu.memory_space<hbm>>) target_semaphore(%run_scoped3A_81 : memref<!tpu.dma_semaphore, #tpu.memory_space<semaphore_mem>>)
        %dma_wait3A_90 = arith.constant 0 : i32
        %dma_wait3A_91 = arith.constant 0 : i32
        %dma_wait3A_92 = tpu.memref_slice %arg8[%run_scoped3A, %dma_wait3A_90, %dma_wait3A_91] : memref<5x3x128xf32, #tpu.memory_space<hbm>> -> memref<1x3x128xf32, #tpu.memory_space<hbm>>
        %dma_wait3A_93 = tpu.memref_squeeze %dma_wait3A_92 : memref<1x3x128xf32, #tpu.memory_space<hbm>> -> memref<3x128xf32, #tpu.memory_space<hbm>>
        %dma_wait3A_94 = arith.constant 0 : i32
        %dma_wait3A_95 = arith.constant 0 : i32
        %dma_wait3A_96 = tpu.memref_slice %arg8[%run_scoped3A, %dma_wait3A_94, %dma_wait3A_95] : memref<5x3x128xf32, #tpu.memory_space<hbm>> -> memref<1x3x128xf32, #tpu.memory_space<hbm>>
        %dma_wait3A_97 = tpu.memref_squeeze %dma_wait3A_96 : memref<1x3x128xf32, #tpu.memory_space<hbm>> -> memref<3x128xf32, #tpu.memory_space<hbm>>
        tpu.wait_dma2 semaphore(%run_scoped3A_81 : memref<!tpu.dma_semaphore, #tpu.memory_space<semaphore_mem>>) src(%arg10 : memref<3x128xf32, #tpu.memory_space<vmem>>) dst(%dma_wait3A_97 : memref<3x128xf32, #tpu.memory_space<hbm>>)
        tpu.yield
      }) : () -> ()
    } else {
    }
    %eq3A_3 = arith.constant 1 : i32
    %eq3A_4 = arith.cmpi eq, %add3A, %eq3A_3 : i32
    %convert_element_type3A_5 = arith.extui %eq3A_4 : i1 to i32
    %cond3A_6 = arith.constant 0 : i32
    %cond3A_7 = arith.cmpi ne, %convert_element_type3A_5, %cond3A_6 : i32
    scf.if %cond3A_7 {
      "tpu.region"() ({
        %run_scoped3A_81 = tpu.sem_alloc : memref<!tpu.dma_semaphore, #tpu.memory_space<semaphore_mem>>
        tpu.enqueue_dma source(%arg7 : memref<3x128xi32, #tpu.memory_space<hbm>>) target(%arg9 : memref<3x128xi32, #tpu.memory_space<vmem>>) target_semaphore(%run_scoped3A_81 : memref<!tpu.dma_semaphore, #tpu.memory_space<semaphore_mem>>)
        tpu.wait_dma2 semaphore(%run_scoped3A_81 : memref<!tpu.dma_semaphore, #tpu.memory_space<semaphore_mem>>) src(%arg7 : memref<3x128xi32, #tpu.memory_space<hbm>>) dst(%arg9 : memref<3x128xi32, #tpu.memory_space<vmem>>)
        tpu.yield
      }) : () -> ()
      %dma_start3A = arith.constant 0 : i32
      %dma_start3A_23 = arith.constant 0 : i32
      %dma_start3A_24 = arith.constant 0 : i32
      %dma_start3A_25 = tpu.memref_slice %arg10[%dma_start3A_23, %dma_start3A_24] : memref<3x128xf32, #tpu.memory_space<vmem>> -> memref<1x128xf32, #tpu.memory_space<vmem>>
      %dma_start3A_26 = tpu.memref_squeeze %dma_start3A_25 : memref<1x128xf32, #tpu.memory_space<vmem>> -> memref<128xf32, #tpu.memory_space<vmem>>
      %dma_start3A_27 = arith.constant 0 : i32
      %dma_start3A_28 = tpu.memref_slice %arg9[%dma_start3A, %dma_start3A_27] : memref<3x128xi32, #tpu.memory_space<vmem>> -> memref<1x128xi32, #tpu.memory_space<vmem>>
      %dma_start3A_29 = tpu.memref_squeeze %dma_start3A_28 : memref<1x128xi32, #tpu.memory_space<vmem>> -> memref<128xi32, #tpu.memory_space<vmem>>
      %dma_start3A_30 = arith.constant 0 : i32
      %dma_start3A_31 = tpu.memref_slice %arg3[%dma_start3A_30] : memref<20480xf32, #tpu.memory_space<hbm>> -> memref<20480xf32, #tpu.memory_space<hbm>>
      tpu.enqueue_indirect_dma source(%dma_start3A_31 : memref<20480xf32, #tpu.memory_space<hbm>>) target(%dma_start3A_26 : memref<128xf32, #tpu.memory_space<vmem>>) offsets(%dma_start3A_29 : memref<128xi32, #tpu.memory_space<vmem>>) semaphore(%arg11 : memref<!tpu.dma_semaphore, #tpu.memory_space<semaphore_mem>>)
      %dma_wait3A = arith.constant 0 : i32
      %dma_wait3A_32 = arith.constant 0 : i32
      %dma_wait3A_33 = arith.constant 0 : i32
      %dma_wait3A_34 = tpu.memref_slice %arg10[%dma_wait3A_32, %dma_wait3A_33] : memref<3x128xf32, #tpu.memory_space<vmem>> -> memref<1x128xf32, #tpu.memory_space<vmem>>
      %dma_wait3A_35 = tpu.memref_squeeze %dma_wait3A_34 : memref<1x128xf32, #tpu.memory_space<vmem>> -> memref<128xf32, #tpu.memory_space<vmem>>
      %dma_wait3A_36 = arith.constant 0 : i32
      %dma_wait3A_37 = tpu.memref_slice %arg9[%dma_wait3A, %dma_wait3A_36] : memref<3x128xi32, #tpu.memory_space<vmem>> -> memref<1x128xi32, #tpu.memory_space<vmem>>
      %dma_wait3A_38 = tpu.memref_squeeze %dma_wait3A_37 : memref<1x128xi32, #tpu.memory_space<vmem>> -> memref<128xi32, #tpu.memory_space<vmem>>
      %dma_wait3A_39 = arith.constant 0 : i32
      %dma_wait3A_40 = tpu.memref_slice %arg3[%dma_wait3A_39] : memref<20480xf32, #tpu.memory_space<hbm>> -> memref<20480xf32, #tpu.memory_space<hbm>>
      tpu.wait_indirect_dma semaphore(%arg11 : memref<!tpu.dma_semaphore, #tpu.memory_space<semaphore_mem>>) src(%dma_wait3A_40 : memref<20480xf32, #tpu.memory_space<hbm>>) dst(%dma_wait3A_35 : memref<128xf32, #tpu.memory_space<vmem>>)
      %dma_start3A_41 = arith.constant 1 : i32
      %dma_start3A_42 = arith.constant 1 : i32
      %dma_start3A_43 = arith.constant 0 : i32
      %dma_start3A_44 = tpu.memref_slice %arg10[%dma_start3A_42, %dma_start3A_43] : memref<3x128xf32, #tpu.memory_space<vmem>> -> memref<1x128xf32, #tpu.memory_space<vmem>>
      %dma_start3A_45 = tpu.memref_squeeze %dma_start3A_44 : memref<1x128xf32, #tpu.memory_space<vmem>> -> memref<128xf32, #tpu.memory_space<vmem>>
      %dma_start3A_46 = arith.constant 0 : i32
      %dma_start3A_47 = tpu.memref_slice %arg9[%dma_start3A_41, %dma_start3A_46] : memref<3x128xi32, #tpu.memory_space<vmem>> -> memref<1x128xi32, #tpu.memory_space<vmem>>
      %dma_start3A_48 = tpu.memref_squeeze %dma_start3A_47 : memref<1x128xi32, #tpu.memory_space<vmem>> -> memref<128xi32, #tpu.memory_space<vmem>>
      %dma_start3A_49 = arith.constant 0 : i32
      %dma_start3A_50 = tpu.memref_slice %arg3[%dma_start3A_49] : memref<20480xf32, #tpu.memory_space<hbm>> -> memref<20480xf32, #tpu.memory_space<hbm>>
      tpu.enqueue_indirect_dma source(%dma_start3A_50 : memref<20480xf32, #tpu.memory_space<hbm>>) target(%dma_start3A_45 : memref<128xf32, #tpu.memory_space<vmem>>) offsets(%dma_start3A_48 : memref<128xi32, #tpu.memory_space<vmem>>) semaphore(%arg11 : memref<!tpu.dma_semaphore, #tpu.memory_space<semaphore_mem>>)
      %dma_wait3A_51 = arith.constant 1 : i32
      %dma_wait3A_52 = arith.constant 1 : i32
      %dma_wait3A_53 = arith.constant 0 : i32
      %dma_wait3A_54 = tpu.memref_slice %arg10[%dma_wait3A_52, %dma_wait3A_53] : memref<3x128xf32, #tpu.memory_space<vmem>> -> memref<1x128xf32, #tpu.memory_space<vmem>>
      %dma_wait3A_55 = tpu.memref_squeeze %dma_wait3A_54 : memref<1x128xf32, #tpu.memory_space<vmem>> -> memref<128xf32, #tpu.memory_space<vmem>>
      %dma_wait3A_56 = arith.constant 0 : i32
      %dma_wait3A_57 = tpu.memref_slice %arg9[%dma_wait3A_51, %dma_wait3A_56] : memref<3x128xi32, #tpu.memory_space<vmem>> -> memref<1x128xi32, #tpu.memory_space<vmem>>
      %dma_wait3A_58 = tpu.memref_squeeze %dma_wait3A_57 : memref<1x128xi32, #tpu.memory_space<vmem>> -> memref<128xi32, #tpu.memory_space<vmem>>
      %dma_wait3A_59 = arith.constant 0 : i32
      %dma_wait3A_60 = tpu.memref_slice %arg3[%dma_wait3A_59] : memref<20480xf32, #tpu.memory_space<hbm>> -> memref<20480xf32, #tpu.memory_space<hbm>>
      tpu.wait_indirect_dma semaphore(%arg11 : memref<!tpu.dma_semaphore, #tpu.memory_space<semaphore_mem>>) src(%dma_wait3A_60 : memref<20480xf32, #tpu.memory_space<hbm>>) dst(%dma_wait3A_55 : memref<128xf32, #tpu.memory_space<vmem>>)
      %dma_start3A_61 = arith.constant 2 : i32
      %dma_start3A_62 = arith.constant 2 : i32
      %dma_start3A_63 = arith.constant 0 : i32
      %dma_start3A_64 = tpu.memref_slice %arg10[%dma_start3A_62, %dma_start3A_63] : memref<3x128xf32, #tpu.memory_space<vmem>> -> memref<1x128xf32, #tpu.memory_space<vmem>>
      %dma_start3A_65 = tpu.memref_squeeze %dma_start3A_64 : memref<1x128xf32, #tpu.memory_space<vmem>> -> memref<128xf32, #tpu.memory_space<vmem>>
      %dma_start3A_66 = arith.constant 0 : i32
      %dma_start3A_67 = tpu.memref_slice %arg9[%dma_start3A_61, %dma_start3A_66] : memref<3x128xi32, #tpu.memory_space<vmem>> -> memref<1x128xi32, #tpu.memory_space<vmem>>
      %dma_start3A_68 = tpu.memref_squeeze %dma_start3A_67 : memref<1x128xi32, #tpu.memory_space<vmem>> -> memref<128xi32, #tpu.memory_space<vmem>>
      %dma_start3A_69 = arith.constant 0 : i32
      %dma_start3A_70 = tpu.memref_slice %arg3[%dma_start3A_69] : memref<20480xf32, #tpu.memory_space<hbm>> -> memref<20480xf32, #tpu.memory_space<hbm>>
      tpu.enqueue_indirect_dma source(%dma_start3A_70 : memref<20480xf32, #tpu.memory_space<hbm>>) target(%dma_start3A_65 : memref<128xf32, #tpu.memory_space<vmem>>) offsets(%dma_start3A_68 : memref<128xi32, #tpu.memory_space<vmem>>) semaphore(%arg11 : memref<!tpu.dma_semaphore, #tpu.memory_space<semaphore_mem>>)
      %dma_wait3A_71 = arith.constant 2 : i32
      %dma_wait3A_72 = arith.constant 2 : i32
      %dma_wait3A_73 = arith.constant 0 : i32
      %dma_wait3A_74 = tpu.memref_slice %arg10[%dma_wait3A_72, %dma_wait3A_73] : memref<3x128xf32, #tpu.memory_space<vmem>> -> memref<1x128xf32, #tpu.memory_space<vmem>>
      %dma_wait3A_75 = tpu.memref_squeeze %dma_wait3A_74 : memref<1x128xf32, #tpu.memory_space<vmem>> -> memref<128xf32, #tpu.memory_space<vmem>>
      %dma_wait3A_76 = arith.constant 0 : i32
      %dma_wait3A_77 = tpu.memref_slice %arg9[%dma_wait3A_71, %dma_wait3A_76] : memref<3x128xi32, #tpu.memory_space<vmem>> -> memref<1x128xi32, #tpu.memory_space<vmem>>
      %dma_wait3A_78 = tpu.memref_squeeze %dma_wait3A_77 : memref<1x128xi32, #tpu.memory_space<vmem>> -> memref<128xi32, #tpu.memory_space<vmem>>
      %dma_wait3A_79 = arith.constant 0 : i32
      %dma_wait3A_80 = tpu.memref_slice %arg3[%dma_wait3A_79] : memref<20480xf32, #tpu.memory_space<hbm>> -> memref<20480xf32, #tpu.memory_space<hbm>>
      tpu.wait_indirect_dma semaphore(%arg11 : memref<!tpu.dma_semaphore, #tpu.memory_space<semaphore_mem>>) src(%dma_wait3A_80 : memref<20480xf32, #tpu.memory_space<hbm>>) dst(%dma_wait3A_75 : memref<128xf32, #tpu.memory_space<vmem>>)
      %run_scoped3A = arith.constant 1 : i32
      "tpu.region"() ({
        %run_scoped3A_81 = tpu.sem_alloc : memref<!tpu.dma_semaphore, #tpu.memory_space<semaphore_mem>>
        %dma_start3A_82 = arith.constant 0 : i32
        %dma_start3A_83 = arith.constant 0 : i32
        %dma_start3A_84 = tpu.memref_slice %arg8[%run_scoped3A, %dma_start3A_82, %dma_start3A_83] : memref<5x3x128xf32, #tpu.memory_space<hbm>> -> memref<1x3x128xf32, #tpu.memory_space<hbm>>
        %dma_start3A_85 = tpu.memref_squeeze %dma_start3A_84 : memref<1x3x128xf32, #tpu.memory_space<hbm>> -> memref<3x128xf32, #tpu.memory_space<hbm>>
        %dma_start3A_86 = arith.constant 0 : i32
        %dma_start3A_87 = arith.constant 0 : i32
        %dma_start3A_88 = tpu.memref_slice %arg8[%run_scoped3A, %dma_start3A_86, %dma_start3A_87] : memref<5x3x128xf32, #tpu.memory_space<hbm>> -> memref<1x3x128xf32, #tpu.memory_space<hbm>>
        %dma_start3A_89 = tpu.memref_squeeze %dma_start3A_88 : memref<1x3x128xf32, #tpu.memory_space<hbm>> -> memref<3x128xf32, #tpu.memory_space<hbm>>
        tpu.enqueue_dma source(%arg10 : memref<3x128xf32, #tpu.memory_space<vmem>>) target(%dma_start3A_89 : memref<3x128xf32, #tpu.memory_space<hbm>>) target_semaphore(%run_scoped3A_81 : memref<!tpu.dma_semaphore, #tpu.memory_space<semaphore_mem>>)
        %dma_wait3A_90 = arith.constant 0 : i32
        %dma_wait3A_91 = arith.constant 0 : i32
        %dma_wait3A_92 = tpu.memref_slice %arg8[%run_scoped3A, %dma_wait3A_90, %dma_wait3A_91] : memref<5x3x128xf32, #tpu.memory_space<hbm>> -> memref<1x3x128xf32, #tpu.memory_space<hbm>>
        %dma_wait3A_93 = tpu.memref_squeeze %dma_wait3A_92 : memref<1x3x128xf32, #tpu.memory_space<hbm>> -> memref<3x128xf32, #tpu.memory_space<hbm>>
        %dma_wait3A_94 = arith.constant 0 : i32
        %dma_wait3A_95 = arith.constant 0 : i32
        %dma_wait3A_96 = tpu.memref_slice %arg8[%run_scoped3A, %dma_wait3A_94, %dma_wait3A_95] : memref<5x3x128xf32, #tpu.memory_space<hbm>> -> memref<1x3x128xf32, #tpu.memory_space<hbm>>
        %dma_wait3A_97 = tpu.memref_squeeze %dma_wait3A_96 : memref<1x3x128xf32, #tpu.memory_space<hbm>> -> memref<3x128xf32, #tpu.memory_space<hbm>>
        tpu.wait_dma2 semaphore(%run_scoped3A_81 : memref<!tpu.dma_semaphore, #tpu.memory_space<semaphore_mem>>) src(%arg10 : memref<3x128xf32, #tpu.memory_space<vmem>>) dst(%dma_wait3A_97 : memref<3x128xf32, #tpu.memory_space<hbm>>)
        tpu.yield
      }) : () -> ()
    } else {
    }
    %eq3A_8 = arith.constant 2 : i32
    %eq3A_9 = arith.cmpi eq, %add3A, %eq3A_8 : i32
    %convert_element_type3A_10 = arith.extui %eq3A_9 : i1 to i32
    %cond3A_11 = arith.constant 0 : i32
    %cond3A_12 = arith.cmpi ne, %convert_element_type3A_10, %cond3A_11 : i32
    scf.if %cond3A_12 {
      "tpu.region"() ({
        %run_scoped3A_81 = tpu.sem_alloc : memref<!tpu.dma_semaphore, #tpu.memory_space<semaphore_mem>>
        tpu.enqueue_dma source(%arg7 : memref<3x128xi32, #tpu.memory_space<hbm>>) target(%arg9 : memref<3x128xi32, #tpu.memory_space<vmem>>) target_semaphore(%run_scoped3A_81 : memref<!tpu.dma_semaphore, #tpu.memory_space<semaphore_mem>>)
        tpu.wait_dma2 semaphore(%run_scoped3A_81 : memref<!tpu.dma_semaphore, #tpu.memory_space<semaphore_mem>>) src(%arg7 : memref<3x128xi32, #tpu.memory_space<hbm>>) dst(%arg9 : memref<3x128xi32, #tpu.memory_space<vmem>>)
        tpu.yield
      }) : () -> ()
      %dma_start3A = arith.constant 0 : i32
      %dma_start3A_23 = arith.constant 0 : i32
      %dma_start3A_24 = arith.constant 0 : i32
      %dma_start3A_25 = tpu.memref_slice %arg10[%dma_start3A_23, %dma_start3A_24] : memref<3x128xf32, #tpu.memory_space<vmem>> -> memref<1x128xf32, #tpu.memory_space<vmem>>
      %dma_start3A_26 = tpu.memref_squeeze %dma_start3A_25 : memref<1x128xf32, #tpu.memory_space<vmem>> -> memref<128xf32, #tpu.memory_space<vmem>>
      %dma_start3A_27 = arith.constant 0 : i32
      %dma_start3A_28 = tpu.memref_slice %arg9[%dma_start3A, %dma_start3A_27] : memref<3x128xi32, #tpu.memory_space<vmem>> -> memref<1x128xi32, #tpu.memory_space<vmem>>
      %dma_start3A_29 = tpu.memref_squeeze %dma_start3A_28 : memref<1x128xi32, #tpu.memory_space<vmem>> -> memref<128xi32, #tpu.memory_space<vmem>>
      %dma_start3A_30 = arith.constant 0 : i32
      %dma_start3A_31 = tpu.memref_slice %arg4[%dma_start3A_30] : memref<20480xf32, #tpu.memory_space<hbm>> -> memref<20480xf32, #tpu.memory_space<hbm>>
      tpu.enqueue_indirect_dma source(%dma_start3A_31 : memref<20480xf32, #tpu.memory_space<hbm>>) target(%dma_start3A_26 : memref<128xf32, #tpu.memory_space<vmem>>) offsets(%dma_start3A_29 : memref<128xi32, #tpu.memory_space<vmem>>) semaphore(%arg11 : memref<!tpu.dma_semaphore, #tpu.memory_space<semaphore_mem>>)
      %dma_wait3A = arith.constant 0 : i32
      %dma_wait3A_32 = arith.constant 0 : i32
      %dma_wait3A_33 = arith.constant 0 : i32
      %dma_wait3A_34 = tpu.memref_slice %arg10[%dma_wait3A_32, %dma_wait3A_33] : memref<3x128xf32, #tpu.memory_space<vmem>> -> memref<1x128xf32, #tpu.memory_space<vmem>>
      %dma_wait3A_35 = tpu.memref_squeeze %dma_wait3A_34 : memref<1x128xf32, #tpu.memory_space<vmem>> -> memref<128xf32, #tpu.memory_space<vmem>>
      %dma_wait3A_36 = arith.constant 0 : i32
      %dma_wait3A_37 = tpu.memref_slice %arg9[%dma_wait3A, %dma_wait3A_36] : memref<3x128xi32, #tpu.memory_space<vmem>> -> memref<1x128xi32, #tpu.memory_space<vmem>>
      %dma_wait3A_38 = tpu.memref_squeeze %dma_wait3A_37 : memref<1x128xi32, #tpu.memory_space<vmem>> -> memref<128xi32, #tpu.memory_space<vmem>>
      %dma_wait3A_39 = arith.constant 0 : i32
      %dma_wait3A_40 = tpu.memref_slice %arg4[%dma_wait3A_39] : memref<20480xf32, #tpu.memory_space<hbm>> -> memref<20480xf32, #tpu.memory_space<hbm>>
      tpu.wait_indirect_dma semaphore(%arg11 : memref<!tpu.dma_semaphore, #tpu.memory_space<semaphore_mem>>) src(%dma_wait3A_40 : memref<20480xf32, #tpu.memory_space<hbm>>) dst(%dma_wait3A_35 : memref<128xf32, #tpu.memory_space<vmem>>)
      %dma_start3A_41 = arith.constant 1 : i32
      %dma_start3A_42 = arith.constant 1 : i32
      %dma_start3A_43 = arith.constant 0 : i32
      %dma_start3A_44 = tpu.memref_slice %arg10[%dma_start3A_42, %dma_start3A_43] : memref<3x128xf32, #tpu.memory_space<vmem>> -> memref<1x128xf32, #tpu.memory_space<vmem>>
      %dma_start3A_45 = tpu.memref_squeeze %dma_start3A_44 : memref<1x128xf32, #tpu.memory_space<vmem>> -> memref<128xf32, #tpu.memory_space<vmem>>
      %dma_start3A_46 = arith.constant 0 : i32
      %dma_start3A_47 = tpu.memref_slice %arg9[%dma_start3A_41, %dma_start3A_46] : memref<3x128xi32, #tpu.memory_space<vmem>> -> memref<1x128xi32, #tpu.memory_space<vmem>>
      %dma_start3A_48 = tpu.memref_squeeze %dma_start3A_47 : memref<1x128xi32, #tpu.memory_space<vmem>> -> memref<128xi32, #tpu.memory_space<vmem>>
      %dma_start3A_49 = arith.constant 0 : i32
      %dma_start3A_50 = tpu.memref_slice %arg4[%dma_start3A_49] : memref<20480xf32, #tpu.memory_space<hbm>> -> memref<20480xf32, #tpu.memory_space<hbm>>
      tpu.enqueue_indirect_dma source(%dma_start3A_50 : memref<20480xf32, #tpu.memory_space<hbm>>) target(%dma_start3A_45 : memref<128xf32, #tpu.memory_space<vmem>>) offsets(%dma_start3A_48 : memref<128xi32, #tpu.memory_space<vmem>>) semaphore(%arg11 : memref<!tpu.dma_semaphore, #tpu.memory_space<semaphore_mem>>)
      %dma_wait3A_51 = arith.constant 1 : i32
      %dma_wait3A_52 = arith.constant 1 : i32
      %dma_wait3A_53 = arith.constant 0 : i32
      %dma_wait3A_54 = tpu.memref_slice %arg10[%dma_wait3A_52, %dma_wait3A_53] : memref<3x128xf32, #tpu.memory_space<vmem>> -> memref<1x128xf32, #tpu.memory_space<vmem>>
      %dma_wait3A_55 = tpu.memref_squeeze %dma_wait3A_54 : memref<1x128xf32, #tpu.memory_space<vmem>> -> memref<128xf32, #tpu.memory_space<vmem>>
      %dma_wait3A_56 = arith.constant 0 : i32
      %dma_wait3A_57 = tpu.memref_slice %arg9[%dma_wait3A_51, %dma_wait3A_56] : memref<3x128xi32, #tpu.memory_space<vmem>> -> memref<1x128xi32, #tpu.memory_space<vmem>>
      %dma_wait3A_58 = tpu.memref_squeeze %dma_wait3A_57 : memref<1x128xi32, #tpu.memory_space<vmem>> -> memref<128xi32, #tpu.memory_space<vmem>>
      %dma_wait3A_59 = arith.constant 0 : i32
      %dma_wait3A_60 = tpu.memref_slice %arg4[%dma_wait3A_59] : memref<20480xf32, #tpu.memory_space<hbm>> -> memref<20480xf32, #tpu.memory_space<hbm>>
      tpu.wait_indirect_dma semaphore(%arg11 : memref<!tpu.dma_semaphore, #tpu.memory_space<semaphore_mem>>) src(%dma_wait3A_60 : memref<20480xf32, #tpu.memory_space<hbm>>) dst(%dma_wait3A_55 : memref<128xf32, #tpu.memory_space<vmem>>)
      %dma_start3A_61 = arith.constant 2 : i32
      %dma_start3A_62 = arith.constant 2 : i32
      %dma_start3A_63 = arith.constant 0 : i32
      %dma_start3A_64 = tpu.memref_slice %arg10[%dma_start3A_62, %dma_start3A_63] : memref<3x128xf32, #tpu.memory_space<vmem>> -> memref<1x128xf32, #tpu.memory_space<vmem>>
      %dma_start3A_65 = tpu.memref_squeeze %dma_start3A_64 : memref<1x128xf32, #tpu.memory_space<vmem>> -> memref<128xf32, #tpu.memory_space<vmem>>
      %dma_start3A_66 = arith.constant 0 : i32
      %dma_start3A_67 = tpu.memref_slice %arg9[%dma_start3A_61, %dma_start3A_66] : memref<3x128xi32, #tpu.memory_space<vmem>> -> memref<1x128xi32, #tpu.memory_space<vmem>>
      %dma_start3A_68 = tpu.memref_squeeze %dma_start3A_67 : memref<1x128xi32, #tpu.memory_space<vmem>> -> memref<128xi32, #tpu.memory_space<vmem>>
      %dma_start3A_69 = arith.constant 0 : i32
      %dma_start3A_70 = tpu.memref_slice %arg4[%dma_start3A_69] : memref<20480xf32, #tpu.memory_space<hbm>> -> memref<20480xf32, #tpu.memory_space<hbm>>
      tpu.enqueue_indirect_dma source(%dma_start3A_70 : memref<20480xf32, #tpu.memory_space<hbm>>) target(%dma_start3A_65 : memref<128xf32, #tpu.memory_space<vmem>>) offsets(%dma_start3A_68 : memref<128xi32, #tpu.memory_space<vmem>>) semaphore(%arg11 : memref<!tpu.dma_semaphore, #tpu.memory_space<semaphore_mem>>)
      %dma_wait3A_71 = arith.constant 2 : i32
      %dma_wait3A_72 = arith.constant 2 : i32
      %dma_wait3A_73 = arith.constant 0 : i32
      %dma_wait3A_74 = tpu.memref_slice %arg10[%dma_wait3A_72, %dma_wait3A_73] : memref<3x128xf32, #tpu.memory_space<vmem>> -> memref<1x128xf32, #tpu.memory_space<vmem>>
      %dma_wait3A_75 = tpu.memref_squeeze %dma_wait3A_74 : memref<1x128xf32, #tpu.memory_space<vmem>> -> memref<128xf32, #tpu.memory_space<vmem>>
      %dma_wait3A_76 = arith.constant 0 : i32
      %dma_wait3A_77 = tpu.memref_slice %arg9[%dma_wait3A_71, %dma_wait3A_76] : memref<3x128xi32, #tpu.memory_space<vmem>> -> memref<1x128xi32, #tpu.memory_space<vmem>>
      %dma_wait3A_78 = tpu.memref_squeeze %dma_wait3A_77 : memref<1x128xi32, #tpu.memory_space<vmem>> -> memref<128xi32, #tpu.memory_space<vmem>>
      %dma_wait3A_79 = arith.constant 0 : i32
      %dma_wait3A_80 = tpu.memref_slice %arg4[%dma_wait3A_79] : memref<20480xf32, #tpu.memory_space<hbm>> -> memref<20480xf32, #tpu.memory_space<hbm>>
      tpu.wait_indirect_dma semaphore(%arg11 : memref<!tpu.dma_semaphore, #tpu.memory_space<semaphore_mem>>) src(%dma_wait3A_80 : memref<20480xf32, #tpu.memory_space<hbm>>) dst(%dma_wait3A_75 : memref<128xf32, #tpu.memory_space<vmem>>)
      %run_scoped3A = arith.constant 2 : i32
      "tpu.region"() ({
        %run_scoped3A_81 = tpu.sem_alloc : memref<!tpu.dma_semaphore, #tpu.memory_space<semaphore_mem>>
        %dma_start3A_82 = arith.constant 0 : i32
        %dma_start3A_83 = arith.constant 0 : i32
        %dma_start3A_84 = tpu.memref_slice %arg8[%run_scoped3A, %dma_start3A_82, %dma_start3A_83] : memref<5x3x128xf32, #tpu.memory_space<hbm>> -> memref<1x3x128xf32, #tpu.memory_space<hbm>>
        %dma_start3A_85 = tpu.memref_squeeze %dma_start3A_84 : memref<1x3x128xf32, #tpu.memory_space<hbm>> -> memref<3x128xf32, #tpu.memory_space<hbm>>
        %dma_start3A_86 = arith.constant 0 : i32
        %dma_start3A_87 = arith.constant 0 : i32
        %dma_start3A_88 = tpu.memref_slice %arg8[%run_scoped3A, %dma_start3A_86, %dma_start3A_87] : memref<5x3x128xf32, #tpu.memory_space<hbm>> -> memref<1x3x128xf32, #tpu.memory_space<hbm>>
        %dma_start3A_89 = tpu.memref_squeeze %dma_start3A_88 : memref<1x3x128xf32, #tpu.memory_space<hbm>> -> memref<3x128xf32, #tpu.memory_space<hbm>>
        tpu.enqueue_dma source(%arg10 : memref<3x128xf32, #tpu.memory_space<vmem>>) target(%dma_start3A_89 : memref<3x128xf32, #tpu.memory_space<hbm>>) target_semaphore(%run_scoped3A_81 : memref<!tpu.dma_semaphore, #tpu.memory_space<semaphore_mem>>)
        %dma_wait3A_90 = arith.constant 0 : i32
        %dma_wait3A_91 = arith.constant 0 : i32
        %dma_wait3A_92 = tpu.memref_slice %arg8[%run_scoped3A, %dma_wait3A_90, %dma_wait3A_91] : memref<5x3x128xf32, #tpu.memory_space<hbm>> -> memref<1x3x128xf32, #tpu.memory_space<hbm>>
        %dma_wait3A_93 = tpu.memref_squeeze %dma_wait3A_92 : memref<1x3x128xf32, #tpu.memory_space<hbm>> -> memref<3x128xf32, #tpu.memory_space<hbm>>
        %dma_wait3A_94 = arith.constant 0 : i32
        %dma_wait3A_95 = arith.constant 0 : i32
        %dma_wait3A_96 = tpu.memref_slice %arg8[%run_scoped3A, %dma_wait3A_94, %dma_wait3A_95] : memref<5x3x128xf32, #tpu.memory_space<hbm>> -> memref<1x3x128xf32, #tpu.memory_space<hbm>>
        %dma_wait3A_97 = tpu.memref_squeeze %dma_wait3A_96 : memref<1x3x128xf32, #tpu.memory_space<hbm>> -> memref<3x128xf32, #tpu.memory_space<hbm>>
        tpu.wait_dma2 semaphore(%run_scoped3A_81 : memref<!tpu.dma_semaphore, #tpu.memory_space<semaphore_mem>>) src(%arg10 : memref<3x128xf32, #tpu.memory_space<vmem>>) dst(%dma_wait3A_97 : memref<3x128xf32, #tpu.memory_space<hbm>>)
        tpu.yield
      }) : () -> ()
    } else {
    }
    %eq3A_13 = arith.constant 3 : i32
    %eq3A_14 = arith.cmpi eq, %add3A, %eq3A_13 : i32
    %convert_element_type3A_15 = arith.extui %eq3A_14 : i1 to i32
    %cond3A_16 = arith.constant 0 : i32
    %cond3A_17 = arith.cmpi ne, %convert_element_type3A_15, %cond3A_16 : i32
    scf.if %cond3A_17 {
      "tpu.region"() ({
        %run_scoped3A_81 = tpu.sem_alloc : memref<!tpu.dma_semaphore, #tpu.memory_space<semaphore_mem>>
        tpu.enqueue_dma source(%arg7 : memref<3x128xi32, #tpu.memory_space<hbm>>) target(%arg9 : memref<3x128xi32, #tpu.memory_space<vmem>>) target_semaphore(%run_scoped3A_81 : memref<!tpu.dma_semaphore, #tpu.memory_space<semaphore_mem>>)
        tpu.wait_dma2 semaphore(%run_scoped3A_81 : memref<!tpu.dma_semaphore, #tpu.memory_space<semaphore_mem>>) src(%arg7 : memref<3x128xi32, #tpu.memory_space<hbm>>) dst(%arg9 : memref<3x128xi32, #tpu.memory_space<vmem>>)
        tpu.yield
      }) : () -> ()
      %dma_start3A = arith.constant 0 : i32
      %dma_start3A_23 = arith.constant 0 : i32
      %dma_start3A_24 = arith.constant 0 : i32
      %dma_start3A_25 = tpu.memref_slice %arg10[%dma_start3A_23, %dma_start3A_24] : memref<3x128xf32, #tpu.memory_space<vmem>> -> memref<1x128xf32, #tpu.memory_space<vmem>>
      %dma_start3A_26 = tpu.memref_squeeze %dma_start3A_25 : memref<1x128xf32, #tpu.memory_space<vmem>> -> memref<128xf32, #tpu.memory_space<vmem>>
      %dma_start3A_27 = arith.constant 0 : i32
      %dma_start3A_28 = tpu.memref_slice %arg9[%dma_start3A, %dma_start3A_27] : memref<3x128xi32, #tpu.memory_space<vmem>> -> memref<1x128xi32, #tpu.memory_space<vmem>>
      %dma_start3A_29 = tpu.memref_squeeze %dma_start3A_28 : memref<1x128xi32, #tpu.memory_space<vmem>> -> memref<128xi32, #tpu.memory_space<vmem>>
      %dma_start3A_30 = arith.constant 0 : i32
      %dma_start3A_31 = tpu.memref_slice %arg5[%dma_start3A_30] : memref<20480xf32, #tpu.memory_space<hbm>> -> memref<20480xf32, #tpu.memory_space<hbm>>
      tpu.enqueue_indirect_dma source(%dma_start3A_31 : memref<20480xf32, #tpu.memory_space<hbm>>) target(%dma_start3A_26 : memref<128xf32, #tpu.memory_space<vmem>>) offsets(%dma_start3A_29 : memref<128xi32, #tpu.memory_space<vmem>>) semaphore(%arg11 : memref<!tpu.dma_semaphore, #tpu.memory_space<semaphore_mem>>)
      %dma_wait3A = arith.constant 0 : i32
      %dma_wait3A_32 = arith.constant 0 : i32
      %dma_wait3A_33 = arith.constant 0 : i32
      %dma_wait3A_34 = tpu.memref_slice %arg10[%dma_wait3A_32, %dma_wait3A_33] : memref<3x128xf32, #tpu.memory_space<vmem>> -> memref<1x128xf32, #tpu.memory_space<vmem>>
      %dma_wait3A_35 = tpu.memref_squeeze %dma_wait3A_34 : memref<1x128xf32, #tpu.memory_space<vmem>> -> memref<128xf32, #tpu.memory_space<vmem>>
      %dma_wait3A_36 = arith.constant 0 : i32
      %dma_wait3A_37 = tpu.memref_slice %arg9[%dma_wait3A, %dma_wait3A_36] : memref<3x128xi32, #tpu.memory_space<vmem>> -> memref<1x128xi32, #tpu.memory_space<vmem>>
      %dma_wait3A_38 = tpu.memref_squeeze %dma_wait3A_37 : memref<1x128xi32, #tpu.memory_space<vmem>> -> memref<128xi32, #tpu.memory_space<vmem>>
      %dma_wait3A_39 = arith.constant 0 : i32
      %dma_wait3A_40 = tpu.memref_slice %arg5[%dma_wait3A_39] : memref<20480xf32, #tpu.memory_space<hbm>> -> memref<20480xf32, #tpu.memory_space<hbm>>
      tpu.wait_indirect_dma semaphore(%arg11 : memref<!tpu.dma_semaphore, #tpu.memory_space<semaphore_mem>>) src(%dma_wait3A_40 : memref<20480xf32, #tpu.memory_space<hbm>>) dst(%dma_wait3A_35 : memref<128xf32, #tpu.memory_space<vmem>>)
      %dma_start3A_41 = arith.constant 1 : i32
      %dma_start3A_42 = arith.constant 1 : i32
      %dma_start3A_43 = arith.constant 0 : i32
      %dma_start3A_44 = tpu.memref_slice %arg10[%dma_start3A_42, %dma_start3A_43] : memref<3x128xf32, #tpu.memory_space<vmem>> -> memref<1x128xf32, #tpu.memory_space<vmem>>
      %dma_start3A_45 = tpu.memref_squeeze %dma_start3A_44 : memref<1x128xf32, #tpu.memory_space<vmem>> -> memref<128xf32, #tpu.memory_space<vmem>>
      %dma_start3A_46 = arith.constant 0 : i32
      %dma_start3A_47 = tpu.memref_slice %arg9[%dma_start3A_41, %dma_start3A_46] : memref<3x128xi32, #tpu.memory_space<vmem>> -> memref<1x128xi32, #tpu.memory_space<vmem>>
      %dma_start3A_48 = tpu.memref_squeeze %dma_start3A_47 : memref<1x128xi32, #tpu.memory_space<vmem>> -> memref<128xi32, #tpu.memory_space<vmem>>
      %dma_start3A_49 = arith.constant 0 : i32
      %dma_start3A_50 = tpu.memref_slice %arg5[%dma_start3A_49] : memref<20480xf32, #tpu.memory_space<hbm>> -> memref<20480xf32, #tpu.memory_space<hbm>>
      tpu.enqueue_indirect_dma source(%dma_start3A_50 : memref<20480xf32, #tpu.memory_space<hbm>>) target(%dma_start3A_45 : memref<128xf32, #tpu.memory_space<vmem>>) offsets(%dma_start3A_48 : memref<128xi32, #tpu.memory_space<vmem>>) semaphore(%arg11 : memref<!tpu.dma_semaphore, #tpu.memory_space<semaphore_mem>>)
      %dma_wait3A_51 = arith.constant 1 : i32
      %dma_wait3A_52 = arith.constant 1 : i32
      %dma_wait3A_53 = arith.constant 0 : i32
      %dma_wait3A_54 = tpu.memref_slice %arg10[%dma_wait3A_52, %dma_wait3A_53] : memref<3x128xf32, #tpu.memory_space<vmem>> -> memref<1x128xf32, #tpu.memory_space<vmem>>
      %dma_wait3A_55 = tpu.memref_squeeze %dma_wait3A_54 : memref<1x128xf32, #tpu.memory_space<vmem>> -> memref<128xf32, #tpu.memory_space<vmem>>
      %dma_wait3A_56 = arith.constant 0 : i32
      %dma_wait3A_57 = tpu.memref_slice %arg9[%dma_wait3A_51, %dma_wait3A_56] : memref<3x128xi32, #tpu.memory_space<vmem>> -> memref<1x128xi32, #tpu.memory_space<vmem>>
      %dma_wait3A_58 = tpu.memref_squeeze %dma_wait3A_57 : memref<1x128xi32, #tpu.memory_space<vmem>> -> memref<128xi32, #tpu.memory_space<vmem>>
      %dma_wait3A_59 = arith.constant 0 : i32
      %dma_wait3A_60 = tpu.memref_slice %arg5[%dma_wait3A_59] : memref<20480xf32, #tpu.memory_space<hbm>> -> memref<20480xf32, #tpu.memory_space<hbm>>
      tpu.wait_indirect_dma semaphore(%arg11 : memref<!tpu.dma_semaphore, #tpu.memory_space<semaphore_mem>>) src(%dma_wait3A_60 : memref<20480xf32, #tpu.memory_space<hbm>>) dst(%dma_wait3A_55 : memref<128xf32, #tpu.memory_space<vmem>>)
      %dma_start3A_61 = arith.constant 2 : i32
      %dma_start3A_62 = arith.constant 2 : i32
      %dma_start3A_63 = arith.constant 0 : i32
      %dma_start3A_64 = tpu.memref_slice %arg10[%dma_start3A_62, %dma_start3A_63] : memref<3x128xf32, #tpu.memory_space<vmem>> -> memref<1x128xf32, #tpu.memory_space<vmem>>
      %dma_start3A_65 = tpu.memref_squeeze %dma_start3A_64 : memref<1x128xf32, #tpu.memory_space<vmem>> -> memref<128xf32, #tpu.memory_space<vmem>>
      %dma_start3A_66 = arith.constant 0 : i32
      %dma_start3A_67 = tpu.memref_slice %arg9[%dma_start3A_61, %dma_start3A_66] : memref<3x128xi32, #tpu.memory_space<vmem>> -> memref<1x128xi32, #tpu.memory_space<vmem>>
      %dma_start3A_68 = tpu.memref_squeeze %dma_start3A_67 : memref<1x128xi32, #tpu.memory_space<vmem>> -> memref<128xi32, #tpu.memory_space<vmem>>
      %dma_start3A_69 = arith.constant 0 : i32
      %dma_start3A_70 = tpu.memref_slice %arg5[%dma_start3A_69] : memref<20480xf32, #tpu.memory_space<hbm>> -> memref<20480xf32, #tpu.memory_space<hbm>>
      tpu.enqueue_indirect_dma source(%dma_start3A_70 : memref<20480xf32, #tpu.memory_space<hbm>>) target(%dma_start3A_65 : memref<128xf32, #tpu.memory_space<vmem>>) offsets(%dma_start3A_68 : memref<128xi32, #tpu.memory_space<vmem>>) semaphore(%arg11 : memref<!tpu.dma_semaphore, #tpu.memory_space<semaphore_mem>>)
      %dma_wait3A_71 = arith.constant 2 : i32
      %dma_wait3A_72 = arith.constant 2 : i32
      %dma_wait3A_73 = arith.constant 0 : i32
      %dma_wait3A_74 = tpu.memref_slice %arg10[%dma_wait3A_72, %dma_wait3A_73] : memref<3x128xf32, #tpu.memory_space<vmem>> -> memref<1x128xf32, #tpu.memory_space<vmem>>
      %dma_wait3A_75 = tpu.memref_squeeze %dma_wait3A_74 : memref<1x128xf32, #tpu.memory_space<vmem>> -> memref<128xf32, #tpu.memory_space<vmem>>
      %dma_wait3A_76 = arith.constant 0 : i32
      %dma_wait3A_77 = tpu.memref_slice %arg9[%dma_wait3A_71, %dma_wait3A_76] : memref<3x128xi32, #tpu.memory_space<vmem>> -> memref<1x128xi32, #tpu.memory_space<vmem>>
      %dma_wait3A_78 = tpu.memref_squeeze %dma_wait3A_77 : memref<1x128xi32, #tpu.memory_space<vmem>> -> memref<128xi32, #tpu.memory_space<vmem>>
      %dma_wait3A_79 = arith.constant 0 : i32
      %dma_wait3A_80 = tpu.memref_slice %arg5[%dma_wait3A_79] : memref<20480xf32, #tpu.memory_space<hbm>> -> memref<20480xf32, #tpu.memory_space<hbm>>
      tpu.wait_indirect_dma semaphore(%arg11 : memref<!tpu.dma_semaphore, #tpu.memory_space<semaphore_mem>>) src(%dma_wait3A_80 : memref<20480xf32, #tpu.memory_space<hbm>>) dst(%dma_wait3A_75 : memref<128xf32, #tpu.memory_space<vmem>>)
      %run_scoped3A = arith.constant 3 : i32
      "tpu.region"() ({
        %run_scoped3A_81 = tpu.sem_alloc : memref<!tpu.dma_semaphore, #tpu.memory_space<semaphore_mem>>
        %dma_start3A_82 = arith.constant 0 : i32
        %dma_start3A_83 = arith.constant 0 : i32
        %dma_start3A_84 = tpu.memref_slice %arg8[%run_scoped3A, %dma_start3A_82, %dma_start3A_83] : memref<5x3x128xf32, #tpu.memory_space<hbm>> -> memref<1x3x128xf32, #tpu.memory_space<hbm>>
        %dma_start3A_85 = tpu.memref_squeeze %dma_start3A_84 : memref<1x3x128xf32, #tpu.memory_space<hbm>> -> memref<3x128xf32, #tpu.memory_space<hbm>>
        %dma_start3A_86 = arith.constant 0 : i32
        %dma_start3A_87 = arith.constant 0 : i32
        %dma_start3A_88 = tpu.memref_slice %arg8[%run_scoped3A, %dma_start3A_86, %dma_start3A_87] : memref<5x3x128xf32, #tpu.memory_space<hbm>> -> memref<1x3x128xf32, #tpu.memory_space<hbm>>
        %dma_start3A_89 = tpu.memref_squeeze %dma_start3A_88 : memref<1x3x128xf32, #tpu.memory_space<hbm>> -> memref<3x128xf32, #tpu.memory_space<hbm>>
        tpu.enqueue_dma source(%arg10 : memref<3x128xf32, #tpu.memory_space<vmem>>) target(%dma_start3A_89 : memref<3x128xf32, #tpu.memory_space<hbm>>) target_semaphore(%run_scoped3A_81 : memref<!tpu.dma_semaphore, #tpu.memory_space<semaphore_mem>>)
        %dma_wait3A_90 = arith.constant 0 : i32
        %dma_wait3A_91 = arith.constant 0 : i32
        %dma_wait3A_92 = tpu.memref_slice %arg8[%run_scoped3A, %dma_wait3A_90, %dma_wait3A_91] : memref<5x3x128xf32, #tpu.memory_space<hbm>> -> memref<1x3x128xf32, #tpu.memory_space<hbm>>
        %dma_wait3A_93 = tpu.memref_squeeze %dma_wait3A_92 : memref<1x3x128xf32, #tpu.memory_space<hbm>> -> memref<3x128xf32, #tpu.memory_space<hbm>>
        %dma_wait3A_94 = arith.constant 0 : i32
        %dma_wait3A_95 = arith.constant 0 : i32
        %dma_wait3A_96 = tpu.memref_slice %arg8[%run_scoped3A, %dma_wait3A_94, %dma_wait3A_95] : memref<5x3x128xf32, #tpu.memory_space<hbm>> -> memref<1x3x128xf32, #tpu.memory_space<hbm>>
        %dma_wait3A_97 = tpu.memref_squeeze %dma_wait3A_96 : memref<1x3x128xf32, #tpu.memory_space<hbm>> -> memref<3x128xf32, #tpu.memory_space<hbm>>
        tpu.wait_dma2 semaphore(%run_scoped3A_81 : memref<!tpu.dma_semaphore, #tpu.memory_space<semaphore_mem>>) src(%arg10 : memref<3x128xf32, #tpu.memory_space<vmem>>) dst(%dma_wait3A_97 : memref<3x128xf32, #tpu.memory_space<hbm>>)
        tpu.yield
      }) : () -> ()
    } else {
    }
    %eq3A_18 = arith.constant 4 : i32
    %eq3A_19 = arith.cmpi eq, %add3A, %eq3A_18 : i32
    %convert_element_type3A_20 = arith.extui %eq3A_19 : i1 to i32
    %cond3A_21 = arith.constant 0 : i32
    %cond3A_22 = arith.cmpi ne, %convert_element_type3A_20, %cond3A_21 : i32
    scf.if %cond3A_22 {
      "tpu.region"() ({
        %run_scoped3A_81 = tpu.sem_alloc : memref<!tpu.dma_semaphore, #tpu.memory_space<semaphore_mem>>
        tpu.enqueue_dma source(%arg7 : memref<3x128xi32, #tpu.memory_space<hbm>>) target(%arg9 : memref<3x128xi32, #tpu.memory_space<vmem>>) target_semaphore(%run_scoped3A_81 : memref<!tpu.dma_semaphore, #tpu.memory_space<semaphore_mem>>)
        tpu.wait_dma2 semaphore(%run_scoped3A_81 : memref<!tpu.dma_semaphore, #tpu.memory_space<semaphore_mem>>) src(%arg7 : memref<3x128xi32, #tpu.memory_space<hbm>>) dst(%arg9 : memref<3x128xi32, #tpu.memory_space<vmem>>)
        tpu.yield
      }) : () -> ()
      %dma_start3A = arith.constant 0 : i32
      %dma_start3A_23 = arith.constant 0 : i32
      %dma_start3A_24 = arith.constant 0 : i32
      %dma_start3A_25 = tpu.memref_slice %arg10[%dma_start3A_23, %dma_start3A_24] : memref<3x128xf32, #tpu.memory_space<vmem>> -> memref<1x128xf32, #tpu.memory_space<vmem>>
      %dma_start3A_26 = tpu.memref_squeeze %dma_start3A_25 : memref<1x128xf32, #tpu.memory_space<vmem>> -> memref<128xf32, #tpu.memory_space<vmem>>
      %dma_start3A_27 = arith.constant 0 : i32
      %dma_start3A_28 = tpu.memref_slice %arg9[%dma_start3A, %dma_start3A_27] : memref<3x128xi32, #tpu.memory_space<vmem>> -> memref<1x128xi32, #tpu.memory_space<vmem>>
      %dma_start3A_29 = tpu.memref_squeeze %dma_start3A_28 : memref<1x128xi32, #tpu.memory_space<vmem>> -> memref<128xi32, #tpu.memory_space<vmem>>
      %dma_start3A_30 = arith.constant 0 : i32
      %dma_start3A_31 = tpu.memref_slice %arg6[%dma_start3A_30] : memref<20480xf32, #tpu.memory_space<hbm>> -> memref<20480xf32, #tpu.memory_space<hbm>>
      tpu.enqueue_indirect_dma source(%dma_start3A_31 : memref<20480xf32, #tpu.memory_space<hbm>>) target(%dma_start3A_26 : memref<128xf32, #tpu.memory_space<vmem>>) offsets(%dma_start3A_29 : memref<128xi32, #tpu.memory_space<vmem>>) semaphore(%arg11 : memref<!tpu.dma_semaphore, #tpu.memory_space<semaphore_mem>>)
      %dma_wait3A = arith.constant 0 : i32
      %dma_wait3A_32 = arith.constant 0 : i32
      %dma_wait3A_33 = arith.constant 0 : i32
      %dma_wait3A_34 = tpu.memref_slice %arg10[%dma_wait3A_32, %dma_wait3A_33] : memref<3x128xf32, #tpu.memory_space<vmem>> -> memref<1x128xf32, #tpu.memory_space<vmem>>
      %dma_wait3A_35 = tpu.memref_squeeze %dma_wait3A_34 : memref<1x128xf32, #tpu.memory_space<vmem>> -> memref<128xf32, #tpu.memory_space<vmem>>
      %dma_wait3A_36 = arith.constant 0 : i32
      %dma_wait3A_37 = tpu.memref_slice %arg9[%dma_wait3A, %dma_wait3A_36] : memref<3x128xi32, #tpu.memory_space<vmem>> -> memref<1x128xi32, #tpu.memory_space<vmem>>
      %dma_wait3A_38 = tpu.memref_squeeze %dma_wait3A_37 : memref<1x128xi32, #tpu.memory_space<vmem>> -> memref<128xi32, #tpu.memory_space<vmem>>
      %dma_wait3A_39 = arith.constant 0 : i32
      %dma_wait3A_40 = tpu.memref_slice %arg6[%dma_wait3A_39] : memref<20480xf32, #tpu.memory_space<hbm>> -> memref<20480xf32, #tpu.memory_space<hbm>>
      tpu.wait_indirect_dma semaphore(%arg11 : memref<!tpu.dma_semaphore, #tpu.memory_space<semaphore_mem>>) src(%dma_wait3A_40 : memref<20480xf32, #tpu.memory_space<hbm>>) dst(%dma_wait3A_35 : memref<128xf32, #tpu.memory_space<vmem>>)
      %dma_start3A_41 = arith.constant 1 : i32
      %dma_start3A_42 = arith.constant 1 : i32
      %dma_start3A_43 = arith.constant 0 : i32
      %dma_start3A_44 = tpu.memref_slice %arg10[%dma_start3A_42, %dma_start3A_43] : memref<3x128xf32, #tpu.memory_space<vmem>> -> memref<1x128xf32, #tpu.memory_space<vmem>>
      %dma_start3A_45 = tpu.memref_squeeze %dma_start3A_44 : memref<1x128xf32, #tpu.memory_space<vmem>> -> memref<128xf32, #tpu.memory_space<vmem>>
      %dma_start3A_46 = arith.constant 0 : i32
      %dma_start3A_47 = tpu.memref_slice %arg9[%dma_start3A_41, %dma_start3A_46] : memref<3x128xi32, #tpu.memory_space<vmem>> -> memref<1x128xi32, #tpu.memory_space<vmem>>
      %dma_start3A_48 = tpu.memref_squeeze %dma_start3A_47 : memref<1x128xi32, #tpu.memory_space<vmem>> -> memref<128xi32, #tpu.memory_space<vmem>>
      %dma_start3A_49 = arith.constant 0 : i32
      %dma_start3A_50 = tpu.memref_slice %arg6[%dma_start3A_49] : memref<20480xf32, #tpu.memory_space<hbm>> -> memref<20480xf32, #tpu.memory_space<hbm>>
      tpu.enqueue_indirect_dma source(%dma_start3A_50 : memref<20480xf32, #tpu.memory_space<hbm>>) target(%dma_start3A_45 : memref<128xf32, #tpu.memory_space<vmem>>) offsets(%dma_start3A_48 : memref<128xi32, #tpu.memory_space<vmem>>) semaphore(%arg11 : memref<!tpu.dma_semaphore, #tpu.memory_space<semaphore_mem>>)
      %dma_wait3A_51 = arith.constant 1 : i32
      %dma_wait3A_52 = arith.constant 1 : i32
      %dma_wait3A_53 = arith.constant 0 : i32
      %dma_wait3A_54 = tpu.memref_slice %arg10[%dma_wait3A_52, %dma_wait3A_53] : memref<3x128xf32, #tpu.memory_space<vmem>> -> memref<1x128xf32, #tpu.memory_space<vmem>>
      %dma_wait3A_55 = tpu.memref_squeeze %dma_wait3A_54 : memref<1x128xf32, #tpu.memory_space<vmem>> -> memref<128xf32, #tpu.memory_space<vmem>>
      %dma_wait3A_56 = arith.constant 0 : i32
      %dma_wait3A_57 = tpu.memref_slice %arg9[%dma_wait3A_51, %dma_wait3A_56] : memref<3x128xi32, #tpu.memory_space<vmem>> -> memref<1x128xi32, #tpu.memory_space<vmem>>
      %dma_wait3A_58 = tpu.memref_squeeze %dma_wait3A_57 : memref<1x128xi32, #tpu.memory_space<vmem>> -> memref<128xi32, #tpu.memory_space<vmem>>
      %dma_wait3A_59 = arith.constant 0 : i32
      %dma_wait3A_60 = tpu.memref_slice %arg6[%dma_wait3A_59] : memref<20480xf32, #tpu.memory_space<hbm>> -> memref<20480xf32, #tpu.memory_space<hbm>>
      tpu.wait_indirect_dma semaphore(%arg11 : memref<!tpu.dma_semaphore, #tpu.memory_space<semaphore_mem>>) src(%dma_wait3A_60 : memref<20480xf32, #tpu.memory_space<hbm>>) dst(%dma_wait3A_55 : memref<128xf32, #tpu.memory_space<vmem>>)
      %dma_start3A_61 = arith.constant 2 : i32
      %dma_start3A_62 = arith.constant 2 : i32
      %dma_start3A_63 = arith.constant 0 : i32
      %dma_start3A_64 = tpu.memref_slice %arg10[%dma_start3A_62, %dma_start3A_63] : memref<3x128xf32, #tpu.memory_space<vmem>> -> memref<1x128xf32, #tpu.memory_space<vmem>>
      %dma_start3A_65 = tpu.memref_squeeze %dma_start3A_64 : memref<1x128xf32, #tpu.memory_space<vmem>> -> memref<128xf32, #tpu.memory_space<vmem>>
      %dma_start3A_66 = arith.constant 0 : i32
      %dma_start3A_67 = tpu.memref_slice %arg9[%dma_start3A_61, %dma_start3A_66] : memref<3x128xi32, #tpu.memory_space<vmem>> -> memref<1x128xi32, #tpu.memory_space<vmem>>
      %dma_start3A_68 = tpu.memref_squeeze %dma_start3A_67 : memref<1x128xi32, #tpu.memory_space<vmem>> -> memref<128xi32, #tpu.memory_space<vmem>>
      %dma_start3A_69 = arith.constant 0 : i32
      %dma_start3A_70 = tpu.memref_slice %arg6[%dma_start3A_69] : memref<20480xf32, #tpu.memory_space<hbm>> -> memref<20480xf32, #tpu.memory_space<hbm>>
      tpu.enqueue_indirect_dma source(%dma_start3A_70 : memref<20480xf32, #tpu.memory_space<hbm>>) target(%dma_start3A_65 : memref<128xf32, #tpu.memory_space<vmem>>) offsets(%dma_start3A_68 : memref<128xi32, #tpu.memory_space<vmem>>) semaphore(%arg11 : memref<!tpu.dma_semaphore, #tpu.memory_space<semaphore_mem>>)
      %dma_wait3A_71 = arith.constant 2 : i32
      %dma_wait3A_72 = arith.constant 2 : i32
      %dma_wait3A_73 = arith.constant 0 : i32
      %dma_wait3A_74 = tpu.memref_slice %arg10[%dma_wait3A_72, %dma_wait3A_73] : memref<3x128xf32, #tpu.memory_space<vmem>> -> memref<1x128xf32, #tpu.memory_space<vmem>>
      %dma_wait3A_75 = tpu.memref_squeeze %dma_wait3A_74 : memref<1x128xf32, #tpu.memory_space<vmem>> -> memref<128xf32, #tpu.memory_space<vmem>>
      %dma_wait3A_76 = arith.constant 0 : i32
      %dma_wait3A_77 = tpu.memref_slice %arg9[%dma_wait3A_71, %dma_wait3A_76] : memref<3x128xi32, #tpu.memory_space<vmem>> -> memref<1x128xi32, #tpu.memory_space<vmem>>
      %dma_wait3A_78 = tpu.memref_squeeze %dma_wait3A_77 : memref<1x128xi32, #tpu.memory_space<vmem>> -> memref<128xi32, #tpu.memory_space<vmem>>
      %dma_wait3A_79 = arith.constant 0 : i32
      %dma_wait3A_80 = tpu.memref_slice %arg6[%dma_wait3A_79] : memref<20480xf32, #tpu.memory_space<hbm>> -> memref<20480xf32, #tpu.memory_space<hbm>>
      tpu.wait_indirect_dma semaphore(%arg11 : memref<!tpu.dma_semaphore, #tpu.memory_space<semaphore_mem>>) src(%dma_wait3A_80 : memref<20480xf32, #tpu.memory_space<hbm>>) dst(%dma_wait3A_75 : memref<128xf32, #tpu.memory_space<vmem>>)
      %run_scoped3A = arith.constant 4 : i32
      "tpu.region"() ({
        %run_scoped3A_81 = tpu.sem_alloc : memref<!tpu.dma_semaphore, #tpu.memory_space<semaphore_mem>>
        %dma_start3A_82 = arith.constant 0 : i32
        %dma_start3A_83 = arith.constant 0 : i32
        %dma_start3A_84 = tpu.memref_slice %arg8[%run_scoped3A, %dma_start3A_82, %dma_start3A_83] : memref<5x3x128xf32, #tpu.memory_space<hbm>> -> memref<1x3x128xf32, #tpu.memory_space<hbm>>
        %dma_start3A_85 = tpu.memref_squeeze %dma_start3A_84 : memref<1x3x128xf32, #tpu.memory_space<hbm>> -> memref<3x128xf32, #tpu.memory_space<hbm>>
        %dma_start3A_86 = arith.constant 0 : i32
        %dma_start3A_87 = arith.constant 0 : i32
        %dma_start3A_88 = tpu.memref_slice %arg8[%run_scoped3A, %dma_start3A_86, %dma_start3A_87] : memref<5x3x128xf32, #tpu.memory_space<hbm>> -> memref<1x3x128xf32, #tpu.memory_space<hbm>>
        %dma_start3A_89 = tpu.memref_squeeze %dma_start3A_88 : memref<1x3x128xf32, #tpu.memory_space<hbm>> -> memref<3x128xf32, #tpu.memory_space<hbm>>
        tpu.enqueue_dma source(%arg10 : memref<3x128xf32, #tpu.memory_space<vmem>>) target(%dma_start3A_89 : memref<3x128xf32, #tpu.memory_space<hbm>>) target_semaphore(%run_scoped3A_81 : memref<!tpu.dma_semaphore, #tpu.memory_space<semaphore_mem>>)
        %dma_wait3A_90 = arith.constant 0 : i32
        %dma_wait3A_91 = arith.constant 0 : i32
        %dma_wait3A_92 = tpu.memref_slice %arg8[%run_scoped3A, %dma_wait3A_90, %dma_wait3A_91] : memref<5x3x128xf32, #tpu.memory_space<hbm>> -> memref<1x3x128xf32, #tpu.memory_space<hbm>>
        %dma_wait3A_93 = tpu.memref_squeeze %dma_wait3A_92 : memref<1x3x128xf32, #tpu.memory_space<hbm>> -> memref<3x128xf32, #tpu.memory_space<hbm>>
        %dma_wait3A_94 = arith.constant 0 : i32
        %dma_wait3A_95 = arith.constant 0 : i32
        %dma_wait3A_96 = tpu.memref_slice %arg8[%run_scoped3A, %dma_wait3A_94, %dma_wait3A_95] : memref<5x3x128xf32, #tpu.memory_space<hbm>> -> memref<1x3x128xf32, #tpu.memory_space<hbm>>
        %dma_wait3A_97 = tpu.memref_squeeze %dma_wait3A_96 : memref<1x3x128xf32, #tpu.memory_space<hbm>> -> memref<3x128xf32, #tpu.memory_space<hbm>>
        tpu.wait_dma2 semaphore(%run_scoped3A_81 : memref<!tpu.dma_semaphore, #tpu.memory_space<semaphore_mem>>) src(%arg10 : memref<3x128xf32, #tpu.memory_space<vmem>>) dst(%dma_wait3A_97 : memref<3x128xf32, #tpu.memory_space<hbm>>)
        tpu.yield
      }) : () -> ()
    } else {
    }
    return
  }
}

module attributes {stable_mosaic.version = 14 : i64} {
  func.func @_select_body(%arg0: memref<84x160x128xf32, #tpu.memory_space<vmem>>, %arg1: memref<1x304xf32, #tpu.memory_space<vmem>>, %arg2: memref<3x128xi32, #tpu.memory_space<vmem>>, %arg3: memref<160x128xf32, #tpu.memory_space<vmem>>) attributes {dimension_semantics = [], scalar_prefetch = 0 : i64, scratch_operands = 0 : i64, tpu.core_type = #tpu.core_type<tc>} {
    %get3A = arith.constant 4 : index
    %get3A_0 = arith.constant 0 : index
    %get3A_1 = arith.constant 0 : index
    %get3A_2 = vector.load %arg0[%get3A, %get3A_0, %get3A_1] : memref<84x160x128xf32, #tpu.memory_space<vmem>>, vector<1x160x128xf32>
    %get3A_3 = vector.shape_cast %get3A_2 : vector<1x160x128xf32> to vector<160x128xf32>
    %broadcast_in_dim3A = arith.constant 0.000000e+00 : f32
    %broadcast_in_dim3A_4 = vector.broadcast %broadcast_in_dim3A : f32 to vector<160x128xf32>
    %get3A_5 = arith.constant 5 : index
    %get3A_6 = arith.constant 0 : index
    %get3A_7 = arith.constant 0 : index
    %get3A_8 = vector.load %arg0[%get3A_5, %get3A_6, %get3A_7] : memref<84x160x128xf32, #tpu.memory_space<vmem>>, vector<1x160x128xf32>
    %get3A_9 = vector.shape_cast %get3A_8 : vector<1x160x128xf32> to vector<160x128xf32>
    %gt3A = arith.cmpf ogt, %get3A_9, %get3A_3 : vector<160x128xf32>
    %select_n3A = arith.select %gt3A, %get3A_9, %get3A_3 : vector<160x128xi1>, vector<160x128xf32>
    %jit3A = arith.constant 1.000000e+00 : f32
    %broadcast_in_dim3A_10 = vector.broadcast %jit3A : f32 to vector<160x128xf32>
    %select_n3A_11 = arith.select %gt3A, %broadcast_in_dim3A_10, %broadcast_in_dim3A_4 : vector<160x128xi1>, vector<160x128xf32>
    %get3A_12 = arith.constant 6 : index
    %get3A_13 = arith.constant 0 : index
    %get3A_14 = arith.constant 0 : index
    %get3A_15 = vector.load %arg0[%get3A_12, %get3A_13, %get3A_14] : memref<84x160x128xf32, #tpu.memory_space<vmem>>, vector<1x160x128xf32>
    %get3A_16 = vector.shape_cast %get3A_15 : vector<1x160x128xf32> to vector<160x128xf32>
    %gt3A_17 = arith.cmpf ogt, %get3A_16, %select_n3A : vector<160x128xf32>
    %select_n3A_18 = arith.select %gt3A_17, %get3A_16, %select_n3A : vector<160x128xi1>, vector<160x128xf32>
    %jit3A_19 = arith.constant 2.000000e+00 : f32
    %broadcast_in_dim3A_20 = vector.broadcast %jit3A_19 : f32 to vector<160x128xf32>
    %select_n3A_21 = arith.select %gt3A_17, %broadcast_in_dim3A_20, %select_n3A_11 : vector<160x128xi1>, vector<160x128xf32>
    %get3A_22 = arith.constant 7 : index
    %get3A_23 = arith.constant 0 : index
    %get3A_24 = arith.constant 0 : index
    %get3A_25 = vector.load %arg0[%get3A_22, %get3A_23, %get3A_24] : memref<84x160x128xf32, #tpu.memory_space<vmem>>, vector<1x160x128xf32>
    %get3A_26 = vector.shape_cast %get3A_25 : vector<1x160x128xf32> to vector<160x128xf32>
    %gt3A_27 = arith.cmpf ogt, %get3A_26, %select_n3A_18 : vector<160x128xf32>
    %select_n3A_28 = arith.select %gt3A_27, %get3A_26, %select_n3A_18 : vector<160x128xi1>, vector<160x128xf32>
    %jit3A_29 = arith.constant 3.000000e+00 : f32
    %broadcast_in_dim3A_30 = vector.broadcast %jit3A_29 : f32 to vector<160x128xf32>
    %select_n3A_31 = arith.select %gt3A_27, %broadcast_in_dim3A_30, %select_n3A_21 : vector<160x128xi1>, vector<160x128xf32>
    %get3A_32 = arith.constant 8 : index
    %get3A_33 = arith.constant 0 : index
    %get3A_34 = arith.constant 0 : index
    %get3A_35 = vector.load %arg0[%get3A_32, %get3A_33, %get3A_34] : memref<84x160x128xf32, #tpu.memory_space<vmem>>, vector<1x160x128xf32>
    %get3A_36 = vector.shape_cast %get3A_35 : vector<1x160x128xf32> to vector<160x128xf32>
    %gt3A_37 = arith.cmpf ogt, %get3A_36, %select_n3A_28 : vector<160x128xf32>
    %select_n3A_38 = arith.select %gt3A_37, %get3A_36, %select_n3A_28 : vector<160x128xi1>, vector<160x128xf32>
    %jit3A_39 = arith.constant 4.000000e+00 : f32
    %broadcast_in_dim3A_40 = vector.broadcast %jit3A_39 : f32 to vector<160x128xf32>
    %select_n3A_41 = arith.select %gt3A_37, %broadcast_in_dim3A_40, %select_n3A_31 : vector<160x128xi1>, vector<160x128xf32>
    %get3A_42 = arith.constant 9 : index
    %get3A_43 = arith.constant 0 : index
    %get3A_44 = arith.constant 0 : index
    %get3A_45 = vector.load %arg0[%get3A_42, %get3A_43, %get3A_44] : memref<84x160x128xf32, #tpu.memory_space<vmem>>, vector<1x160x128xf32>
    %get3A_46 = vector.shape_cast %get3A_45 : vector<1x160x128xf32> to vector<160x128xf32>
    %gt3A_47 = arith.cmpf ogt, %get3A_46, %select_n3A_38 : vector<160x128xf32>
    %select_n3A_48 = arith.select %gt3A_47, %get3A_46, %select_n3A_38 : vector<160x128xi1>, vector<160x128xf32>
    %jit3A_49 = arith.constant 5.000000e+00 : f32
    %broadcast_in_dim3A_50 = vector.broadcast %jit3A_49 : f32 to vector<160x128xf32>
    %select_n3A_51 = arith.select %gt3A_47, %broadcast_in_dim3A_50, %select_n3A_41 : vector<160x128xi1>, vector<160x128xf32>
    %get3A_52 = arith.constant 10 : index
    %get3A_53 = arith.constant 0 : index
    %get3A_54 = arith.constant 0 : index
    %get3A_55 = vector.load %arg0[%get3A_52, %get3A_53, %get3A_54] : memref<84x160x128xf32, #tpu.memory_space<vmem>>, vector<1x160x128xf32>
    %get3A_56 = vector.shape_cast %get3A_55 : vector<1x160x128xf32> to vector<160x128xf32>
    %gt3A_57 = arith.cmpf ogt, %get3A_56, %select_n3A_48 : vector<160x128xf32>
    %select_n3A_58 = arith.select %gt3A_57, %get3A_56, %select_n3A_48 : vector<160x128xi1>, vector<160x128xf32>
    %jit3A_59 = arith.constant 6.000000e+00 : f32
    %broadcast_in_dim3A_60 = vector.broadcast %jit3A_59 : f32 to vector<160x128xf32>
    %select_n3A_61 = arith.select %gt3A_57, %broadcast_in_dim3A_60, %select_n3A_51 : vector<160x128xi1>, vector<160x128xf32>
    %get3A_62 = arith.constant 11 : index
    %get3A_63 = arith.constant 0 : index
    %get3A_64 = arith.constant 0 : index
    %get3A_65 = vector.load %arg0[%get3A_62, %get3A_63, %get3A_64] : memref<84x160x128xf32, #tpu.memory_space<vmem>>, vector<1x160x128xf32>
    %get3A_66 = vector.shape_cast %get3A_65 : vector<1x160x128xf32> to vector<160x128xf32>
    %gt3A_67 = arith.cmpf ogt, %get3A_66, %select_n3A_58 : vector<160x128xf32>
    %select_n3A_68 = arith.select %gt3A_67, %get3A_66, %select_n3A_58 : vector<160x128xi1>, vector<160x128xf32>
    %jit3A_69 = arith.constant 7.000000e+00 : f32
    %broadcast_in_dim3A_70 = vector.broadcast %jit3A_69 : f32 to vector<160x128xf32>
    %select_n3A_71 = arith.select %gt3A_67, %broadcast_in_dim3A_70, %select_n3A_61 : vector<160x128xi1>, vector<160x128xf32>
    %get3A_72 = arith.constant 12 : index
    %get3A_73 = arith.constant 0 : index
    %get3A_74 = arith.constant 0 : index
    %get3A_75 = vector.load %arg0[%get3A_72, %get3A_73, %get3A_74] : memref<84x160x128xf32, #tpu.memory_space<vmem>>, vector<1x160x128xf32>
    %get3A_76 = vector.shape_cast %get3A_75 : vector<1x160x128xf32> to vector<160x128xf32>
    %gt3A_77 = arith.cmpf ogt, %get3A_76, %select_n3A_68 : vector<160x128xf32>
    %select_n3A_78 = arith.select %gt3A_77, %get3A_76, %select_n3A_68 : vector<160x128xi1>, vector<160x128xf32>
    %jit3A_79 = arith.constant 8.000000e+00 : f32
    %broadcast_in_dim3A_80 = vector.broadcast %jit3A_79 : f32 to vector<160x128xf32>
    %select_n3A_81 = arith.select %gt3A_77, %broadcast_in_dim3A_80, %select_n3A_71 : vector<160x128xi1>, vector<160x128xf32>
    %get3A_82 = arith.constant 13 : index
    %get3A_83 = arith.constant 0 : index
    %get3A_84 = arith.constant 0 : index
    %get3A_85 = vector.load %arg0[%get3A_82, %get3A_83, %get3A_84] : memref<84x160x128xf32, #tpu.memory_space<vmem>>, vector<1x160x128xf32>
    %get3A_86 = vector.shape_cast %get3A_85 : vector<1x160x128xf32> to vector<160x128xf32>
    %gt3A_87 = arith.cmpf ogt, %get3A_86, %select_n3A_78 : vector<160x128xf32>
    %select_n3A_88 = arith.select %gt3A_87, %get3A_86, %select_n3A_78 : vector<160x128xi1>, vector<160x128xf32>
    %jit3A_89 = arith.constant 9.000000e+00 : f32
    %broadcast_in_dim3A_90 = vector.broadcast %jit3A_89 : f32 to vector<160x128xf32>
    %select_n3A_91 = arith.select %gt3A_87, %broadcast_in_dim3A_90, %select_n3A_81 : vector<160x128xi1>, vector<160x128xf32>
    %get3A_92 = arith.constant 14 : index
    %get3A_93 = arith.constant 0 : index
    %get3A_94 = arith.constant 0 : index
    %get3A_95 = vector.load %arg0[%get3A_92, %get3A_93, %get3A_94] : memref<84x160x128xf32, #tpu.memory_space<vmem>>, vector<1x160x128xf32>
    %get3A_96 = vector.shape_cast %get3A_95 : vector<1x160x128xf32> to vector<160x128xf32>
    %gt3A_97 = arith.cmpf ogt, %get3A_96, %select_n3A_88 : vector<160x128xf32>
    %select_n3A_98 = arith.select %gt3A_97, %get3A_96, %select_n3A_88 : vector<160x128xi1>, vector<160x128xf32>
    %jit3A_99 = arith.constant 1.000000e+01 : f32
    %broadcast_in_dim3A_100 = vector.broadcast %jit3A_99 : f32 to vector<160x128xf32>
    %select_n3A_101 = arith.select %gt3A_97, %broadcast_in_dim3A_100, %select_n3A_91 : vector<160x128xi1>, vector<160x128xf32>
    %get3A_102 = arith.constant 15 : index
    %get3A_103 = arith.constant 0 : index
    %get3A_104 = arith.constant 0 : index
    %get3A_105 = vector.load %arg0[%get3A_102, %get3A_103, %get3A_104] : memref<84x160x128xf32, #tpu.memory_space<vmem>>, vector<1x160x128xf32>
    %get3A_106 = vector.shape_cast %get3A_105 : vector<1x160x128xf32> to vector<160x128xf32>
    %gt3A_107 = arith.cmpf ogt, %get3A_106, %select_n3A_98 : vector<160x128xf32>
    %select_n3A_108 = arith.select %gt3A_107, %get3A_106, %select_n3A_98 : vector<160x128xi1>, vector<160x128xf32>
    %jit3A_109 = arith.constant 1.100000e+01 : f32
    %broadcast_in_dim3A_110 = vector.broadcast %jit3A_109 : f32 to vector<160x128xf32>
    %select_n3A_111 = arith.select %gt3A_107, %broadcast_in_dim3A_110, %select_n3A_101 : vector<160x128xi1>, vector<160x128xf32>
    %get3A_112 = arith.constant 16 : index
    %get3A_113 = arith.constant 0 : index
    %get3A_114 = arith.constant 0 : index
    %get3A_115 = vector.load %arg0[%get3A_112, %get3A_113, %get3A_114] : memref<84x160x128xf32, #tpu.memory_space<vmem>>, vector<1x160x128xf32>
    %get3A_116 = vector.shape_cast %get3A_115 : vector<1x160x128xf32> to vector<160x128xf32>
    %gt3A_117 = arith.cmpf ogt, %get3A_116, %select_n3A_108 : vector<160x128xf32>
    %select_n3A_118 = arith.select %gt3A_117, %get3A_116, %select_n3A_108 : vector<160x128xi1>, vector<160x128xf32>
    %jit3A_119 = arith.constant 1.200000e+01 : f32
    %broadcast_in_dim3A_120 = vector.broadcast %jit3A_119 : f32 to vector<160x128xf32>
    %select_n3A_121 = arith.select %gt3A_117, %broadcast_in_dim3A_120, %select_n3A_111 : vector<160x128xi1>, vector<160x128xf32>
    %get3A_122 = arith.constant 17 : index
    %get3A_123 = arith.constant 0 : index
    %get3A_124 = arith.constant 0 : index
    %get3A_125 = vector.load %arg0[%get3A_122, %get3A_123, %get3A_124] : memref<84x160x128xf32, #tpu.memory_space<vmem>>, vector<1x160x128xf32>
    %get3A_126 = vector.shape_cast %get3A_125 : vector<1x160x128xf32> to vector<160x128xf32>
    %gt3A_127 = arith.cmpf ogt, %get3A_126, %select_n3A_118 : vector<160x128xf32>
    %select_n3A_128 = arith.select %gt3A_127, %get3A_126, %select_n3A_118 : vector<160x128xi1>, vector<160x128xf32>
    %jit3A_129 = arith.constant 1.300000e+01 : f32
    %broadcast_in_dim3A_130 = vector.broadcast %jit3A_129 : f32 to vector<160x128xf32>
    %select_n3A_131 = arith.select %gt3A_127, %broadcast_in_dim3A_130, %select_n3A_121 : vector<160x128xi1>, vector<160x128xf32>
    %get3A_132 = arith.constant 18 : index
    %get3A_133 = arith.constant 0 : index
    %get3A_134 = arith.constant 0 : index
    %get3A_135 = vector.load %arg0[%get3A_132, %get3A_133, %get3A_134] : memref<84x160x128xf32, #tpu.memory_space<vmem>>, vector<1x160x128xf32>
    %get3A_136 = vector.shape_cast %get3A_135 : vector<1x160x128xf32> to vector<160x128xf32>
    %gt3A_137 = arith.cmpf ogt, %get3A_136, %select_n3A_128 : vector<160x128xf32>
    %select_n3A_138 = arith.select %gt3A_137, %get3A_136, %select_n3A_128 : vector<160x128xi1>, vector<160x128xf32>
    %jit3A_139 = arith.constant 1.400000e+01 : f32
    %broadcast_in_dim3A_140 = vector.broadcast %jit3A_139 : f32 to vector<160x128xf32>
    %select_n3A_141 = arith.select %gt3A_137, %broadcast_in_dim3A_140, %select_n3A_131 : vector<160x128xi1>, vector<160x128xf32>
    %get3A_142 = arith.constant 19 : index
    %get3A_143 = arith.constant 0 : index
    %get3A_144 = arith.constant 0 : index
    %get3A_145 = vector.load %arg0[%get3A_142, %get3A_143, %get3A_144] : memref<84x160x128xf32, #tpu.memory_space<vmem>>, vector<1x160x128xf32>
    %get3A_146 = vector.shape_cast %get3A_145 : vector<1x160x128xf32> to vector<160x128xf32>
    %gt3A_147 = arith.cmpf ogt, %get3A_146, %select_n3A_138 : vector<160x128xf32>
    %select_n3A_148 = arith.select %gt3A_147, %get3A_146, %select_n3A_138 : vector<160x128xi1>, vector<160x128xf32>
    %jit3A_149 = arith.constant 1.500000e+01 : f32
    %broadcast_in_dim3A_150 = vector.broadcast %jit3A_149 : f32 to vector<160x128xf32>
    %select_n3A_151 = arith.select %gt3A_147, %broadcast_in_dim3A_150, %select_n3A_141 : vector<160x128xi1>, vector<160x128xf32>
    %get3A_152 = arith.constant 20 : index
    %get3A_153 = arith.constant 0 : index
    %get3A_154 = arith.constant 0 : index
    %get3A_155 = vector.load %arg0[%get3A_152, %get3A_153, %get3A_154] : memref<84x160x128xf32, #tpu.memory_space<vmem>>, vector<1x160x128xf32>
    %get3A_156 = vector.shape_cast %get3A_155 : vector<1x160x128xf32> to vector<160x128xf32>
    %gt3A_157 = arith.cmpf ogt, %get3A_156, %select_n3A_148 : vector<160x128xf32>
    %select_n3A_158 = arith.select %gt3A_157, %get3A_156, %select_n3A_148 : vector<160x128xi1>, vector<160x128xf32>
    %jit3A_159 = arith.constant 1.600000e+01 : f32
    %broadcast_in_dim3A_160 = vector.broadcast %jit3A_159 : f32 to vector<160x128xf32>
    %select_n3A_161 = arith.select %gt3A_157, %broadcast_in_dim3A_160, %select_n3A_151 : vector<160x128xi1>, vector<160x128xf32>
    %get3A_162 = arith.constant 21 : index
    %get3A_163 = arith.constant 0 : index
    %get3A_164 = arith.constant 0 : index
    %get3A_165 = vector.load %arg0[%get3A_162, %get3A_163, %get3A_164] : memref<84x160x128xf32, #tpu.memory_space<vmem>>, vector<1x160x128xf32>
    %get3A_166 = vector.shape_cast %get3A_165 : vector<1x160x128xf32> to vector<160x128xf32>
    %gt3A_167 = arith.cmpf ogt, %get3A_166, %select_n3A_158 : vector<160x128xf32>
    %select_n3A_168 = arith.select %gt3A_167, %get3A_166, %select_n3A_158 : vector<160x128xi1>, vector<160x128xf32>
    %jit3A_169 = arith.constant 1.700000e+01 : f32
    %broadcast_in_dim3A_170 = vector.broadcast %jit3A_169 : f32 to vector<160x128xf32>
    %select_n3A_171 = arith.select %gt3A_167, %broadcast_in_dim3A_170, %select_n3A_161 : vector<160x128xi1>, vector<160x128xf32>
    %get3A_172 = arith.constant 22 : index
    %get3A_173 = arith.constant 0 : index
    %get3A_174 = arith.constant 0 : index
    %get3A_175 = vector.load %arg0[%get3A_172, %get3A_173, %get3A_174] : memref<84x160x128xf32, #tpu.memory_space<vmem>>, vector<1x160x128xf32>
    %get3A_176 = vector.shape_cast %get3A_175 : vector<1x160x128xf32> to vector<160x128xf32>
    %gt3A_177 = arith.cmpf ogt, %get3A_176, %select_n3A_168 : vector<160x128xf32>
    %select_n3A_178 = arith.select %gt3A_177, %get3A_176, %select_n3A_168 : vector<160x128xi1>, vector<160x128xf32>
    %jit3A_179 = arith.constant 1.800000e+01 : f32
    %broadcast_in_dim3A_180 = vector.broadcast %jit3A_179 : f32 to vector<160x128xf32>
    %select_n3A_181 = arith.select %gt3A_177, %broadcast_in_dim3A_180, %select_n3A_171 : vector<160x128xi1>, vector<160x128xf32>
    %get3A_182 = arith.constant 23 : index
    %get3A_183 = arith.constant 0 : index
    %get3A_184 = arith.constant 0 : index
    %get3A_185 = vector.load %arg0[%get3A_182, %get3A_183, %get3A_184] : memref<84x160x128xf32, #tpu.memory_space<vmem>>, vector<1x160x128xf32>
    %get3A_186 = vector.shape_cast %get3A_185 : vector<1x160x128xf32> to vector<160x128xf32>
    %gt3A_187 = arith.cmpf ogt, %get3A_186, %select_n3A_178 : vector<160x128xf32>
    %select_n3A_188 = arith.select %gt3A_187, %get3A_186, %select_n3A_178 : vector<160x128xi1>, vector<160x128xf32>
    %jit3A_189 = arith.constant 1.900000e+01 : f32
    %broadcast_in_dim3A_190 = vector.broadcast %jit3A_189 : f32 to vector<160x128xf32>
    %select_n3A_191 = arith.select %gt3A_187, %broadcast_in_dim3A_190, %select_n3A_181 : vector<160x128xi1>, vector<160x128xf32>
    %get3A_192 = arith.constant 24 : index
    %get3A_193 = arith.constant 0 : index
    %get3A_194 = arith.constant 0 : index
    %get3A_195 = vector.load %arg0[%get3A_192, %get3A_193, %get3A_194] : memref<84x160x128xf32, #tpu.memory_space<vmem>>, vector<1x160x128xf32>
    %get3A_196 = vector.shape_cast %get3A_195 : vector<1x160x128xf32> to vector<160x128xf32>
    %gt3A_197 = arith.cmpf ogt, %get3A_196, %select_n3A_188 : vector<160x128xf32>
    %select_n3A_198 = arith.select %gt3A_197, %get3A_196, %select_n3A_188 : vector<160x128xi1>, vector<160x128xf32>
    %jit3A_199 = arith.constant 2.000000e+01 : f32
    %broadcast_in_dim3A_200 = vector.broadcast %jit3A_199 : f32 to vector<160x128xf32>
    %select_n3A_201 = arith.select %gt3A_197, %broadcast_in_dim3A_200, %select_n3A_191 : vector<160x128xi1>, vector<160x128xf32>
    %get3A_202 = arith.constant 25 : index
    %get3A_203 = arith.constant 0 : index
    %get3A_204 = arith.constant 0 : index
    %get3A_205 = vector.load %arg0[%get3A_202, %get3A_203, %get3A_204] : memref<84x160x128xf32, #tpu.memory_space<vmem>>, vector<1x160x128xf32>
    %get3A_206 = vector.shape_cast %get3A_205 : vector<1x160x128xf32> to vector<160x128xf32>
    %gt3A_207 = arith.cmpf ogt, %get3A_206, %select_n3A_198 : vector<160x128xf32>
    %select_n3A_208 = arith.select %gt3A_207, %get3A_206, %select_n3A_198 : vector<160x128xi1>, vector<160x128xf32>
    %jit3A_209 = arith.constant 2.100000e+01 : f32
    %broadcast_in_dim3A_210 = vector.broadcast %jit3A_209 : f32 to vector<160x128xf32>
    %select_n3A_211 = arith.select %gt3A_207, %broadcast_in_dim3A_210, %select_n3A_201 : vector<160x128xi1>, vector<160x128xf32>
    %get3A_212 = arith.constant 26 : index
    %get3A_213 = arith.constant 0 : index
    %get3A_214 = arith.constant 0 : index
    %get3A_215 = vector.load %arg0[%get3A_212, %get3A_213, %get3A_214] : memref<84x160x128xf32, #tpu.memory_space<vmem>>, vector<1x160x128xf32>
    %get3A_216 = vector.shape_cast %get3A_215 : vector<1x160x128xf32> to vector<160x128xf32>
    %gt3A_217 = arith.cmpf ogt, %get3A_216, %select_n3A_208 : vector<160x128xf32>
    %select_n3A_218 = arith.select %gt3A_217, %get3A_216, %select_n3A_208 : vector<160x128xi1>, vector<160x128xf32>
    %jit3A_219 = arith.constant 2.200000e+01 : f32
    %broadcast_in_dim3A_220 = vector.broadcast %jit3A_219 : f32 to vector<160x128xf32>
    %select_n3A_221 = arith.select %gt3A_217, %broadcast_in_dim3A_220, %select_n3A_211 : vector<160x128xi1>, vector<160x128xf32>
    %get3A_222 = arith.constant 27 : index
    %get3A_223 = arith.constant 0 : index
    %get3A_224 = arith.constant 0 : index
    %get3A_225 = vector.load %arg0[%get3A_222, %get3A_223, %get3A_224] : memref<84x160x128xf32, #tpu.memory_space<vmem>>, vector<1x160x128xf32>
    %get3A_226 = vector.shape_cast %get3A_225 : vector<1x160x128xf32> to vector<160x128xf32>
    %gt3A_227 = arith.cmpf ogt, %get3A_226, %select_n3A_218 : vector<160x128xf32>
    %select_n3A_228 = arith.select %gt3A_227, %get3A_226, %select_n3A_218 : vector<160x128xi1>, vector<160x128xf32>
    %jit3A_229 = arith.constant 2.300000e+01 : f32
    %broadcast_in_dim3A_230 = vector.broadcast %jit3A_229 : f32 to vector<160x128xf32>
    %select_n3A_231 = arith.select %gt3A_227, %broadcast_in_dim3A_230, %select_n3A_221 : vector<160x128xi1>, vector<160x128xf32>
    %get3A_232 = arith.constant 28 : index
    %get3A_233 = arith.constant 0 : index
    %get3A_234 = arith.constant 0 : index
    %get3A_235 = vector.load %arg0[%get3A_232, %get3A_233, %get3A_234] : memref<84x160x128xf32, #tpu.memory_space<vmem>>, vector<1x160x128xf32>
    %get3A_236 = vector.shape_cast %get3A_235 : vector<1x160x128xf32> to vector<160x128xf32>
    %gt3A_237 = arith.cmpf ogt, %get3A_236, %select_n3A_228 : vector<160x128xf32>
    %select_n3A_238 = arith.select %gt3A_237, %get3A_236, %select_n3A_228 : vector<160x128xi1>, vector<160x128xf32>
    %jit3A_239 = arith.constant 2.400000e+01 : f32
    %broadcast_in_dim3A_240 = vector.broadcast %jit3A_239 : f32 to vector<160x128xf32>
    %select_n3A_241 = arith.select %gt3A_237, %broadcast_in_dim3A_240, %select_n3A_231 : vector<160x128xi1>, vector<160x128xf32>
    %get3A_242 = arith.constant 29 : index
    %get3A_243 = arith.constant 0 : index
    %get3A_244 = arith.constant 0 : index
    %get3A_245 = vector.load %arg0[%get3A_242, %get3A_243, %get3A_244] : memref<84x160x128xf32, #tpu.memory_space<vmem>>, vector<1x160x128xf32>
    %get3A_246 = vector.shape_cast %get3A_245 : vector<1x160x128xf32> to vector<160x128xf32>
    %gt3A_247 = arith.cmpf ogt, %get3A_246, %select_n3A_238 : vector<160x128xf32>
    %select_n3A_248 = arith.select %gt3A_247, %get3A_246, %select_n3A_238 : vector<160x128xi1>, vector<160x128xf32>
    %jit3A_249 = arith.constant 2.500000e+01 : f32
    %broadcast_in_dim3A_250 = vector.broadcast %jit3A_249 : f32 to vector<160x128xf32>
    %select_n3A_251 = arith.select %gt3A_247, %broadcast_in_dim3A_250, %select_n3A_241 : vector<160x128xi1>, vector<160x128xf32>
    %get3A_252 = arith.constant 30 : index
    %get3A_253 = arith.constant 0 : index
    %get3A_254 = arith.constant 0 : index
    %get3A_255 = vector.load %arg0[%get3A_252, %get3A_253, %get3A_254] : memref<84x160x128xf32, #tpu.memory_space<vmem>>, vector<1x160x128xf32>
    %get3A_256 = vector.shape_cast %get3A_255 : vector<1x160x128xf32> to vector<160x128xf32>
    %gt3A_257 = arith.cmpf ogt, %get3A_256, %select_n3A_248 : vector<160x128xf32>
    %select_n3A_258 = arith.select %gt3A_257, %get3A_256, %select_n3A_248 : vector<160x128xi1>, vector<160x128xf32>
    %jit3A_259 = arith.constant 2.600000e+01 : f32
    %broadcast_in_dim3A_260 = vector.broadcast %jit3A_259 : f32 to vector<160x128xf32>
    %select_n3A_261 = arith.select %gt3A_257, %broadcast_in_dim3A_260, %select_n3A_251 : vector<160x128xi1>, vector<160x128xf32>
    %get3A_262 = arith.constant 31 : index
    %get3A_263 = arith.constant 0 : index
    %get3A_264 = arith.constant 0 : index
    %get3A_265 = vector.load %arg0[%get3A_262, %get3A_263, %get3A_264] : memref<84x160x128xf32, #tpu.memory_space<vmem>>, vector<1x160x128xf32>
    %get3A_266 = vector.shape_cast %get3A_265 : vector<1x160x128xf32> to vector<160x128xf32>
    %gt3A_267 = arith.cmpf ogt, %get3A_266, %select_n3A_258 : vector<160x128xf32>
    %select_n3A_268 = arith.select %gt3A_267, %get3A_266, %select_n3A_258 : vector<160x128xi1>, vector<160x128xf32>
    %jit3A_269 = arith.constant 2.700000e+01 : f32
    %broadcast_in_dim3A_270 = vector.broadcast %jit3A_269 : f32 to vector<160x128xf32>
    %select_n3A_271 = arith.select %gt3A_267, %broadcast_in_dim3A_270, %select_n3A_261 : vector<160x128xi1>, vector<160x128xf32>
    %get3A_272 = arith.constant 32 : index
    %get3A_273 = arith.constant 0 : index
    %get3A_274 = arith.constant 0 : index
    %get3A_275 = vector.load %arg0[%get3A_272, %get3A_273, %get3A_274] : memref<84x160x128xf32, #tpu.memory_space<vmem>>, vector<1x160x128xf32>
    %get3A_276 = vector.shape_cast %get3A_275 : vector<1x160x128xf32> to vector<160x128xf32>
    %gt3A_277 = arith.cmpf ogt, %get3A_276, %select_n3A_268 : vector<160x128xf32>
    %select_n3A_278 = arith.select %gt3A_277, %get3A_276, %select_n3A_268 : vector<160x128xi1>, vector<160x128xf32>
    %jit3A_279 = arith.constant 2.800000e+01 : f32
    %broadcast_in_dim3A_280 = vector.broadcast %jit3A_279 : f32 to vector<160x128xf32>
    %select_n3A_281 = arith.select %gt3A_277, %broadcast_in_dim3A_280, %select_n3A_271 : vector<160x128xi1>, vector<160x128xf32>
    %get3A_282 = arith.constant 33 : index
    %get3A_283 = arith.constant 0 : index
    %get3A_284 = arith.constant 0 : index
    %get3A_285 = vector.load %arg0[%get3A_282, %get3A_283, %get3A_284] : memref<84x160x128xf32, #tpu.memory_space<vmem>>, vector<1x160x128xf32>
    %get3A_286 = vector.shape_cast %get3A_285 : vector<1x160x128xf32> to vector<160x128xf32>
    %gt3A_287 = arith.cmpf ogt, %get3A_286, %select_n3A_278 : vector<160x128xf32>
    %select_n3A_288 = arith.select %gt3A_287, %get3A_286, %select_n3A_278 : vector<160x128xi1>, vector<160x128xf32>
    %jit3A_289 = arith.constant 2.900000e+01 : f32
    %broadcast_in_dim3A_290 = vector.broadcast %jit3A_289 : f32 to vector<160x128xf32>
    %select_n3A_291 = arith.select %gt3A_287, %broadcast_in_dim3A_290, %select_n3A_281 : vector<160x128xi1>, vector<160x128xf32>
    %get3A_292 = arith.constant 34 : index
    %get3A_293 = arith.constant 0 : index
    %get3A_294 = arith.constant 0 : index
    %get3A_295 = vector.load %arg0[%get3A_292, %get3A_293, %get3A_294] : memref<84x160x128xf32, #tpu.memory_space<vmem>>, vector<1x160x128xf32>
    %get3A_296 = vector.shape_cast %get3A_295 : vector<1x160x128xf32> to vector<160x128xf32>
    %gt3A_297 = arith.cmpf ogt, %get3A_296, %select_n3A_288 : vector<160x128xf32>
    %select_n3A_298 = arith.select %gt3A_297, %get3A_296, %select_n3A_288 : vector<160x128xi1>, vector<160x128xf32>
    %jit3A_299 = arith.constant 3.000000e+01 : f32
    %broadcast_in_dim3A_300 = vector.broadcast %jit3A_299 : f32 to vector<160x128xf32>
    %select_n3A_301 = arith.select %gt3A_297, %broadcast_in_dim3A_300, %select_n3A_291 : vector<160x128xi1>, vector<160x128xf32>
    %get3A_302 = arith.constant 35 : index
    %get3A_303 = arith.constant 0 : index
    %get3A_304 = arith.constant 0 : index
    %get3A_305 = vector.load %arg0[%get3A_302, %get3A_303, %get3A_304] : memref<84x160x128xf32, #tpu.memory_space<vmem>>, vector<1x160x128xf32>
    %get3A_306 = vector.shape_cast %get3A_305 : vector<1x160x128xf32> to vector<160x128xf32>
    %gt3A_307 = arith.cmpf ogt, %get3A_306, %select_n3A_298 : vector<160x128xf32>
    %select_n3A_308 = arith.select %gt3A_307, %get3A_306, %select_n3A_298 : vector<160x128xi1>, vector<160x128xf32>
    %jit3A_309 = arith.constant 3.100000e+01 : f32
    %broadcast_in_dim3A_310 = vector.broadcast %jit3A_309 : f32 to vector<160x128xf32>
    %select_n3A_311 = arith.select %gt3A_307, %broadcast_in_dim3A_310, %select_n3A_301 : vector<160x128xi1>, vector<160x128xf32>
    %get3A_312 = arith.constant 36 : index
    %get3A_313 = arith.constant 0 : index
    %get3A_314 = arith.constant 0 : index
    %get3A_315 = vector.load %arg0[%get3A_312, %get3A_313, %get3A_314] : memref<84x160x128xf32, #tpu.memory_space<vmem>>, vector<1x160x128xf32>
    %get3A_316 = vector.shape_cast %get3A_315 : vector<1x160x128xf32> to vector<160x128xf32>
    %gt3A_317 = arith.cmpf ogt, %get3A_316, %select_n3A_308 : vector<160x128xf32>
    %select_n3A_318 = arith.select %gt3A_317, %get3A_316, %select_n3A_308 : vector<160x128xi1>, vector<160x128xf32>
    %jit3A_319 = arith.constant 3.200000e+01 : f32
    %broadcast_in_dim3A_320 = vector.broadcast %jit3A_319 : f32 to vector<160x128xf32>
    %select_n3A_321 = arith.select %gt3A_317, %broadcast_in_dim3A_320, %select_n3A_311 : vector<160x128xi1>, vector<160x128xf32>
    %get3A_322 = arith.constant 37 : index
    %get3A_323 = arith.constant 0 : index
    %get3A_324 = arith.constant 0 : index
    %get3A_325 = vector.load %arg0[%get3A_322, %get3A_323, %get3A_324] : memref<84x160x128xf32, #tpu.memory_space<vmem>>, vector<1x160x128xf32>
    %get3A_326 = vector.shape_cast %get3A_325 : vector<1x160x128xf32> to vector<160x128xf32>
    %gt3A_327 = arith.cmpf ogt, %get3A_326, %select_n3A_318 : vector<160x128xf32>
    %select_n3A_328 = arith.select %gt3A_327, %get3A_326, %select_n3A_318 : vector<160x128xi1>, vector<160x128xf32>
    %jit3A_329 = arith.constant 3.300000e+01 : f32
    %broadcast_in_dim3A_330 = vector.broadcast %jit3A_329 : f32 to vector<160x128xf32>
    %select_n3A_331 = arith.select %gt3A_327, %broadcast_in_dim3A_330, %select_n3A_321 : vector<160x128xi1>, vector<160x128xf32>
    %get3A_332 = arith.constant 38 : index
    %get3A_333 = arith.constant 0 : index
    %get3A_334 = arith.constant 0 : index
    %get3A_335 = vector.load %arg0[%get3A_332, %get3A_333, %get3A_334] : memref<84x160x128xf32, #tpu.memory_space<vmem>>, vector<1x160x128xf32>
    %get3A_336 = vector.shape_cast %get3A_335 : vector<1x160x128xf32> to vector<160x128xf32>
    %gt3A_337 = arith.cmpf ogt, %get3A_336, %select_n3A_328 : vector<160x128xf32>
    %select_n3A_338 = arith.select %gt3A_337, %get3A_336, %select_n3A_328 : vector<160x128xi1>, vector<160x128xf32>
    %jit3A_339 = arith.constant 3.400000e+01 : f32
    %broadcast_in_dim3A_340 = vector.broadcast %jit3A_339 : f32 to vector<160x128xf32>
    %select_n3A_341 = arith.select %gt3A_337, %broadcast_in_dim3A_340, %select_n3A_331 : vector<160x128xi1>, vector<160x128xf32>
    %get3A_342 = arith.constant 39 : index
    %get3A_343 = arith.constant 0 : index
    %get3A_344 = arith.constant 0 : index
    %get3A_345 = vector.load %arg0[%get3A_342, %get3A_343, %get3A_344] : memref<84x160x128xf32, #tpu.memory_space<vmem>>, vector<1x160x128xf32>
    %get3A_346 = vector.shape_cast %get3A_345 : vector<1x160x128xf32> to vector<160x128xf32>
    %gt3A_347 = arith.cmpf ogt, %get3A_346, %select_n3A_338 : vector<160x128xf32>
    %select_n3A_348 = arith.select %gt3A_347, %get3A_346, %select_n3A_338 : vector<160x128xi1>, vector<160x128xf32>
    %jit3A_349 = arith.constant 3.500000e+01 : f32
    %broadcast_in_dim3A_350 = vector.broadcast %jit3A_349 : f32 to vector<160x128xf32>
    %select_n3A_351 = arith.select %gt3A_347, %broadcast_in_dim3A_350, %select_n3A_341 : vector<160x128xi1>, vector<160x128xf32>
    %get3A_352 = arith.constant 40 : index
    %get3A_353 = arith.constant 0 : index
    %get3A_354 = arith.constant 0 : index
    %get3A_355 = vector.load %arg0[%get3A_352, %get3A_353, %get3A_354] : memref<84x160x128xf32, #tpu.memory_space<vmem>>, vector<1x160x128xf32>
    %get3A_356 = vector.shape_cast %get3A_355 : vector<1x160x128xf32> to vector<160x128xf32>
    %gt3A_357 = arith.cmpf ogt, %get3A_356, %select_n3A_348 : vector<160x128xf32>
    %select_n3A_358 = arith.select %gt3A_357, %get3A_356, %select_n3A_348 : vector<160x128xi1>, vector<160x128xf32>
    %jit3A_359 = arith.constant 3.600000e+01 : f32
    %broadcast_in_dim3A_360 = vector.broadcast %jit3A_359 : f32 to vector<160x128xf32>
    %select_n3A_361 = arith.select %gt3A_357, %broadcast_in_dim3A_360, %select_n3A_351 : vector<160x128xi1>, vector<160x128xf32>
    %get3A_362 = arith.constant 41 : index
    %get3A_363 = arith.constant 0 : index
    %get3A_364 = arith.constant 0 : index
    %get3A_365 = vector.load %arg0[%get3A_362, %get3A_363, %get3A_364] : memref<84x160x128xf32, #tpu.memory_space<vmem>>, vector<1x160x128xf32>
    %get3A_366 = vector.shape_cast %get3A_365 : vector<1x160x128xf32> to vector<160x128xf32>
    %gt3A_367 = arith.cmpf ogt, %get3A_366, %select_n3A_358 : vector<160x128xf32>
    %select_n3A_368 = arith.select %gt3A_367, %get3A_366, %select_n3A_358 : vector<160x128xi1>, vector<160x128xf32>
    %jit3A_369 = arith.constant 3.700000e+01 : f32
    %broadcast_in_dim3A_370 = vector.broadcast %jit3A_369 : f32 to vector<160x128xf32>
    %select_n3A_371 = arith.select %gt3A_367, %broadcast_in_dim3A_370, %select_n3A_361 : vector<160x128xi1>, vector<160x128xf32>
    %get3A_372 = arith.constant 42 : index
    %get3A_373 = arith.constant 0 : index
    %get3A_374 = arith.constant 0 : index
    %get3A_375 = vector.load %arg0[%get3A_372, %get3A_373, %get3A_374] : memref<84x160x128xf32, #tpu.memory_space<vmem>>, vector<1x160x128xf32>
    %get3A_376 = vector.shape_cast %get3A_375 : vector<1x160x128xf32> to vector<160x128xf32>
    %gt3A_377 = arith.cmpf ogt, %get3A_376, %select_n3A_368 : vector<160x128xf32>
    %select_n3A_378 = arith.select %gt3A_377, %get3A_376, %select_n3A_368 : vector<160x128xi1>, vector<160x128xf32>
    %jit3A_379 = arith.constant 3.800000e+01 : f32
    %broadcast_in_dim3A_380 = vector.broadcast %jit3A_379 : f32 to vector<160x128xf32>
    %select_n3A_381 = arith.select %gt3A_377, %broadcast_in_dim3A_380, %select_n3A_371 : vector<160x128xi1>, vector<160x128xf32>
    %get3A_382 = arith.constant 43 : index
    %get3A_383 = arith.constant 0 : index
    %get3A_384 = arith.constant 0 : index
    %get3A_385 = vector.load %arg0[%get3A_382, %get3A_383, %get3A_384] : memref<84x160x128xf32, #tpu.memory_space<vmem>>, vector<1x160x128xf32>
    %get3A_386 = vector.shape_cast %get3A_385 : vector<1x160x128xf32> to vector<160x128xf32>
    %gt3A_387 = arith.cmpf ogt, %get3A_386, %select_n3A_378 : vector<160x128xf32>
    %select_n3A_388 = arith.select %gt3A_387, %get3A_386, %select_n3A_378 : vector<160x128xi1>, vector<160x128xf32>
    %jit3A_389 = arith.constant 3.900000e+01 : f32
    %broadcast_in_dim3A_390 = vector.broadcast %jit3A_389 : f32 to vector<160x128xf32>
    %select_n3A_391 = arith.select %gt3A_387, %broadcast_in_dim3A_390, %select_n3A_381 : vector<160x128xi1>, vector<160x128xf32>
    %get3A_392 = arith.constant 44 : index
    %get3A_393 = arith.constant 0 : index
    %get3A_394 = arith.constant 0 : index
    %get3A_395 = vector.load %arg0[%get3A_392, %get3A_393, %get3A_394] : memref<84x160x128xf32, #tpu.memory_space<vmem>>, vector<1x160x128xf32>
    %get3A_396 = vector.shape_cast %get3A_395 : vector<1x160x128xf32> to vector<160x128xf32>
    %gt3A_397 = arith.cmpf ogt, %get3A_396, %select_n3A_388 : vector<160x128xf32>
    %select_n3A_398 = arith.select %gt3A_397, %get3A_396, %select_n3A_388 : vector<160x128xi1>, vector<160x128xf32>
    %jit3A_399 = arith.constant 4.000000e+01 : f32
    %broadcast_in_dim3A_400 = vector.broadcast %jit3A_399 : f32 to vector<160x128xf32>
    %select_n3A_401 = arith.select %gt3A_397, %broadcast_in_dim3A_400, %select_n3A_391 : vector<160x128xi1>, vector<160x128xf32>
    %get3A_402 = arith.constant 45 : index
    %get3A_403 = arith.constant 0 : index
    %get3A_404 = arith.constant 0 : index
    %get3A_405 = vector.load %arg0[%get3A_402, %get3A_403, %get3A_404] : memref<84x160x128xf32, #tpu.memory_space<vmem>>, vector<1x160x128xf32>
    %get3A_406 = vector.shape_cast %get3A_405 : vector<1x160x128xf32> to vector<160x128xf32>
    %gt3A_407 = arith.cmpf ogt, %get3A_406, %select_n3A_398 : vector<160x128xf32>
    %select_n3A_408 = arith.select %gt3A_407, %get3A_406, %select_n3A_398 : vector<160x128xi1>, vector<160x128xf32>
    %jit3A_409 = arith.constant 4.100000e+01 : f32
    %broadcast_in_dim3A_410 = vector.broadcast %jit3A_409 : f32 to vector<160x128xf32>
    %select_n3A_411 = arith.select %gt3A_407, %broadcast_in_dim3A_410, %select_n3A_401 : vector<160x128xi1>, vector<160x128xf32>
    %get3A_412 = arith.constant 46 : index
    %get3A_413 = arith.constant 0 : index
    %get3A_414 = arith.constant 0 : index
    %get3A_415 = vector.load %arg0[%get3A_412, %get3A_413, %get3A_414] : memref<84x160x128xf32, #tpu.memory_space<vmem>>, vector<1x160x128xf32>
    %get3A_416 = vector.shape_cast %get3A_415 : vector<1x160x128xf32> to vector<160x128xf32>
    %gt3A_417 = arith.cmpf ogt, %get3A_416, %select_n3A_408 : vector<160x128xf32>
    %select_n3A_418 = arith.select %gt3A_417, %get3A_416, %select_n3A_408 : vector<160x128xi1>, vector<160x128xf32>
    %jit3A_419 = arith.constant 4.200000e+01 : f32
    %broadcast_in_dim3A_420 = vector.broadcast %jit3A_419 : f32 to vector<160x128xf32>
    %select_n3A_421 = arith.select %gt3A_417, %broadcast_in_dim3A_420, %select_n3A_411 : vector<160x128xi1>, vector<160x128xf32>
    %get3A_422 = arith.constant 47 : index
    %get3A_423 = arith.constant 0 : index
    %get3A_424 = arith.constant 0 : index
    %get3A_425 = vector.load %arg0[%get3A_422, %get3A_423, %get3A_424] : memref<84x160x128xf32, #tpu.memory_space<vmem>>, vector<1x160x128xf32>
    %get3A_426 = vector.shape_cast %get3A_425 : vector<1x160x128xf32> to vector<160x128xf32>
    %gt3A_427 = arith.cmpf ogt, %get3A_426, %select_n3A_418 : vector<160x128xf32>
    %select_n3A_428 = arith.select %gt3A_427, %get3A_426, %select_n3A_418 : vector<160x128xi1>, vector<160x128xf32>
    %jit3A_429 = arith.constant 4.300000e+01 : f32
    %broadcast_in_dim3A_430 = vector.broadcast %jit3A_429 : f32 to vector<160x128xf32>
    %select_n3A_431 = arith.select %gt3A_427, %broadcast_in_dim3A_430, %select_n3A_421 : vector<160x128xi1>, vector<160x128xf32>
    %get3A_432 = arith.constant 48 : index
    %get3A_433 = arith.constant 0 : index
    %get3A_434 = arith.constant 0 : index
    %get3A_435 = vector.load %arg0[%get3A_432, %get3A_433, %get3A_434] : memref<84x160x128xf32, #tpu.memory_space<vmem>>, vector<1x160x128xf32>
    %get3A_436 = vector.shape_cast %get3A_435 : vector<1x160x128xf32> to vector<160x128xf32>
    %gt3A_437 = arith.cmpf ogt, %get3A_436, %select_n3A_428 : vector<160x128xf32>
    %select_n3A_438 = arith.select %gt3A_437, %get3A_436, %select_n3A_428 : vector<160x128xi1>, vector<160x128xf32>
    %jit3A_439 = arith.constant 4.400000e+01 : f32
    %broadcast_in_dim3A_440 = vector.broadcast %jit3A_439 : f32 to vector<160x128xf32>
    %select_n3A_441 = arith.select %gt3A_437, %broadcast_in_dim3A_440, %select_n3A_431 : vector<160x128xi1>, vector<160x128xf32>
    %get3A_442 = arith.constant 49 : index
    %get3A_443 = arith.constant 0 : index
    %get3A_444 = arith.constant 0 : index
    %get3A_445 = vector.load %arg0[%get3A_442, %get3A_443, %get3A_444] : memref<84x160x128xf32, #tpu.memory_space<vmem>>, vector<1x160x128xf32>
    %get3A_446 = vector.shape_cast %get3A_445 : vector<1x160x128xf32> to vector<160x128xf32>
    %gt3A_447 = arith.cmpf ogt, %get3A_446, %select_n3A_438 : vector<160x128xf32>
    %select_n3A_448 = arith.select %gt3A_447, %get3A_446, %select_n3A_438 : vector<160x128xi1>, vector<160x128xf32>
    %jit3A_449 = arith.constant 4.500000e+01 : f32
    %broadcast_in_dim3A_450 = vector.broadcast %jit3A_449 : f32 to vector<160x128xf32>
    %select_n3A_451 = arith.select %gt3A_447, %broadcast_in_dim3A_450, %select_n3A_441 : vector<160x128xi1>, vector<160x128xf32>
    %get3A_452 = arith.constant 50 : index
    %get3A_453 = arith.constant 0 : index
    %get3A_454 = arith.constant 0 : index
    %get3A_455 = vector.load %arg0[%get3A_452, %get3A_453, %get3A_454] : memref<84x160x128xf32, #tpu.memory_space<vmem>>, vector<1x160x128xf32>
    %get3A_456 = vector.shape_cast %get3A_455 : vector<1x160x128xf32> to vector<160x128xf32>
    %gt3A_457 = arith.cmpf ogt, %get3A_456, %select_n3A_448 : vector<160x128xf32>
    %select_n3A_458 = arith.select %gt3A_457, %get3A_456, %select_n3A_448 : vector<160x128xi1>, vector<160x128xf32>
    %jit3A_459 = arith.constant 4.600000e+01 : f32
    %broadcast_in_dim3A_460 = vector.broadcast %jit3A_459 : f32 to vector<160x128xf32>
    %select_n3A_461 = arith.select %gt3A_457, %broadcast_in_dim3A_460, %select_n3A_451 : vector<160x128xi1>, vector<160x128xf32>
    %get3A_462 = arith.constant 51 : index
    %get3A_463 = arith.constant 0 : index
    %get3A_464 = arith.constant 0 : index
    %get3A_465 = vector.load %arg0[%get3A_462, %get3A_463, %get3A_464] : memref<84x160x128xf32, #tpu.memory_space<vmem>>, vector<1x160x128xf32>
    %get3A_466 = vector.shape_cast %get3A_465 : vector<1x160x128xf32> to vector<160x128xf32>
    %gt3A_467 = arith.cmpf ogt, %get3A_466, %select_n3A_458 : vector<160x128xf32>
    %select_n3A_468 = arith.select %gt3A_467, %get3A_466, %select_n3A_458 : vector<160x128xi1>, vector<160x128xf32>
    %jit3A_469 = arith.constant 4.700000e+01 : f32
    %broadcast_in_dim3A_470 = vector.broadcast %jit3A_469 : f32 to vector<160x128xf32>
    %select_n3A_471 = arith.select %gt3A_467, %broadcast_in_dim3A_470, %select_n3A_461 : vector<160x128xi1>, vector<160x128xf32>
    %get3A_472 = arith.constant 52 : index
    %get3A_473 = arith.constant 0 : index
    %get3A_474 = arith.constant 0 : index
    %get3A_475 = vector.load %arg0[%get3A_472, %get3A_473, %get3A_474] : memref<84x160x128xf32, #tpu.memory_space<vmem>>, vector<1x160x128xf32>
    %get3A_476 = vector.shape_cast %get3A_475 : vector<1x160x128xf32> to vector<160x128xf32>
    %gt3A_477 = arith.cmpf ogt, %get3A_476, %select_n3A_468 : vector<160x128xf32>
    %select_n3A_478 = arith.select %gt3A_477, %get3A_476, %select_n3A_468 : vector<160x128xi1>, vector<160x128xf32>
    %jit3A_479 = arith.constant 4.800000e+01 : f32
    %broadcast_in_dim3A_480 = vector.broadcast %jit3A_479 : f32 to vector<160x128xf32>
    %select_n3A_481 = arith.select %gt3A_477, %broadcast_in_dim3A_480, %select_n3A_471 : vector<160x128xi1>, vector<160x128xf32>
    %get3A_482 = arith.constant 53 : index
    %get3A_483 = arith.constant 0 : index
    %get3A_484 = arith.constant 0 : index
    %get3A_485 = vector.load %arg0[%get3A_482, %get3A_483, %get3A_484] : memref<84x160x128xf32, #tpu.memory_space<vmem>>, vector<1x160x128xf32>
    %get3A_486 = vector.shape_cast %get3A_485 : vector<1x160x128xf32> to vector<160x128xf32>
    %gt3A_487 = arith.cmpf ogt, %get3A_486, %select_n3A_478 : vector<160x128xf32>
    %select_n3A_488 = arith.select %gt3A_487, %get3A_486, %select_n3A_478 : vector<160x128xi1>, vector<160x128xf32>
    %jit3A_489 = arith.constant 4.900000e+01 : f32
    %broadcast_in_dim3A_490 = vector.broadcast %jit3A_489 : f32 to vector<160x128xf32>
    %select_n3A_491 = arith.select %gt3A_487, %broadcast_in_dim3A_490, %select_n3A_481 : vector<160x128xi1>, vector<160x128xf32>
    %get3A_492 = arith.constant 54 : index
    %get3A_493 = arith.constant 0 : index
    %get3A_494 = arith.constant 0 : index
    %get3A_495 = vector.load %arg0[%get3A_492, %get3A_493, %get3A_494] : memref<84x160x128xf32, #tpu.memory_space<vmem>>, vector<1x160x128xf32>
    %get3A_496 = vector.shape_cast %get3A_495 : vector<1x160x128xf32> to vector<160x128xf32>
    %gt3A_497 = arith.cmpf ogt, %get3A_496, %select_n3A_488 : vector<160x128xf32>
    %select_n3A_498 = arith.select %gt3A_497, %get3A_496, %select_n3A_488 : vector<160x128xi1>, vector<160x128xf32>
    %jit3A_499 = arith.constant 5.000000e+01 : f32
    %broadcast_in_dim3A_500 = vector.broadcast %jit3A_499 : f32 to vector<160x128xf32>
    %select_n3A_501 = arith.select %gt3A_497, %broadcast_in_dim3A_500, %select_n3A_491 : vector<160x128xi1>, vector<160x128xf32>
    %get3A_502 = arith.constant 55 : index
    %get3A_503 = arith.constant 0 : index
    %get3A_504 = arith.constant 0 : index
    %get3A_505 = vector.load %arg0[%get3A_502, %get3A_503, %get3A_504] : memref<84x160x128xf32, #tpu.memory_space<vmem>>, vector<1x160x128xf32>
    %get3A_506 = vector.shape_cast %get3A_505 : vector<1x160x128xf32> to vector<160x128xf32>
    %gt3A_507 = arith.cmpf ogt, %get3A_506, %select_n3A_498 : vector<160x128xf32>
    %select_n3A_508 = arith.select %gt3A_507, %get3A_506, %select_n3A_498 : vector<160x128xi1>, vector<160x128xf32>
    %jit3A_509 = arith.constant 5.100000e+01 : f32
    %broadcast_in_dim3A_510 = vector.broadcast %jit3A_509 : f32 to vector<160x128xf32>
    %select_n3A_511 = arith.select %gt3A_507, %broadcast_in_dim3A_510, %select_n3A_501 : vector<160x128xi1>, vector<160x128xf32>
    %get3A_512 = arith.constant 56 : index
    %get3A_513 = arith.constant 0 : index
    %get3A_514 = arith.constant 0 : index
    %get3A_515 = vector.load %arg0[%get3A_512, %get3A_513, %get3A_514] : memref<84x160x128xf32, #tpu.memory_space<vmem>>, vector<1x160x128xf32>
    %get3A_516 = vector.shape_cast %get3A_515 : vector<1x160x128xf32> to vector<160x128xf32>
    %gt3A_517 = arith.cmpf ogt, %get3A_516, %select_n3A_508 : vector<160x128xf32>
    %select_n3A_518 = arith.select %gt3A_517, %get3A_516, %select_n3A_508 : vector<160x128xi1>, vector<160x128xf32>
    %jit3A_519 = arith.constant 5.200000e+01 : f32
    %broadcast_in_dim3A_520 = vector.broadcast %jit3A_519 : f32 to vector<160x128xf32>
    %select_n3A_521 = arith.select %gt3A_517, %broadcast_in_dim3A_520, %select_n3A_511 : vector<160x128xi1>, vector<160x128xf32>
    %get3A_522 = arith.constant 57 : index
    %get3A_523 = arith.constant 0 : index
    %get3A_524 = arith.constant 0 : index
    %get3A_525 = vector.load %arg0[%get3A_522, %get3A_523, %get3A_524] : memref<84x160x128xf32, #tpu.memory_space<vmem>>, vector<1x160x128xf32>
    %get3A_526 = vector.shape_cast %get3A_525 : vector<1x160x128xf32> to vector<160x128xf32>
    %gt3A_527 = arith.cmpf ogt, %get3A_526, %select_n3A_518 : vector<160x128xf32>
    %select_n3A_528 = arith.select %gt3A_527, %get3A_526, %select_n3A_518 : vector<160x128xi1>, vector<160x128xf32>
    %jit3A_529 = arith.constant 5.300000e+01 : f32
    %broadcast_in_dim3A_530 = vector.broadcast %jit3A_529 : f32 to vector<160x128xf32>
    %select_n3A_531 = arith.select %gt3A_527, %broadcast_in_dim3A_530, %select_n3A_521 : vector<160x128xi1>, vector<160x128xf32>
    %get3A_532 = arith.constant 58 : index
    %get3A_533 = arith.constant 0 : index
    %get3A_534 = arith.constant 0 : index
    %get3A_535 = vector.load %arg0[%get3A_532, %get3A_533, %get3A_534] : memref<84x160x128xf32, #tpu.memory_space<vmem>>, vector<1x160x128xf32>
    %get3A_536 = vector.shape_cast %get3A_535 : vector<1x160x128xf32> to vector<160x128xf32>
    %gt3A_537 = arith.cmpf ogt, %get3A_536, %select_n3A_528 : vector<160x128xf32>
    %select_n3A_538 = arith.select %gt3A_537, %get3A_536, %select_n3A_528 : vector<160x128xi1>, vector<160x128xf32>
    %jit3A_539 = arith.constant 5.400000e+01 : f32
    %broadcast_in_dim3A_540 = vector.broadcast %jit3A_539 : f32 to vector<160x128xf32>
    %select_n3A_541 = arith.select %gt3A_537, %broadcast_in_dim3A_540, %select_n3A_531 : vector<160x128xi1>, vector<160x128xf32>
    %get3A_542 = arith.constant 59 : index
    %get3A_543 = arith.constant 0 : index
    %get3A_544 = arith.constant 0 : index
    %get3A_545 = vector.load %arg0[%get3A_542, %get3A_543, %get3A_544] : memref<84x160x128xf32, #tpu.memory_space<vmem>>, vector<1x160x128xf32>
    %get3A_546 = vector.shape_cast %get3A_545 : vector<1x160x128xf32> to vector<160x128xf32>
    %gt3A_547 = arith.cmpf ogt, %get3A_546, %select_n3A_538 : vector<160x128xf32>
    %select_n3A_548 = arith.select %gt3A_547, %get3A_546, %select_n3A_538 : vector<160x128xi1>, vector<160x128xf32>
    %jit3A_549 = arith.constant 5.500000e+01 : f32
    %broadcast_in_dim3A_550 = vector.broadcast %jit3A_549 : f32 to vector<160x128xf32>
    %select_n3A_551 = arith.select %gt3A_547, %broadcast_in_dim3A_550, %select_n3A_541 : vector<160x128xi1>, vector<160x128xf32>
    %get3A_552 = arith.constant 60 : index
    %get3A_553 = arith.constant 0 : index
    %get3A_554 = arith.constant 0 : index
    %get3A_555 = vector.load %arg0[%get3A_552, %get3A_553, %get3A_554] : memref<84x160x128xf32, #tpu.memory_space<vmem>>, vector<1x160x128xf32>
    %get3A_556 = vector.shape_cast %get3A_555 : vector<1x160x128xf32> to vector<160x128xf32>
    %gt3A_557 = arith.cmpf ogt, %get3A_556, %select_n3A_548 : vector<160x128xf32>
    %select_n3A_558 = arith.select %gt3A_557, %get3A_556, %select_n3A_548 : vector<160x128xi1>, vector<160x128xf32>
    %jit3A_559 = arith.constant 5.600000e+01 : f32
    %broadcast_in_dim3A_560 = vector.broadcast %jit3A_559 : f32 to vector<160x128xf32>
    %select_n3A_561 = arith.select %gt3A_557, %broadcast_in_dim3A_560, %select_n3A_551 : vector<160x128xi1>, vector<160x128xf32>
    %get3A_562 = arith.constant 61 : index
    %get3A_563 = arith.constant 0 : index
    %get3A_564 = arith.constant 0 : index
    %get3A_565 = vector.load %arg0[%get3A_562, %get3A_563, %get3A_564] : memref<84x160x128xf32, #tpu.memory_space<vmem>>, vector<1x160x128xf32>
    %get3A_566 = vector.shape_cast %get3A_565 : vector<1x160x128xf32> to vector<160x128xf32>
    %gt3A_567 = arith.cmpf ogt, %get3A_566, %select_n3A_558 : vector<160x128xf32>
    %select_n3A_568 = arith.select %gt3A_567, %get3A_566, %select_n3A_558 : vector<160x128xi1>, vector<160x128xf32>
    %jit3A_569 = arith.constant 5.700000e+01 : f32
    %broadcast_in_dim3A_570 = vector.broadcast %jit3A_569 : f32 to vector<160x128xf32>
    %select_n3A_571 = arith.select %gt3A_567, %broadcast_in_dim3A_570, %select_n3A_561 : vector<160x128xi1>, vector<160x128xf32>
    %get3A_572 = arith.constant 62 : index
    %get3A_573 = arith.constant 0 : index
    %get3A_574 = arith.constant 0 : index
    %get3A_575 = vector.load %arg0[%get3A_572, %get3A_573, %get3A_574] : memref<84x160x128xf32, #tpu.memory_space<vmem>>, vector<1x160x128xf32>
    %get3A_576 = vector.shape_cast %get3A_575 : vector<1x160x128xf32> to vector<160x128xf32>
    %gt3A_577 = arith.cmpf ogt, %get3A_576, %select_n3A_568 : vector<160x128xf32>
    %select_n3A_578 = arith.select %gt3A_577, %get3A_576, %select_n3A_568 : vector<160x128xi1>, vector<160x128xf32>
    %jit3A_579 = arith.constant 5.800000e+01 : f32
    %broadcast_in_dim3A_580 = vector.broadcast %jit3A_579 : f32 to vector<160x128xf32>
    %select_n3A_581 = arith.select %gt3A_577, %broadcast_in_dim3A_580, %select_n3A_571 : vector<160x128xi1>, vector<160x128xf32>
    %get3A_582 = arith.constant 63 : index
    %get3A_583 = arith.constant 0 : index
    %get3A_584 = arith.constant 0 : index
    %get3A_585 = vector.load %arg0[%get3A_582, %get3A_583, %get3A_584] : memref<84x160x128xf32, #tpu.memory_space<vmem>>, vector<1x160x128xf32>
    %get3A_586 = vector.shape_cast %get3A_585 : vector<1x160x128xf32> to vector<160x128xf32>
    %gt3A_587 = arith.cmpf ogt, %get3A_586, %select_n3A_578 : vector<160x128xf32>
    %select_n3A_588 = arith.select %gt3A_587, %get3A_586, %select_n3A_578 : vector<160x128xi1>, vector<160x128xf32>
    %jit3A_589 = arith.constant 5.900000e+01 : f32
    %broadcast_in_dim3A_590 = vector.broadcast %jit3A_589 : f32 to vector<160x128xf32>
    %select_n3A_591 = arith.select %gt3A_587, %broadcast_in_dim3A_590, %select_n3A_581 : vector<160x128xi1>, vector<160x128xf32>
    %get3A_592 = arith.constant 64 : index
    %get3A_593 = arith.constant 0 : index
    %get3A_594 = arith.constant 0 : index
    %get3A_595 = vector.load %arg0[%get3A_592, %get3A_593, %get3A_594] : memref<84x160x128xf32, #tpu.memory_space<vmem>>, vector<1x160x128xf32>
    %get3A_596 = vector.shape_cast %get3A_595 : vector<1x160x128xf32> to vector<160x128xf32>
    %gt3A_597 = arith.cmpf ogt, %get3A_596, %select_n3A_588 : vector<160x128xf32>
    %select_n3A_598 = arith.select %gt3A_597, %get3A_596, %select_n3A_588 : vector<160x128xi1>, vector<160x128xf32>
    %jit3A_599 = arith.constant 6.000000e+01 : f32
    %broadcast_in_dim3A_600 = vector.broadcast %jit3A_599 : f32 to vector<160x128xf32>
    %select_n3A_601 = arith.select %gt3A_597, %broadcast_in_dim3A_600, %select_n3A_591 : vector<160x128xi1>, vector<160x128xf32>
    %get3A_602 = arith.constant 65 : index
    %get3A_603 = arith.constant 0 : index
    %get3A_604 = arith.constant 0 : index
    %get3A_605 = vector.load %arg0[%get3A_602, %get3A_603, %get3A_604] : memref<84x160x128xf32, #tpu.memory_space<vmem>>, vector<1x160x128xf32>
    %get3A_606 = vector.shape_cast %get3A_605 : vector<1x160x128xf32> to vector<160x128xf32>
    %gt3A_607 = arith.cmpf ogt, %get3A_606, %select_n3A_598 : vector<160x128xf32>
    %select_n3A_608 = arith.select %gt3A_607, %get3A_606, %select_n3A_598 : vector<160x128xi1>, vector<160x128xf32>
    %jit3A_609 = arith.constant 6.100000e+01 : f32
    %broadcast_in_dim3A_610 = vector.broadcast %jit3A_609 : f32 to vector<160x128xf32>
    %select_n3A_611 = arith.select %gt3A_607, %broadcast_in_dim3A_610, %select_n3A_601 : vector<160x128xi1>, vector<160x128xf32>
    %get3A_612 = arith.constant 66 : index
    %get3A_613 = arith.constant 0 : index
    %get3A_614 = arith.constant 0 : index
    %get3A_615 = vector.load %arg0[%get3A_612, %get3A_613, %get3A_614] : memref<84x160x128xf32, #tpu.memory_space<vmem>>, vector<1x160x128xf32>
    %get3A_616 = vector.shape_cast %get3A_615 : vector<1x160x128xf32> to vector<160x128xf32>
    %gt3A_617 = arith.cmpf ogt, %get3A_616, %select_n3A_608 : vector<160x128xf32>
    %select_n3A_618 = arith.select %gt3A_617, %get3A_616, %select_n3A_608 : vector<160x128xi1>, vector<160x128xf32>
    %jit3A_619 = arith.constant 6.200000e+01 : f32
    %broadcast_in_dim3A_620 = vector.broadcast %jit3A_619 : f32 to vector<160x128xf32>
    %select_n3A_621 = arith.select %gt3A_617, %broadcast_in_dim3A_620, %select_n3A_611 : vector<160x128xi1>, vector<160x128xf32>
    %get3A_622 = arith.constant 67 : index
    %get3A_623 = arith.constant 0 : index
    %get3A_624 = arith.constant 0 : index
    %get3A_625 = vector.load %arg0[%get3A_622, %get3A_623, %get3A_624] : memref<84x160x128xf32, #tpu.memory_space<vmem>>, vector<1x160x128xf32>
    %get3A_626 = vector.shape_cast %get3A_625 : vector<1x160x128xf32> to vector<160x128xf32>
    %gt3A_627 = arith.cmpf ogt, %get3A_626, %select_n3A_618 : vector<160x128xf32>
    %select_n3A_628 = arith.select %gt3A_627, %get3A_626, %select_n3A_618 : vector<160x128xi1>, vector<160x128xf32>
    %jit3A_629 = arith.constant 6.300000e+01 : f32
    %broadcast_in_dim3A_630 = vector.broadcast %jit3A_629 : f32 to vector<160x128xf32>
    %select_n3A_631 = arith.select %gt3A_627, %broadcast_in_dim3A_630, %select_n3A_621 : vector<160x128xi1>, vector<160x128xf32>
    %get3A_632 = arith.constant 68 : index
    %get3A_633 = arith.constant 0 : index
    %get3A_634 = arith.constant 0 : index
    %get3A_635 = vector.load %arg0[%get3A_632, %get3A_633, %get3A_634] : memref<84x160x128xf32, #tpu.memory_space<vmem>>, vector<1x160x128xf32>
    %get3A_636 = vector.shape_cast %get3A_635 : vector<1x160x128xf32> to vector<160x128xf32>
    %gt3A_637 = arith.cmpf ogt, %get3A_636, %select_n3A_628 : vector<160x128xf32>
    %select_n3A_638 = arith.select %gt3A_637, %get3A_636, %select_n3A_628 : vector<160x128xi1>, vector<160x128xf32>
    %jit3A_639 = arith.constant 6.400000e+01 : f32
    %broadcast_in_dim3A_640 = vector.broadcast %jit3A_639 : f32 to vector<160x128xf32>
    %select_n3A_641 = arith.select %gt3A_637, %broadcast_in_dim3A_640, %select_n3A_631 : vector<160x128xi1>, vector<160x128xf32>
    %get3A_642 = arith.constant 69 : index
    %get3A_643 = arith.constant 0 : index
    %get3A_644 = arith.constant 0 : index
    %get3A_645 = vector.load %arg0[%get3A_642, %get3A_643, %get3A_644] : memref<84x160x128xf32, #tpu.memory_space<vmem>>, vector<1x160x128xf32>
    %get3A_646 = vector.shape_cast %get3A_645 : vector<1x160x128xf32> to vector<160x128xf32>
    %gt3A_647 = arith.cmpf ogt, %get3A_646, %select_n3A_638 : vector<160x128xf32>
    %select_n3A_648 = arith.select %gt3A_647, %get3A_646, %select_n3A_638 : vector<160x128xi1>, vector<160x128xf32>
    %jit3A_649 = arith.constant 6.500000e+01 : f32
    %broadcast_in_dim3A_650 = vector.broadcast %jit3A_649 : f32 to vector<160x128xf32>
    %select_n3A_651 = arith.select %gt3A_647, %broadcast_in_dim3A_650, %select_n3A_641 : vector<160x128xi1>, vector<160x128xf32>
    %get3A_652 = arith.constant 70 : index
    %get3A_653 = arith.constant 0 : index
    %get3A_654 = arith.constant 0 : index
    %get3A_655 = vector.load %arg0[%get3A_652, %get3A_653, %get3A_654] : memref<84x160x128xf32, #tpu.memory_space<vmem>>, vector<1x160x128xf32>
    %get3A_656 = vector.shape_cast %get3A_655 : vector<1x160x128xf32> to vector<160x128xf32>
    %gt3A_657 = arith.cmpf ogt, %get3A_656, %select_n3A_648 : vector<160x128xf32>
    %select_n3A_658 = arith.select %gt3A_657, %get3A_656, %select_n3A_648 : vector<160x128xi1>, vector<160x128xf32>
    %jit3A_659 = arith.constant 6.600000e+01 : f32
    %broadcast_in_dim3A_660 = vector.broadcast %jit3A_659 : f32 to vector<160x128xf32>
    %select_n3A_661 = arith.select %gt3A_657, %broadcast_in_dim3A_660, %select_n3A_651 : vector<160x128xi1>, vector<160x128xf32>
    %get3A_662 = arith.constant 71 : index
    %get3A_663 = arith.constant 0 : index
    %get3A_664 = arith.constant 0 : index
    %get3A_665 = vector.load %arg0[%get3A_662, %get3A_663, %get3A_664] : memref<84x160x128xf32, #tpu.memory_space<vmem>>, vector<1x160x128xf32>
    %get3A_666 = vector.shape_cast %get3A_665 : vector<1x160x128xf32> to vector<160x128xf32>
    %gt3A_667 = arith.cmpf ogt, %get3A_666, %select_n3A_658 : vector<160x128xf32>
    %select_n3A_668 = arith.select %gt3A_667, %get3A_666, %select_n3A_658 : vector<160x128xi1>, vector<160x128xf32>
    %jit3A_669 = arith.constant 6.700000e+01 : f32
    %broadcast_in_dim3A_670 = vector.broadcast %jit3A_669 : f32 to vector<160x128xf32>
    %select_n3A_671 = arith.select %gt3A_667, %broadcast_in_dim3A_670, %select_n3A_661 : vector<160x128xi1>, vector<160x128xf32>
    %get3A_672 = arith.constant 72 : index
    %get3A_673 = arith.constant 0 : index
    %get3A_674 = arith.constant 0 : index
    %get3A_675 = vector.load %arg0[%get3A_672, %get3A_673, %get3A_674] : memref<84x160x128xf32, #tpu.memory_space<vmem>>, vector<1x160x128xf32>
    %get3A_676 = vector.shape_cast %get3A_675 : vector<1x160x128xf32> to vector<160x128xf32>
    %gt3A_677 = arith.cmpf ogt, %get3A_676, %select_n3A_668 : vector<160x128xf32>
    %select_n3A_678 = arith.select %gt3A_677, %get3A_676, %select_n3A_668 : vector<160x128xi1>, vector<160x128xf32>
    %jit3A_679 = arith.constant 6.800000e+01 : f32
    %broadcast_in_dim3A_680 = vector.broadcast %jit3A_679 : f32 to vector<160x128xf32>
    %select_n3A_681 = arith.select %gt3A_677, %broadcast_in_dim3A_680, %select_n3A_671 : vector<160x128xi1>, vector<160x128xf32>
    %get3A_682 = arith.constant 73 : index
    %get3A_683 = arith.constant 0 : index
    %get3A_684 = arith.constant 0 : index
    %get3A_685 = vector.load %arg0[%get3A_682, %get3A_683, %get3A_684] : memref<84x160x128xf32, #tpu.memory_space<vmem>>, vector<1x160x128xf32>
    %get3A_686 = vector.shape_cast %get3A_685 : vector<1x160x128xf32> to vector<160x128xf32>
    %gt3A_687 = arith.cmpf ogt, %get3A_686, %select_n3A_678 : vector<160x128xf32>
    %select_n3A_688 = arith.select %gt3A_687, %get3A_686, %select_n3A_678 : vector<160x128xi1>, vector<160x128xf32>
    %jit3A_689 = arith.constant 6.900000e+01 : f32
    %broadcast_in_dim3A_690 = vector.broadcast %jit3A_689 : f32 to vector<160x128xf32>
    %select_n3A_691 = arith.select %gt3A_687, %broadcast_in_dim3A_690, %select_n3A_681 : vector<160x128xi1>, vector<160x128xf32>
    %get3A_692 = arith.constant 74 : index
    %get3A_693 = arith.constant 0 : index
    %get3A_694 = arith.constant 0 : index
    %get3A_695 = vector.load %arg0[%get3A_692, %get3A_693, %get3A_694] : memref<84x160x128xf32, #tpu.memory_space<vmem>>, vector<1x160x128xf32>
    %get3A_696 = vector.shape_cast %get3A_695 : vector<1x160x128xf32> to vector<160x128xf32>
    %gt3A_697 = arith.cmpf ogt, %get3A_696, %select_n3A_688 : vector<160x128xf32>
    %select_n3A_698 = arith.select %gt3A_697, %get3A_696, %select_n3A_688 : vector<160x128xi1>, vector<160x128xf32>
    %jit3A_699 = arith.constant 7.000000e+01 : f32
    %broadcast_in_dim3A_700 = vector.broadcast %jit3A_699 : f32 to vector<160x128xf32>
    %select_n3A_701 = arith.select %gt3A_697, %broadcast_in_dim3A_700, %select_n3A_691 : vector<160x128xi1>, vector<160x128xf32>
    %get3A_702 = arith.constant 75 : index
    %get3A_703 = arith.constant 0 : index
    %get3A_704 = arith.constant 0 : index
    %get3A_705 = vector.load %arg0[%get3A_702, %get3A_703, %get3A_704] : memref<84x160x128xf32, #tpu.memory_space<vmem>>, vector<1x160x128xf32>
    %get3A_706 = vector.shape_cast %get3A_705 : vector<1x160x128xf32> to vector<160x128xf32>
    %gt3A_707 = arith.cmpf ogt, %get3A_706, %select_n3A_698 : vector<160x128xf32>
    %select_n3A_708 = arith.select %gt3A_707, %get3A_706, %select_n3A_698 : vector<160x128xi1>, vector<160x128xf32>
    %jit3A_709 = arith.constant 7.100000e+01 : f32
    %broadcast_in_dim3A_710 = vector.broadcast %jit3A_709 : f32 to vector<160x128xf32>
    %select_n3A_711 = arith.select %gt3A_707, %broadcast_in_dim3A_710, %select_n3A_701 : vector<160x128xi1>, vector<160x128xf32>
    %get3A_712 = arith.constant 76 : index
    %get3A_713 = arith.constant 0 : index
    %get3A_714 = arith.constant 0 : index
    %get3A_715 = vector.load %arg0[%get3A_712, %get3A_713, %get3A_714] : memref<84x160x128xf32, #tpu.memory_space<vmem>>, vector<1x160x128xf32>
    %get3A_716 = vector.shape_cast %get3A_715 : vector<1x160x128xf32> to vector<160x128xf32>
    %gt3A_717 = arith.cmpf ogt, %get3A_716, %select_n3A_708 : vector<160x128xf32>
    %select_n3A_718 = arith.select %gt3A_717, %get3A_716, %select_n3A_708 : vector<160x128xi1>, vector<160x128xf32>
    %jit3A_719 = arith.constant 7.200000e+01 : f32
    %broadcast_in_dim3A_720 = vector.broadcast %jit3A_719 : f32 to vector<160x128xf32>
    %select_n3A_721 = arith.select %gt3A_717, %broadcast_in_dim3A_720, %select_n3A_711 : vector<160x128xi1>, vector<160x128xf32>
    %get3A_722 = arith.constant 77 : index
    %get3A_723 = arith.constant 0 : index
    %get3A_724 = arith.constant 0 : index
    %get3A_725 = vector.load %arg0[%get3A_722, %get3A_723, %get3A_724] : memref<84x160x128xf32, #tpu.memory_space<vmem>>, vector<1x160x128xf32>
    %get3A_726 = vector.shape_cast %get3A_725 : vector<1x160x128xf32> to vector<160x128xf32>
    %gt3A_727 = arith.cmpf ogt, %get3A_726, %select_n3A_718 : vector<160x128xf32>
    %select_n3A_728 = arith.select %gt3A_727, %get3A_726, %select_n3A_718 : vector<160x128xi1>, vector<160x128xf32>
    %jit3A_729 = arith.constant 7.300000e+01 : f32
    %broadcast_in_dim3A_730 = vector.broadcast %jit3A_729 : f32 to vector<160x128xf32>
    %select_n3A_731 = arith.select %gt3A_727, %broadcast_in_dim3A_730, %select_n3A_721 : vector<160x128xi1>, vector<160x128xf32>
    %get3A_732 = arith.constant 78 : index
    %get3A_733 = arith.constant 0 : index
    %get3A_734 = arith.constant 0 : index
    %get3A_735 = vector.load %arg0[%get3A_732, %get3A_733, %get3A_734] : memref<84x160x128xf32, #tpu.memory_space<vmem>>, vector<1x160x128xf32>
    %get3A_736 = vector.shape_cast %get3A_735 : vector<1x160x128xf32> to vector<160x128xf32>
    %gt3A_737 = arith.cmpf ogt, %get3A_736, %select_n3A_728 : vector<160x128xf32>
    %select_n3A_738 = arith.select %gt3A_737, %get3A_736, %select_n3A_728 : vector<160x128xi1>, vector<160x128xf32>
    %jit3A_739 = arith.constant 7.400000e+01 : f32
    %broadcast_in_dim3A_740 = vector.broadcast %jit3A_739 : f32 to vector<160x128xf32>
    %select_n3A_741 = arith.select %gt3A_737, %broadcast_in_dim3A_740, %select_n3A_731 : vector<160x128xi1>, vector<160x128xf32>
    %get3A_742 = arith.constant 79 : index
    %get3A_743 = arith.constant 0 : index
    %get3A_744 = arith.constant 0 : index
    %get3A_745 = vector.load %arg0[%get3A_742, %get3A_743, %get3A_744] : memref<84x160x128xf32, #tpu.memory_space<vmem>>, vector<1x160x128xf32>
    %get3A_746 = vector.shape_cast %get3A_745 : vector<1x160x128xf32> to vector<160x128xf32>
    %gt3A_747 = arith.cmpf ogt, %get3A_746, %select_n3A_738 : vector<160x128xf32>
    %select_n3A_748 = arith.select %gt3A_747, %get3A_746, %select_n3A_738 : vector<160x128xi1>, vector<160x128xf32>
    %jit3A_749 = arith.constant 7.500000e+01 : f32
    %broadcast_in_dim3A_750 = vector.broadcast %jit3A_749 : f32 to vector<160x128xf32>
    %select_n3A_751 = arith.select %gt3A_747, %broadcast_in_dim3A_750, %select_n3A_741 : vector<160x128xi1>, vector<160x128xf32>
    %get3A_752 = arith.constant 80 : index
    %get3A_753 = arith.constant 0 : index
    %get3A_754 = arith.constant 0 : index
    %get3A_755 = vector.load %arg0[%get3A_752, %get3A_753, %get3A_754] : memref<84x160x128xf32, #tpu.memory_space<vmem>>, vector<1x160x128xf32>
    %get3A_756 = vector.shape_cast %get3A_755 : vector<1x160x128xf32> to vector<160x128xf32>
    %gt3A_757 = arith.cmpf ogt, %get3A_756, %select_n3A_748 : vector<160x128xf32>
    %select_n3A_758 = arith.select %gt3A_757, %get3A_756, %select_n3A_748 : vector<160x128xi1>, vector<160x128xf32>
    %jit3A_759 = arith.constant 7.600000e+01 : f32
    %broadcast_in_dim3A_760 = vector.broadcast %jit3A_759 : f32 to vector<160x128xf32>
    %select_n3A_761 = arith.select %gt3A_757, %broadcast_in_dim3A_760, %select_n3A_751 : vector<160x128xi1>, vector<160x128xf32>
    %get3A_762 = arith.constant 81 : index
    %get3A_763 = arith.constant 0 : index
    %get3A_764 = arith.constant 0 : index
    %get3A_765 = vector.load %arg0[%get3A_762, %get3A_763, %get3A_764] : memref<84x160x128xf32, #tpu.memory_space<vmem>>, vector<1x160x128xf32>
    %get3A_766 = vector.shape_cast %get3A_765 : vector<1x160x128xf32> to vector<160x128xf32>
    %gt3A_767 = arith.cmpf ogt, %get3A_766, %select_n3A_758 : vector<160x128xf32>
    %select_n3A_768 = arith.select %gt3A_767, %get3A_766, %select_n3A_758 : vector<160x128xi1>, vector<160x128xf32>
    %jit3A_769 = arith.constant 7.700000e+01 : f32
    %broadcast_in_dim3A_770 = vector.broadcast %jit3A_769 : f32 to vector<160x128xf32>
    %select_n3A_771 = arith.select %gt3A_767, %broadcast_in_dim3A_770, %select_n3A_761 : vector<160x128xi1>, vector<160x128xf32>
    %get3A_772 = arith.constant 82 : index
    %get3A_773 = arith.constant 0 : index
    %get3A_774 = arith.constant 0 : index
    %get3A_775 = vector.load %arg0[%get3A_772, %get3A_773, %get3A_774] : memref<84x160x128xf32, #tpu.memory_space<vmem>>, vector<1x160x128xf32>
    %get3A_776 = vector.shape_cast %get3A_775 : vector<1x160x128xf32> to vector<160x128xf32>
    %gt3A_777 = arith.cmpf ogt, %get3A_776, %select_n3A_768 : vector<160x128xf32>
    %select_n3A_778 = arith.select %gt3A_777, %get3A_776, %select_n3A_768 : vector<160x128xi1>, vector<160x128xf32>
    %jit3A_779 = arith.constant 7.800000e+01 : f32
    %broadcast_in_dim3A_780 = vector.broadcast %jit3A_779 : f32 to vector<160x128xf32>
    %select_n3A_781 = arith.select %gt3A_777, %broadcast_in_dim3A_780, %select_n3A_771 : vector<160x128xi1>, vector<160x128xf32>
    %get3A_782 = arith.constant 83 : index
    %get3A_783 = arith.constant 0 : index
    %get3A_784 = arith.constant 0 : index
    %get3A_785 = vector.load %arg0[%get3A_782, %get3A_783, %get3A_784] : memref<84x160x128xf32, #tpu.memory_space<vmem>>, vector<1x160x128xf32>
    %get3A_786 = vector.shape_cast %get3A_785 : vector<1x160x128xf32> to vector<160x128xf32>
    %gt3A_787 = arith.cmpf ogt, %get3A_786, %select_n3A_778 : vector<160x128xf32>
    %select_n3A_788 = arith.select %gt3A_787, %get3A_786, %select_n3A_778 : vector<160x128xi1>, vector<160x128xf32>
    %jit3A_789 = arith.constant 7.900000e+01 : f32
    %broadcast_in_dim3A_790 = vector.broadcast %jit3A_789 : f32 to vector<160x128xf32>
    %select_n3A_791 = arith.select %gt3A_787, %broadcast_in_dim3A_790, %select_n3A_781 : vector<160x128xi1>, vector<160x128xf32>
    %swap3A = arith.constant 0 : index
    %swap3A_792 = arith.constant 0 : index
    %swap3A_793 = vector.load %arg3[%swap3A, %swap3A_792] : memref<160x128xf32, #tpu.memory_space<vmem>>, vector<160x128xf32>
    tpu.vector_store %arg3[%swap3A, %swap3A_792], %select_n3A_791 {strides = array<i32>} : memref<160x128xf32, #tpu.memory_space<vmem>>, vector<160x128xf32>,
    %iota3A = tpu.iota {dimensions = array<i32: 1>} : vector<1x304xi32>
    %iota3A_794 = tpu.iota {dimensions = array<i32: 1>} : vector<3x128xi32>
    %iota3A_795 = tpu.iota {dimensions = array<i32: 0>} : vector<3x128xi32>
    %iota3A_796 = tpu.iota {dimensions = array<i32: 1>} : vector<1x128xi32>
    %iota3A_797 = tpu.iota {dimensions = array<i32: 0>} : vector<160x128xi32>
    %iota3A_798 = tpu.iota {dimensions = array<i32: 1>} : vector<160x128xi32>
    %mul3A = arith.constant 128 : i32
    %mul3A_799 = vector.broadcast %mul3A : i32 to vector<160x128xi32>
    %mul3A_800 = arith.muli %iota3A_797, %mul3A_799 : vector<160x128xi32>
    %add3A = arith.addi %mul3A_800, %iota3A_798 : vector<160x128xi32>
    %reduce_max3A = arith.constant dense<0xFF800000> : vector<128xf32>
    %reduce_max3A_801 = vector.multi_reduction <maximumf>, %select_n3A_788, %reduce_max3A [0] : vector<160x128xf32> to vector<128xf32>
    %broadcast_in_dim3A_802 = vector.shape_cast %reduce_max3A_801 : vector<128xf32> to vector<1x128xf32>
    %eq3A = vector.broadcast %broadcast_in_dim3A_802 : vector<1x128xf32> to vector<160x128xf32>
    %eq3A_803 = arith.cmpf oeq, %select_n3A_788, %eq3A : vector<160x128xf32>
    %jit3A_804 = arith.constant 1073741824 : i32
    %broadcast_in_dim3A_805 = vector.broadcast %jit3A_804 : i32 to vector<160x128xi32>
    %select_n3A_806 = arith.select %eq3A_803, %iota3A_797, %broadcast_in_dim3A_805 : vector<160x128xi1>, vector<160x128xi32>
    %reduce_min3A = arith.constant dense<2147483647> : vector<128xi32>
    %reduce_min3A_807 = vector.multi_reduction <minsi>, %select_n3A_806, %reduce_min3A [0] : vector<160x128xi32> to vector<128xi32>
    %broadcast_in_dim3A_808 = vector.shape_cast %reduce_min3A_807 : vector<128xi32> to vector<1x128xi32>
    %broadcast_in_dim3A_809 = arith.constant 0.000000e+00 : f32
    %broadcast_in_dim3A_810 = vector.broadcast %broadcast_in_dim3A_809 : f32 to vector<1x304xf32>
    %broadcast_in_dim3A_811 = arith.constant 0 : i32
    %broadcast_in_dim3A_812 = vector.broadcast %broadcast_in_dim3A_811 : i32 to vector<3x128xi32>
    %scan3A = arith.constant 1073741824 : i32
    %scan3A_813 = arith.constant 0 : i32
    %scan3A_814 = arith.constant 30 : i32
    %scan3A_815 = arith.addi %scan3A_813, %scan3A_814 : i32
    %scan3A_816 = arith.constant 1 : i32
    %scan3A_817:5 = scf.for %scan3A_825 = %scan3A_813 to %scan3A_815 step %scan3A_816 iter_args(%scan3A_826 = %select_n3A_788, %scan3A_827 = %broadcast_in_dim3A_802, %scan3A_828 = %broadcast_in_dim3A_808, %scan3A_829 = %broadcast_in_dim3A_810, %scan3A_830 = %broadcast_in_dim3A_812) -> (vector<160x128xf32>, vector<1x128xf32>, vector<1x128xi32>, vector<1x304xf32>, vector<3x128xi32>)  : i32 {
      %mul3A_831 = arith.constant 10 : i32
      %mul3A_832 = arith.muli %scan3A_825, %mul3A_831 : i32
      %add3A_833 = arith.constant 0 : i32
      %add3A_834 = arith.addi %mul3A_832, %add3A_833 : i32
      %reduce_max3A_835 = arith.constant dense<0xFF800000> : vector<1xf32>
      %reduce_max3A_836 = vector.multi_reduction <maximumf>, %scan3A_827, %reduce_max3A_835 [1] : vector<1x128xf32> to vector<1xf32>
      %broadcast_in_dim3A_837 = vector.shape_cast %reduce_max3A_836 : vector<1xf32> to vector<1x1xf32>
      %eq3A_838 = vector.broadcast %broadcast_in_dim3A_837 : vector<1x1xf32> to vector<1x128xf32>
      %eq3A_839 = arith.cmpf oeq, %scan3A_827, %eq3A_838 : vector<1x128xf32>
      %mul3A_840 = arith.constant 128 : i32
      %mul3A_841 = vector.broadcast %mul3A_840 : i32 to vector<1x128xi32>
      %mul3A_842 = arith.muli %scan3A_828, %mul3A_841 : vector<1x128xi32>
      %add3A_843 = arith.addi %mul3A_842, %iota3A_796 : vector<1x128xi32>
      %broadcast_in_dim3A_844 = vector.broadcast %scan3A : i32 to vector<1x128xi32>
      %select_n3A_845 = arith.select %eq3A_839, %add3A_843, %broadcast_in_dim3A_844 : vector<1x128xi1>, vector<1x128xi32>
      %reduce_min3A_846 = arith.constant dense<2147483647> : vector<1xi32>
      %reduce_min3A_847 = vector.multi_reduction <minsi>, %select_n3A_845, %reduce_min3A_846 [1] : vector<1x128xi32> to vector<1xi32>
      %broadcast_in_dim3A_848 = vector.shape_cast %reduce_min3A_847 : vector<1xi32> to vector<1x1xi32>
      %eq3A_849 = vector.broadcast %add3A_834 : i32 to vector<1x304xi32>
      %eq3A_850 = arith.cmpi eq, %iota3A, %eq3A_849 : vector<1x304xi32>
      %jit3A_851 = arith.constant 0.000000e+00 : f32
      %broadcast_in_dim3A_852 = vector.shape_cast %broadcast_in_dim3A_837 : vector<1x1xf32> to vector<1x1xf32>
      %broadcast_in_dim3A_853 = vector.broadcast %broadcast_in_dim3A_852 : vector<1x1xf32> to vector<1x304xf32>
      %broadcast_in_dim3A_854 = vector.broadcast %jit3A_851 : f32 to vector<1x304xf32>
      %select_n3A_855 = arith.select %eq3A_850, %broadcast_in_dim3A_853, %broadcast_in_dim3A_854 : vector<1x304xi1>, vector<1x304xf32>
      %add3A_856 = arith.addf %scan3A_829, %select_n3A_855 : vector<1x304xf32>
      %jit3A_857 = arith.constant 128 : i32
      %div3A = arith.divsi %add3A_834, %jit3A_857 : i32
      %sign3A = arith.constant 0 : i32
      %sign3A_858 = arith.cmpi sgt, %add3A_834, %sign3A : i32
      %sign3A_859 = arith.extui %sign3A_858 : i1 to i32
      %sign3A_860 = arith.constant 0 : i32
      %sign3A_861 = arith.cmpi slt, %add3A_834, %sign3A_860 : i32
      %sign3A_862 = arith.extui %sign3A_861 : i1 to i32
      %sign3A_863 = arith.subi %sign3A_859, %sign3A_862 : i32
      %sign3A_864 = arith.constant 0 : i32
      %sign3A_865 = arith.cmpi sgt, %jit3A_857, %sign3A_864 : i32
      %sign3A_866 = arith.extui %sign3A_865 : i1 to i32
      %sign3A_867 = arith.constant 0 : i32
      %sign3A_868 = arith.cmpi slt, %jit3A_857, %sign3A_867 : i32
      %sign3A_869 = arith.extui %sign3A_868 : i1 to i32
      %sign3A_870 = arith.subi %sign3A_866, %sign3A_869 : i32
      %ne3A = arith.cmpi ne, %sign3A_863, %sign3A_870 : i32
      %rem3A = arith.remsi %add3A_834, %jit3A_857 : i32
      %ne3A_871 = arith.constant 0 : i32
      %ne3A_872 = arith.cmpi ne, %rem3A, %ne3A_871 : i32
      %and3A = arith.andi %ne3A, %ne3A_872 : i1
      %sub3A = arith.constant 1 : i32
      %sub3A_873 = arith.subi %div3A, %sub3A : i32
      %select_n3A_874 = arith.select %and3A, %sub3A_873, %div3A : i32
      %eq3A_875 = vector.broadcast %select_n3A_874 : i32 to vector<3x128xi32>
      %eq3A_876 = arith.cmpi eq, %iota3A_795, %eq3A_875 : vector<3x128xi32>
      %jit3A_877 = arith.constant 128 : i32
      %eq3A_878 = arith.constant 0 : i32
      %eq3A_879 = arith.cmpi eq, %jit3A_877, %eq3A_878 : i32
      %jit3A_880 = arith.constant 1 : i32
      %select_n3A_881 = arith.select %eq3A_879, %jit3A_880, %jit3A_877 : i32
      %rem3A_882 = arith.remsi %add3A_834, %select_n3A_881 : i32
      %ne3A_883 = arith.constant 0 : i32
      %ne3A_884 = arith.cmpi ne, %rem3A_882, %ne3A_883 : i32
      %lt3A = arith.constant 0 : i32
      %lt3A_885 = arith.cmpi slt, %rem3A_882, %lt3A : i32
      %lt3A_886 = arith.constant 0 : i32
      %lt3A_887 = arith.cmpi slt, %select_n3A_881, %lt3A_886 : i32
      %ne3A_888 = arith.xori %lt3A_885, %lt3A_887 : i1
      %and3A_889 = arith.andi %ne3A_888, %ne3A_884 : i1
      %add3A_890 = arith.addi %rem3A_882, %select_n3A_881 : i32
      %select_n3A_891 = arith.select %and3A_889, %add3A_890, %rem3A_882 : i32
      %eq3A_892 = vector.broadcast %select_n3A_891 : i32 to vector<3x128xi32>
      %eq3A_893 = arith.cmpi eq, %iota3A_794, %eq3A_892 : vector<3x128xi32>
      %and3A_894 = arith.andi %eq3A_876, %eq3A_893 : vector<3x128xi1>
      %jit3A_895 = arith.constant 0 : i32
      %broadcast_in_dim3A_896 = vector.shape_cast %broadcast_in_dim3A_848 : vector<1x1xi32> to vector<1x1xi32>
      %broadcast_in_dim3A_897 = vector.broadcast %broadcast_in_dim3A_896 : vector<1x1xi32> to vector<3x128xi32>
      %broadcast_in_dim3A_898 = vector.broadcast %jit3A_895 : i32 to vector<3x128xi32>
      %select_n3A_899 = arith.select %and3A_894, %broadcast_in_dim3A_897, %broadcast_in_dim3A_898 : vector<3x128xi1>, vector<3x128xi32>
      %add3A_900 = arith.addi %scan3A_830, %select_n3A_899 : vector<3x128xi32>
      %eq3A_901 = vector.broadcast %broadcast_in_dim3A_848 : vector<1x1xi32> to vector<160x128xi32>
      %eq3A_902 = arith.cmpi eq, %add3A, %eq3A_901 : vector<160x128xi32>
      %jit3A_903 = arith.constant 0xFF800000 : f32
      %broadcast_in_dim3A_904 = vector.broadcast %jit3A_903 : f32 to vector<160x128xf32>
      %select_n3A_905 = arith.select %eq3A_902, %broadcast_in_dim3A_904, %scan3A_826 : vector<160x128xi1>, vector<160x128xf32>
      %jit3A_906 = arith.constant 128 : i32
      %eq3A_907 = arith.constant 0 : i32
      %eq3A_908 = arith.cmpi eq, %jit3A_906, %eq3A_907 : i32
      %jit3A_909 = arith.constant 1 : i32
      %select_n3A_910 = arith.select %eq3A_908, %jit3A_909, %jit3A_906 : i32
      %rem3A_911 = vector.broadcast %select_n3A_910 : i32 to vector<1x1xi32>
      %rem3A_912 = arith.remsi %broadcast_in_dim3A_848, %rem3A_911 : vector<1x1xi32>
      %ne3A_913 = arith.constant 0 : i32
      %ne3A_914 = vector.broadcast %ne3A_913 : i32 to vector<1x1xi32>
      %ne3A_915 = arith.cmpi ne, %rem3A_912, %ne3A_914 : vector<1x1xi32>
      %lt3A_916 = arith.constant 0 : i32
      %lt3A_917 = vector.broadcast %lt3A_916 : i32 to vector<1x1xi32>
      %lt3A_918 = arith.cmpi slt, %rem3A_912, %lt3A_917 : vector<1x1xi32>
      %lt3A_919 = arith.constant 0 : i32
      %lt3A_920 = arith.cmpi slt, %select_n3A_910, %lt3A_919 : i32
      %ne3A_921 = vector.broadcast %lt3A_920 : i1 to vector<1x1xi1>
      %ne3A_922 = vector.broadcast %ne3A_921 : vector<1x1xi1> to vector<1x1xi1>
      %ne3A_923 = arith.xori %lt3A_918, %ne3A_922 : vector<1x1xi1>
      %and3A_924 = arith.andi %ne3A_923, %ne3A_915 : vector<1x1xi1>
      %add3A_925 = vector.broadcast %select_n3A_910 : i32 to vector<1x1xi32>
      %add3A_926 = arith.addi %rem3A_912, %add3A_925 : vector<1x1xi32>
      %select_n3A_927 = arith.select %and3A_924, %add3A_926, %rem3A_912 : vector<1x1xi1>, vector<1x1xi32>
      %eq3A_928 = vector.broadcast %select_n3A_927 : vector<1x1xi32> to vector<160x128xi32>
      %eq3A_929 = arith.cmpi eq, %iota3A_798, %eq3A_928 : vector<160x128xi32>
      %jit3A_930 = arith.constant 0xFF800000 : f32
      %broadcast_in_dim3A_931 = vector.broadcast %jit3A_930 : f32 to vector<160x128xf32>
      %select_n3A_932 = arith.select %eq3A_929, %select_n3A_905, %broadcast_in_dim3A_931 : vector<160x128xi1>, vector<160x128xf32>
      %reduce_max3A_933 = arith.constant dense<0xFF800000> : vector<128xf32>
      %reduce_max3A_934 = vector.multi_reduction <maximumf>, %select_n3A_932, %reduce_max3A_933 [0] : vector<160x128xf32> to vector<128xf32>
      %broadcast_in_dim3A_935 = vector.shape_cast %reduce_max3A_934 : vector<128xf32> to vector<1x128xf32>
      %eq3A_936 = vector.broadcast %broadcast_in_dim3A_935 : vector<1x128xf32> to vector<160x128xf32>
      %eq3A_937 = arith.cmpf oeq, %select_n3A_932, %eq3A_936 : vector<160x128xf32>
      %broadcast_in_dim3A_938 = vector.broadcast %scan3A : i32 to vector<160x128xi32>
      %select_n3A_939 = arith.select %eq3A_937, %iota3A_797, %broadcast_in_dim3A_938 : vector<160x128xi1>, vector<160x128xi32>
      %reduce_min3A_940 = arith.constant dense<2147483647> : vector<128xi32>
      %reduce_min3A_941 = vector.multi_reduction <minsi>, %select_n3A_939, %reduce_min3A_940 [0] : vector<160x128xi32> to vector<128xi32>
      %broadcast_in_dim3A_942 = vector.shape_cast %reduce_min3A_941 : vector<128xi32> to vector<1x128xi32>
      %jit3A_943 = arith.constant 128 : i32
      %eq3A_944 = arith.constant 0 : i32
      %eq3A_945 = arith.cmpi eq, %jit3A_943, %eq3A_944 : i32
      %jit3A_946 = arith.constant 1 : i32
      %select_n3A_947 = arith.select %eq3A_945, %jit3A_946, %jit3A_943 : i32
      %rem3A_948 = vector.broadcast %select_n3A_947 : i32 to vector<1x1xi32>
      %rem3A_949 = arith.remsi %broadcast_in_dim3A_848, %rem3A_948 : vector<1x1xi32>
      %ne3A_950 = arith.constant 0 : i32
      %ne3A_951 = vector.broadcast %ne3A_950 : i32 to vector<1x1xi32>
      %ne3A_952 = arith.cmpi ne, %rem3A_949, %ne3A_951 : vector<1x1xi32>
      %lt3A_953 = arith.constant 0 : i32
      %lt3A_954 = vector.broadcast %lt3A_953 : i32 to vector<1x1xi32>
      %lt3A_955 = arith.cmpi slt, %rem3A_949, %lt3A_954 : vector<1x1xi32>
      %lt3A_956 = arith.constant 0 : i32
      %lt3A_957 = arith.cmpi slt, %select_n3A_947, %lt3A_956 : i32
      %ne3A_958 = vector.broadcast %lt3A_957 : i1 to vector<1x1xi1>
      %ne3A_959 = vector.broadcast %ne3A_958 : vector<1x1xi1> to vector<1x1xi1>
      %ne3A_960 = arith.xori %lt3A_955, %ne3A_959 : vector<1x1xi1>
      %and3A_961 = arith.andi %ne3A_960, %ne3A_952 : vector<1x1xi1>
      %add3A_962 = vector.broadcast %select_n3A_947 : i32 to vector<1x1xi32>
      %add3A_963 = arith.addi %rem3A_949, %add3A_962 : vector<1x1xi32>
      %select_n3A_964 = arith.select %and3A_961, %add3A_963, %rem3A_949 : vector<1x1xi1>, vector<1x1xi32>
      %eq3A_965 = vector.broadcast %select_n3A_964 : vector<1x1xi32> to vector<1x128xi32>
      %eq3A_966 = arith.cmpi eq, %iota3A_796, %eq3A_965 : vector<1x128xi32>
      %select_n3A_967 = arith.select %eq3A_966, %broadcast_in_dim3A_935, %scan3A_827 : vector<1x128xi1>, vector<1x128xf32>
      %select_n3A_968 = arith.select %eq3A_966, %broadcast_in_dim3A_942, %scan3A_828 : vector<1x128xi1>, vector<1x128xi32>
      %mul3A_969 = arith.constant 10 : i32
      %mul3A_970 = arith.muli %scan3A_825, %mul3A_969 : i32
      %add3A_971 = arith.constant 1 : i32
      %add3A_972 = arith.addi %mul3A_970, %add3A_971 : i32
      %reduce_max3A_973 = arith.constant dense<0xFF800000> : vector<1xf32>
      %reduce_max3A_974 = vector.multi_reduction <maximumf>, %select_n3A_967, %reduce_max3A_973 [1] : vector<1x128xf32> to vector<1xf32>
      %broadcast_in_dim3A_975 = vector.shape_cast %reduce_max3A_974 : vector<1xf32> to vector<1x1xf32>
      %eq3A_976 = vector.broadcast %broadcast_in_dim3A_975 : vector<1x1xf32> to vector<1x128xf32>
      %eq3A_977 = arith.cmpf oeq, %select_n3A_967, %eq3A_976 : vector<1x128xf32>
      %mul3A_978 = arith.constant 128 : i32
      %mul3A_979 = vector.broadcast %mul3A_978 : i32 to vector<1x128xi32>
      %mul3A_980 = arith.muli %select_n3A_968, %mul3A_979 : vector<1x128xi32>
      %add3A_981 = arith.addi %mul3A_980, %iota3A_796 : vector<1x128xi32>
      %broadcast_in_dim3A_982 = vector.broadcast %scan3A : i32 to vector<1x128xi32>
      %select_n3A_983 = arith.select %eq3A_977, %add3A_981, %broadcast_in_dim3A_982 : vector<1x128xi1>, vector<1x128xi32>
      %reduce_min3A_984 = arith.constant dense<2147483647> : vector<1xi32>
      %reduce_min3A_985 = vector.multi_reduction <minsi>, %select_n3A_983, %reduce_min3A_984 [1] : vector<1x128xi32> to vector<1xi32>
      %broadcast_in_dim3A_986 = vector.shape_cast %reduce_min3A_985 : vector<1xi32> to vector<1x1xi32>
      %eq3A_987 = vector.broadcast %add3A_972 : i32 to vector<1x304xi32>
      %eq3A_988 = arith.cmpi eq, %iota3A, %eq3A_987 : vector<1x304xi32>
      %jit3A_989 = arith.constant 0.000000e+00 : f32
      %broadcast_in_dim3A_990 = vector.shape_cast %broadcast_in_dim3A_975 : vector<1x1xf32> to vector<1x1xf32>
      %broadcast_in_dim3A_991 = vector.broadcast %broadcast_in_dim3A_990 : vector<1x1xf32> to vector<1x304xf32>
      %broadcast_in_dim3A_992 = vector.broadcast %jit3A_989 : f32 to vector<1x304xf32>
      %select_n3A_993 = arith.select %eq3A_988, %broadcast_in_dim3A_991, %broadcast_in_dim3A_992 : vector<1x304xi1>, vector<1x304xf32>
      %add3A_994 = arith.addf %add3A_856, %select_n3A_993 : vector<1x304xf32>
      %jit3A_995 = arith.constant 128 : i32
      %div3A_996 = arith.divsi %add3A_972, %jit3A_995 : i32
      %sign3A_997 = arith.constant 0 : i32
      %sign3A_998 = arith.cmpi sgt, %add3A_972, %sign3A_997 : i32
      %sign3A_999 = arith.extui %sign3A_998 : i1 to i32
      %sign3A_1000 = arith.constant 0 : i32
      %sign3A_1001 = arith.cmpi slt, %add3A_972, %sign3A_1000 : i32
      %sign3A_1002 = arith.extui %sign3A_1001 : i1 to i32
      %sign3A_1003 = arith.subi %sign3A_999, %sign3A_1002 : i32
      %sign3A_1004 = arith.constant 0 : i32
      %sign3A_1005 = arith.cmpi sgt, %jit3A_995, %sign3A_1004 : i32
      %sign3A_1006 = arith.extui %sign3A_1005 : i1 to i32
      %sign3A_1007 = arith.constant 0 : i32
      %sign3A_1008 = arith.cmpi slt, %jit3A_995, %sign3A_1007 : i32
      %sign3A_1009 = arith.extui %sign3A_1008 : i1 to i32
      %sign3A_1010 = arith.subi %sign3A_1006, %sign3A_1009 : i32
      %ne3A_1011 = arith.cmpi ne, %sign3A_1003, %sign3A_1010 : i32
      %rem3A_1012 = arith.remsi %add3A_972, %jit3A_995 : i32
      %ne3A_1013 = arith.constant 0 : i32
      %ne3A_1014 = arith.cmpi ne, %rem3A_1012, %ne3A_1013 : i32
      %and3A_1015 = arith.andi %ne3A_1011, %ne3A_1014 : i1
      %sub3A_1016 = arith.constant 1 : i32
      %sub3A_1017 = arith.subi %div3A_996, %sub3A_1016 : i32
      %select_n3A_1018 = arith.select %and3A_1015, %sub3A_1017, %div3A_996 : i32
      %eq3A_1019 = vector.broadcast %select_n3A_1018 : i32 to vector<3x128xi32>
      %eq3A_1020 = arith.cmpi eq, %iota3A_795, %eq3A_1019 : vector<3x128xi32>
      %jit3A_1021 = arith.constant 128 : i32
      %eq3A_1022 = arith.constant 0 : i32
      %eq3A_1023 = arith.cmpi eq, %jit3A_1021, %eq3A_1022 : i32
      %jit3A_1024 = arith.constant 1 : i32
      %select_n3A_1025 = arith.select %eq3A_1023, %jit3A_1024, %jit3A_1021 : i32
      %rem3A_1026 = arith.remsi %add3A_972, %select_n3A_1025 : i32
      %ne3A_1027 = arith.constant 0 : i32
      %ne3A_1028 = arith.cmpi ne, %rem3A_1026, %ne3A_1027 : i32
      %lt3A_1029 = arith.constant 0 : i32
      %lt3A_1030 = arith.cmpi slt, %rem3A_1026, %lt3A_1029 : i32
      %lt3A_1031 = arith.constant 0 : i32
      %lt3A_1032 = arith.cmpi slt, %select_n3A_1025, %lt3A_1031 : i32
      %ne3A_1033 = arith.xori %lt3A_1030, %lt3A_1032 : i1
      %and3A_1034 = arith.andi %ne3A_1033, %ne3A_1028 : i1
      %add3A_1035 = arith.addi %rem3A_1026, %select_n3A_1025 : i32
      %select_n3A_1036 = arith.select %and3A_1034, %add3A_1035, %rem3A_1026 : i32
      %eq3A_1037 = vector.broadcast %select_n3A_1036 : i32 to vector<3x128xi32>
      %eq3A_1038 = arith.cmpi eq, %iota3A_794, %eq3A_1037 : vector<3x128xi32>
      %and3A_1039 = arith.andi %eq3A_1020, %eq3A_1038 : vector<3x128xi1>
      %jit3A_1040 = arith.constant 0 : i32
      %broadcast_in_dim3A_1041 = vector.shape_cast %broadcast_in_dim3A_986 : vector<1x1xi32> to vector<1x1xi32>
      %broadcast_in_dim3A_1042 = vector.broadcast %broadcast_in_dim3A_1041 : vector<1x1xi32> to vector<3x128xi32>
      %broadcast_in_dim3A_1043 = vector.broadcast %jit3A_1040 : i32 to vector<3x128xi32>
      %select_n3A_1044 = arith.select %and3A_1039, %broadcast_in_dim3A_1042, %broadcast_in_dim3A_1043 : vector<3x128xi1>, vector<3x128xi32>
      %add3A_1045 = arith.addi %add3A_900, %select_n3A_1044 : vector<3x128xi32>
      %eq3A_1046 = vector.broadcast %broadcast_in_dim3A_986 : vector<1x1xi32> to vector<160x128xi32>
      %eq3A_1047 = arith.cmpi eq, %add3A, %eq3A_1046 : vector<160x128xi32>
      %jit3A_1048 = arith.constant 0xFF800000 : f32
      %broadcast_in_dim3A_1049 = vector.broadcast %jit3A_1048 : f32 to vector<160x128xf32>
      %select_n3A_1050 = arith.select %eq3A_1047, %broadcast_in_dim3A_1049, %select_n3A_905 : vector<160x128xi1>, vector<160x128xf32>
      %jit3A_1051 = arith.constant 128 : i32
      %eq3A_1052 = arith.constant 0 : i32
      %eq3A_1053 = arith.cmpi eq, %jit3A_1051, %eq3A_1052 : i32
      %jit3A_1054 = arith.constant 1 : i32
      %select_n3A_1055 = arith.select %eq3A_1053, %jit3A_1054, %jit3A_1051 : i32
      %rem3A_1056 = vector.broadcast %select_n3A_1055 : i32 to vector<1x1xi32>
      %rem3A_1057 = arith.remsi %broadcast_in_dim3A_986, %rem3A_1056 : vector<1x1xi32>
      %ne3A_1058 = arith.constant 0 : i32
      %ne3A_1059 = vector.broadcast %ne3A_1058 : i32 to vector<1x1xi32>
      %ne3A_1060 = arith.cmpi ne, %rem3A_1057, %ne3A_1059 : vector<1x1xi32>
      %lt3A_1061 = arith.constant 0 : i32
      %lt3A_1062 = vector.broadcast %lt3A_1061 : i32 to vector<1x1xi32>
      %lt3A_1063 = arith.cmpi slt, %rem3A_1057, %lt3A_1062 : vector<1x1xi32>
      %lt3A_1064 = arith.constant 0 : i32
      %lt3A_1065 = arith.cmpi slt, %select_n3A_1055, %lt3A_1064 : i32
      %ne3A_1066 = vector.broadcast %lt3A_1065 : i1 to vector<1x1xi1>
      %ne3A_1067 = vector.broadcast %ne3A_1066 : vector<1x1xi1> to vector<1x1xi1>
      %ne3A_1068 = arith.xori %lt3A_1063, %ne3A_1067 : vector<1x1xi1>
      %and3A_1069 = arith.andi %ne3A_1068, %ne3A_1060 : vector<1x1xi1>
      %add3A_1070 = vector.broadcast %select_n3A_1055 : i32 to vector<1x1xi32>
      %add3A_1071 = arith.addi %rem3A_1057, %add3A_1070 : vector<1x1xi32>
      %select_n3A_1072 = arith.select %and3A_1069, %add3A_1071, %rem3A_1057 : vector<1x1xi1>, vector<1x1xi32>
      %eq3A_1073 = vector.broadcast %select_n3A_1072 : vector<1x1xi32> to vector<160x128xi32>
      %eq3A_1074 = arith.cmpi eq, %iota3A_798, %eq3A_1073 : vector<160x128xi32>
      %jit3A_1075 = arith.constant 0xFF800000 : f32
      %broadcast_in_dim3A_1076 = vector.broadcast %jit3A_1075 : f32 to vector<160x128xf32>
      %select_n3A_1077 = arith.select %eq3A_1074, %select_n3A_1050, %broadcast_in_dim3A_1076 : vector<160x128xi1>, vector<160x128xf32>
      %reduce_max3A_1078 = arith.constant dense<0xFF800000> : vector<128xf32>
      %reduce_max3A_1079 = vector.multi_reduction <maximumf>, %select_n3A_1077, %reduce_max3A_1078 [0] : vector<160x128xf32> to vector<128xf32>
      %broadcast_in_dim3A_1080 = vector.shape_cast %reduce_max3A_1079 : vector<128xf32> to vector<1x128xf32>
      %eq3A_1081 = vector.broadcast %broadcast_in_dim3A_1080 : vector<1x128xf32> to vector<160x128xf32>
      %eq3A_1082 = arith.cmpf oeq, %select_n3A_1077, %eq3A_1081 : vector<160x128xf32>
      %broadcast_in_dim3A_1083 = vector.broadcast %scan3A : i32 to vector<160x128xi32>
      %select_n3A_1084 = arith.select %eq3A_1082, %iota3A_797, %broadcast_in_dim3A_1083 : vector<160x128xi1>, vector<160x128xi32>
      %reduce_min3A_1085 = arith.constant dense<2147483647> : vector<128xi32>
      %reduce_min3A_1086 = vector.multi_reduction <minsi>, %select_n3A_1084, %reduce_min3A_1085 [0] : vector<160x128xi32> to vector<128xi32>
      %broadcast_in_dim3A_1087 = vector.shape_cast %reduce_min3A_1086 : vector<128xi32> to vector<1x128xi32>
      %jit3A_1088 = arith.constant 128 : i32
      %eq3A_1089 = arith.constant 0 : i32
      %eq3A_1090 = arith.cmpi eq, %jit3A_1088, %eq3A_1089 : i32
      %jit3A_1091 = arith.constant 1 : i32
      %select_n3A_1092 = arith.select %eq3A_1090, %jit3A_1091, %jit3A_1088 : i32
      %rem3A_1093 = vector.broadcast %select_n3A_1092 : i32 to vector<1x1xi32>
      %rem3A_1094 = arith.remsi %broadcast_in_dim3A_986, %rem3A_1093 : vector<1x1xi32>
      %ne3A_1095 = arith.constant 0 : i32
      %ne3A_1096 = vector.broadcast %ne3A_1095 : i32 to vector<1x1xi32>
      %ne3A_1097 = arith.cmpi ne, %rem3A_1094, %ne3A_1096 : vector<1x1xi32>
      %lt3A_1098 = arith.constant 0 : i32
      %lt3A_1099 = vector.broadcast %lt3A_1098 : i32 to vector<1x1xi32>
      %lt3A_1100 = arith.cmpi slt, %rem3A_1094, %lt3A_1099 : vector<1x1xi32>
      %lt3A_1101 = arith.constant 0 : i32
      %lt3A_1102 = arith.cmpi slt, %select_n3A_1092, %lt3A_1101 : i32
      %ne3A_1103 = vector.broadcast %lt3A_1102 : i1 to vector<1x1xi1>
      %ne3A_1104 = vector.broadcast %ne3A_1103 : vector<1x1xi1> to vector<1x1xi1>
      %ne3A_1105 = arith.xori %lt3A_1100, %ne3A_1104 : vector<1x1xi1>
      %and3A_1106 = arith.andi %ne3A_1105, %ne3A_1097 : vector<1x1xi1>
      %add3A_1107 = vector.broadcast %select_n3A_1092 : i32 to vector<1x1xi32>
      %add3A_1108 = arith.addi %rem3A_1094, %add3A_1107 : vector<1x1xi32>
      %select_n3A_1109 = arith.select %and3A_1106, %add3A_1108, %rem3A_1094 : vector<1x1xi1>, vector<1x1xi32>
      %eq3A_1110 = vector.broadcast %select_n3A_1109 : vector<1x1xi32> to vector<1x128xi32>
      %eq3A_1111 = arith.cmpi eq, %iota3A_796, %eq3A_1110 : vector<1x128xi32>
      %select_n3A_1112 = arith.select %eq3A_1111, %broadcast_in_dim3A_1080, %select_n3A_967 : vector<1x128xi1>, vector<1x128xf32>
      %select_n3A_1113 = arith.select %eq3A_1111, %broadcast_in_dim3A_1087, %select_n3A_968 : vector<1x128xi1>, vector<1x128xi32>
      %mul3A_1114 = arith.constant 10 : i32
      %mul3A_1115 = arith.muli %scan3A_825, %mul3A_1114 : i32
      %add3A_1116 = arith.constant 2 : i32
      %add3A_1117 = arith.addi %mul3A_1115, %add3A_1116 : i32
      %reduce_max3A_1118 = arith.constant dense<0xFF800000> : vector<1xf32>
      %reduce_max3A_1119 = vector.multi_reduction <maximumf>, %select_n3A_1112, %reduce_max3A_1118 [1] : vector<1x128xf32> to vector<1xf32>
      %broadcast_in_dim3A_1120 = vector.shape_cast %reduce_max3A_1119 : vector<1xf32> to vector<1x1xf32>
      %eq3A_1121 = vector.broadcast %broadcast_in_dim3A_1120 : vector<1x1xf32> to vector<1x128xf32>
      %eq3A_1122 = arith.cmpf oeq, %select_n3A_1112, %eq3A_1121 : vector<1x128xf32>
      %mul3A_1123 = arith.constant 128 : i32
      %mul3A_1124 = vector.broadcast %mul3A_1123 : i32 to vector<1x128xi32>
      %mul3A_1125 = arith.muli %select_n3A_1113, %mul3A_1124 : vector<1x128xi32>
      %add3A_1126 = arith.addi %mul3A_1125, %iota3A_796 : vector<1x128xi32>
      %broadcast_in_dim3A_1127 = vector.broadcast %scan3A : i32 to vector<1x128xi32>
      %select_n3A_1128 = arith.select %eq3A_1122, %add3A_1126, %broadcast_in_dim3A_1127 : vector<1x128xi1>, vector<1x128xi32>
      %reduce_min3A_1129 = arith.constant dense<2147483647> : vector<1xi32>
      %reduce_min3A_1130 = vector.multi_reduction <minsi>, %select_n3A_1128, %reduce_min3A_1129 [1] : vector<1x128xi32> to vector<1xi32>
      %broadcast_in_dim3A_1131 = vector.shape_cast %reduce_min3A_1130 : vector<1xi32> to vector<1x1xi32>
      %eq3A_1132 = vector.broadcast %add3A_1117 : i32 to vector<1x304xi32>
      %eq3A_1133 = arith.cmpi eq, %iota3A, %eq3A_1132 : vector<1x304xi32>
      %jit3A_1134 = arith.constant 0.000000e+00 : f32
      %broadcast_in_dim3A_1135 = vector.shape_cast %broadcast_in_dim3A_1120 : vector<1x1xf32> to vector<1x1xf32>
      %broadcast_in_dim3A_1136 = vector.broadcast %broadcast_in_dim3A_1135 : vector<1x1xf32> to vector<1x304xf32>
      %broadcast_in_dim3A_1137 = vector.broadcast %jit3A_1134 : f32 to vector<1x304xf32>
      %select_n3A_1138 = arith.select %eq3A_1133, %broadcast_in_dim3A_1136, %broadcast_in_dim3A_1137 : vector<1x304xi1>, vector<1x304xf32>
      %add3A_1139 = arith.addf %add3A_994, %select_n3A_1138 : vector<1x304xf32>
      %jit3A_1140 = arith.constant 128 : i32
      %div3A_1141 = arith.divsi %add3A_1117, %jit3A_1140 : i32
      %sign3A_1142 = arith.constant 0 : i32
      %sign3A_1143 = arith.cmpi sgt, %add3A_1117, %sign3A_1142 : i32
      %sign3A_1144 = arith.extui %sign3A_1143 : i1 to i32
      %sign3A_1145 = arith.constant 0 : i32
      %sign3A_1146 = arith.cmpi slt, %add3A_1117, %sign3A_1145 : i32
      %sign3A_1147 = arith.extui %sign3A_1146 : i1 to i32
      %sign3A_1148 = arith.subi %sign3A_1144, %sign3A_1147 : i32
      %sign3A_1149 = arith.constant 0 : i32
      %sign3A_1150 = arith.cmpi sgt, %jit3A_1140, %sign3A_1149 : i32
      %sign3A_1151 = arith.extui %sign3A_1150 : i1 to i32
      %sign3A_1152 = arith.constant 0 : i32
      %sign3A_1153 = arith.cmpi slt, %jit3A_1140, %sign3A_1152 : i32
      %sign3A_1154 = arith.extui %sign3A_1153 : i1 to i32
      %sign3A_1155 = arith.subi %sign3A_1151, %sign3A_1154 : i32
      %ne3A_1156 = arith.cmpi ne, %sign3A_1148, %sign3A_1155 : i32
      %rem3A_1157 = arith.remsi %add3A_1117, %jit3A_1140 : i32
      %ne3A_1158 = arith.constant 0 : i32
      %ne3A_1159 = arith.cmpi ne, %rem3A_1157, %ne3A_1158 : i32
      %and3A_1160 = arith.andi %ne3A_1156, %ne3A_1159 : i1
      %sub3A_1161 = arith.constant 1 : i32
      %sub3A_1162 = arith.subi %div3A_1141, %sub3A_1161 : i32
      %select_n3A_1163 = arith.select %and3A_1160, %sub3A_1162, %div3A_1141 : i32
      %eq3A_1164 = vector.broadcast %select_n3A_1163 : i32 to vector<3x128xi32>
      %eq3A_1165 = arith.cmpi eq, %iota3A_795, %eq3A_1164 : vector<3x128xi32>
      %jit3A_1166 = arith.constant 128 : i32
      %eq3A_1167 = arith.constant 0 : i32
      %eq3A_1168 = arith.cmpi eq, %jit3A_1166, %eq3A_1167 : i32
      %jit3A_1169 = arith.constant 1 : i32
      %select_n3A_1170 = arith.select %eq3A_1168, %jit3A_1169, %jit3A_1166 : i32
      %rem3A_1171 = arith.remsi %add3A_1117, %select_n3A_1170 : i32
      %ne3A_1172 = arith.constant 0 : i32
      %ne3A_1173 = arith.cmpi ne, %rem3A_1171, %ne3A_1172 : i32
      %lt3A_1174 = arith.constant 0 : i32
      %lt3A_1175 = arith.cmpi slt, %rem3A_1171, %lt3A_1174 : i32
      %lt3A_1176 = arith.constant 0 : i32
      %lt3A_1177 = arith.cmpi slt, %select_n3A_1170, %lt3A_1176 : i32
      %ne3A_1178 = arith.xori %lt3A_1175, %lt3A_1177 : i1
      %and3A_1179 = arith.andi %ne3A_1178, %ne3A_1173 : i1
      %add3A_1180 = arith.addi %rem3A_1171, %select_n3A_1170 : i32
      %select_n3A_1181 = arith.select %and3A_1179, %add3A_1180, %rem3A_1171 : i32
      %eq3A_1182 = vector.broadcast %select_n3A_1181 : i32 to vector<3x128xi32>
      %eq3A_1183 = arith.cmpi eq, %iota3A_794, %eq3A_1182 : vector<3x128xi32>
      %and3A_1184 = arith.andi %eq3A_1165, %eq3A_1183 : vector<3x128xi1>
      %jit3A_1185 = arith.constant 0 : i32
      %broadcast_in_dim3A_1186 = vector.shape_cast %broadcast_in_dim3A_1131 : vector<1x1xi32> to vector<1x1xi32>
      %broadcast_in_dim3A_1187 = vector.broadcast %broadcast_in_dim3A_1186 : vector<1x1xi32> to vector<3x128xi32>
      %broadcast_in_dim3A_1188 = vector.broadcast %jit3A_1185 : i32 to vector<3x128xi32>
      %select_n3A_1189 = arith.select %and3A_1184, %broadcast_in_dim3A_1187, %broadcast_in_dim3A_1188 : vector<3x128xi1>, vector<3x128xi32>
      %add3A_1190 = arith.addi %add3A_1045, %select_n3A_1189 : vector<3x128xi32>
      %eq3A_1191 = vector.broadcast %broadcast_in_dim3A_1131 : vector<1x1xi32> to vector<160x128xi32>
      %eq3A_1192 = arith.cmpi eq, %add3A, %eq3A_1191 : vector<160x128xi32>
      %jit3A_1193 = arith.constant 0xFF800000 : f32
      %broadcast_in_dim3A_1194 = vector.broadcast %jit3A_1193 : f32 to vector<160x128xf32>
      %select_n3A_1195 = arith.select %eq3A_1192, %broadcast_in_dim3A_1194, %select_n3A_1050 : vector<160x128xi1>, vector<160x128xf32>
      %jit3A_1196 = arith.constant 128 : i32
      %eq3A_1197 = arith.constant 0 : i32
      %eq3A_1198 = arith.cmpi eq, %jit3A_1196, %eq3A_1197 : i32
      %jit3A_1199 = arith.constant 1 : i32
      %select_n3A_1200 = arith.select %eq3A_1198, %jit3A_1199, %jit3A_1196 : i32
      %rem3A_1201 = vector.broadcast %select_n3A_1200 : i32 to vector<1x1xi32>
      %rem3A_1202 = arith.remsi %broadcast_in_dim3A_1131, %rem3A_1201 : vector<1x1xi32>
      %ne3A_1203 = arith.constant 0 : i32
      %ne3A_1204 = vector.broadcast %ne3A_1203 : i32 to vector<1x1xi32>
      %ne3A_1205 = arith.cmpi ne, %rem3A_1202, %ne3A_1204 : vector<1x1xi32>
      %lt3A_1206 = arith.constant 0 : i32
      %lt3A_1207 = vector.broadcast %lt3A_1206 : i32 to vector<1x1xi32>
      %lt3A_1208 = arith.cmpi slt, %rem3A_1202, %lt3A_1207 : vector<1x1xi32>
      %lt3A_1209 = arith.constant 0 : i32
      %lt3A_1210 = arith.cmpi slt, %select_n3A_1200, %lt3A_1209 : i32
      %ne3A_1211 = vector.broadcast %lt3A_1210 : i1 to vector<1x1xi1>
      %ne3A_1212 = vector.broadcast %ne3A_1211 : vector<1x1xi1> to vector<1x1xi1>
      %ne3A_1213 = arith.xori %lt3A_1208, %ne3A_1212 : vector<1x1xi1>
      %and3A_1214 = arith.andi %ne3A_1213, %ne3A_1205 : vector<1x1xi1>
      %add3A_1215 = vector.broadcast %select_n3A_1200 : i32 to vector<1x1xi32>
      %add3A_1216 = arith.addi %rem3A_1202, %add3A_1215 : vector<1x1xi32>
      %select_n3A_1217 = arith.select %and3A_1214, %add3A_1216, %rem3A_1202 : vector<1x1xi1>, vector<1x1xi32>
      %eq3A_1218 = vector.broadcast %select_n3A_1217 : vector<1x1xi32> to vector<160x128xi32>
      %eq3A_1219 = arith.cmpi eq, %iota3A_798, %eq3A_1218 : vector<160x128xi32>
      %jit3A_1220 = arith.constant 0xFF800000 : f32
      %broadcast_in_dim3A_1221 = vector.broadcast %jit3A_1220 : f32 to vector<160x128xf32>
      %select_n3A_1222 = arith.select %eq3A_1219, %select_n3A_1195, %broadcast_in_dim3A_1221 : vector<160x128xi1>, vector<160x128xf32>
      %reduce_max3A_1223 = arith.constant dense<0xFF800000> : vector<128xf32>
      %reduce_max3A_1224 = vector.multi_reduction <maximumf>, %select_n3A_1222, %reduce_max3A_1223 [0] : vector<160x128xf32> to vector<128xf32>
      %broadcast_in_dim3A_1225 = vector.shape_cast %reduce_max3A_1224 : vector<128xf32> to vector<1x128xf32>
      %eq3A_1226 = vector.broadcast %broadcast_in_dim3A_1225 : vector<1x128xf32> to vector<160x128xf32>
      %eq3A_1227 = arith.cmpf oeq, %select_n3A_1222, %eq3A_1226 : vector<160x128xf32>
      %broadcast_in_dim3A_1228 = vector.broadcast %scan3A : i32 to vector<160x128xi32>
      %select_n3A_1229 = arith.select %eq3A_1227, %iota3A_797, %broadcast_in_dim3A_1228 : vector<160x128xi1>, vector<160x128xi32>
      %reduce_min3A_1230 = arith.constant dense<2147483647> : vector<128xi32>
      %reduce_min3A_1231 = vector.multi_reduction <minsi>, %select_n3A_1229, %reduce_min3A_1230 [0] : vector<160x128xi32> to vector<128xi32>
      %broadcast_in_dim3A_1232 = vector.shape_cast %reduce_min3A_1231 : vector<128xi32> to vector<1x128xi32>
      %jit3A_1233 = arith.constant 128 : i32
      %eq3A_1234 = arith.constant 0 : i32
      %eq3A_1235 = arith.cmpi eq, %jit3A_1233, %eq3A_1234 : i32
      %jit3A_1236 = arith.constant 1 : i32
      %select_n3A_1237 = arith.select %eq3A_1235, %jit3A_1236, %jit3A_1233 : i32
      %rem3A_1238 = vector.broadcast %select_n3A_1237 : i32 to vector<1x1xi32>
      %rem3A_1239 = arith.remsi %broadcast_in_dim3A_1131, %rem3A_1238 : vector<1x1xi32>
      %ne3A_1240 = arith.constant 0 : i32
      %ne3A_1241 = vector.broadcast %ne3A_1240 : i32 to vector<1x1xi32>
      %ne3A_1242 = arith.cmpi ne, %rem3A_1239, %ne3A_1241 : vector<1x1xi32>
      %lt3A_1243 = arith.constant 0 : i32
      %lt3A_1244 = vector.broadcast %lt3A_1243 : i32 to vector<1x1xi32>
      %lt3A_1245 = arith.cmpi slt, %rem3A_1239, %lt3A_1244 : vector<1x1xi32>
      %lt3A_1246 = arith.constant 0 : i32
      %lt3A_1247 = arith.cmpi slt, %select_n3A_1237, %lt3A_1246 : i32
      %ne3A_1248 = vector.broadcast %lt3A_1247 : i1 to vector<1x1xi1>
      %ne3A_1249 = vector.broadcast %ne3A_1248 : vector<1x1xi1> to vector<1x1xi1>
      %ne3A_1250 = arith.xori %lt3A_1245, %ne3A_1249 : vector<1x1xi1>
      %and3A_1251 = arith.andi %ne3A_1250, %ne3A_1242 : vector<1x1xi1>
      %add3A_1252 = vector.broadcast %select_n3A_1237 : i32 to vector<1x1xi32>
      %add3A_1253 = arith.addi %rem3A_1239, %add3A_1252 : vector<1x1xi32>
      %select_n3A_1254 = arith.select %and3A_1251, %add3A_1253, %rem3A_1239 : vector<1x1xi1>, vector<1x1xi32>
      %eq3A_1255 = vector.broadcast %select_n3A_1254 : vector<1x1xi32> to vector<1x128xi32>
      %eq3A_1256 = arith.cmpi eq, %iota3A_796, %eq3A_1255 : vector<1x128xi32>
      %select_n3A_1257 = arith.select %eq3A_1256, %broadcast_in_dim3A_1225, %select_n3A_1112 : vector<1x128xi1>, vector<1x128xf32>
      %select_n3A_1258 = arith.select %eq3A_1256, %broadcast_in_dim3A_1232, %select_n3A_1113 : vector<1x128xi1>, vector<1x128xi32>
      %mul3A_1259 = arith.constant 10 : i32
      %mul3A_1260 = arith.muli %scan3A_825, %mul3A_1259 : i32
      %add3A_1261 = arith.constant 3 : i32
      %add3A_1262 = arith.addi %mul3A_1260, %add3A_1261 : i32
      %reduce_max3A_1263 = arith.constant dense<0xFF800000> : vector<1xf32>
      %reduce_max3A_1264 = vector.multi_reduction <maximumf>, %select_n3A_1257, %reduce_max3A_1263 [1] : vector<1x128xf32> to vector<1xf32>
      %broadcast_in_dim3A_1265 = vector.shape_cast %reduce_max3A_1264 : vector<1xf32> to vector<1x1xf32>
      %eq3A_1266 = vector.broadcast %broadcast_in_dim3A_1265 : vector<1x1xf32> to vector<1x128xf32>
      %eq3A_1267 = arith.cmpf oeq, %select_n3A_1257, %eq3A_1266 : vector<1x128xf32>
      %mul3A_1268 = arith.constant 128 : i32
      %mul3A_1269 = vector.broadcast %mul3A_1268 : i32 to vector<1x128xi32>
      %mul3A_1270 = arith.muli %select_n3A_1258, %mul3A_1269 : vector<1x128xi32>
      %add3A_1271 = arith.addi %mul3A_1270, %iota3A_796 : vector<1x128xi32>
      %broadcast_in_dim3A_1272 = vector.broadcast %scan3A : i32 to vector<1x128xi32>
      %select_n3A_1273 = arith.select %eq3A_1267, %add3A_1271, %broadcast_in_dim3A_1272 : vector<1x128xi1>, vector<1x128xi32>
      %reduce_min3A_1274 = arith.constant dense<2147483647> : vector<1xi32>
      %reduce_min3A_1275 = vector.multi_reduction <minsi>, %select_n3A_1273, %reduce_min3A_1274 [1] : vector<1x128xi32> to vector<1xi32>
      %broadcast_in_dim3A_1276 = vector.shape_cast %reduce_min3A_1275 : vector<1xi32> to vector<1x1xi32>
      %eq3A_1277 = vector.broadcast %add3A_1262 : i32 to vector<1x304xi32>
      %eq3A_1278 = arith.cmpi eq, %iota3A, %eq3A_1277 : vector<1x304xi32>
      %jit3A_1279 = arith.constant 0.000000e+00 : f32
      %broadcast_in_dim3A_1280 = vector.shape_cast %broadcast_in_dim3A_1265 : vector<1x1xf32> to vector<1x1xf32>
      %broadcast_in_dim3A_1281 = vector.broadcast %broadcast_in_dim3A_1280 : vector<1x1xf32> to vector<1x304xf32>
      %broadcast_in_dim3A_1282 = vector.broadcast %jit3A_1279 : f32 to vector<1x304xf32>
      %select_n3A_1283 = arith.select %eq3A_1278, %broadcast_in_dim3A_1281, %broadcast_in_dim3A_1282 : vector<1x304xi1>, vector<1x304xf32>
      %add3A_1284 = arith.addf %add3A_1139, %select_n3A_1283 : vector<1x304xf32>
      %jit3A_1285 = arith.constant 128 : i32
      %div3A_1286 = arith.divsi %add3A_1262, %jit3A_1285 : i32
      %sign3A_1287 = arith.constant 0 : i32
      %sign3A_1288 = arith.cmpi sgt, %add3A_1262, %sign3A_1287 : i32
      %sign3A_1289 = arith.extui %sign3A_1288 : i1 to i32
      %sign3A_1290 = arith.constant 0 : i32
      %sign3A_1291 = arith.cmpi slt, %add3A_1262, %sign3A_1290 : i32
      %sign3A_1292 = arith.extui %sign3A_1291 : i1 to i32
      %sign3A_1293 = arith.subi %sign3A_1289, %sign3A_1292 : i32
      %sign3A_1294 = arith.constant 0 : i32
      %sign3A_1295 = arith.cmpi sgt, %jit3A_1285, %sign3A_1294 : i32
      %sign3A_1296 = arith.extui %sign3A_1295 : i1 to i32
      %sign3A_1297 = arith.constant 0 : i32
      %sign3A_1298 = arith.cmpi slt, %jit3A_1285, %sign3A_1297 : i32
      %sign3A_1299 = arith.extui %sign3A_1298 : i1 to i32
      %sign3A_1300 = arith.subi %sign3A_1296, %sign3A_1299 : i32
      %ne3A_1301 = arith.cmpi ne, %sign3A_1293, %sign3A_1300 : i32
      %rem3A_1302 = arith.remsi %add3A_1262, %jit3A_1285 : i32
      %ne3A_1303 = arith.constant 0 : i32
      %ne3A_1304 = arith.cmpi ne, %rem3A_1302, %ne3A_1303 : i32
      %and3A_1305 = arith.andi %ne3A_1301, %ne3A_1304 : i1
      %sub3A_1306 = arith.constant 1 : i32
      %sub3A_1307 = arith.subi %div3A_1286, %sub3A_1306 : i32
      %select_n3A_1308 = arith.select %and3A_1305, %sub3A_1307, %div3A_1286 : i32
      %eq3A_1309 = vector.broadcast %select_n3A_1308 : i32 to vector<3x128xi32>
      %eq3A_1310 = arith.cmpi eq, %iota3A_795, %eq3A_1309 : vector<3x128xi32>
      %jit3A_1311 = arith.constant 128 : i32
      %eq3A_1312 = arith.constant 0 : i32
      %eq3A_1313 = arith.cmpi eq, %jit3A_1311, %eq3A_1312 : i32
      %jit3A_1314 = arith.constant 1 : i32
      %select_n3A_1315 = arith.select %eq3A_1313, %jit3A_1314, %jit3A_1311 : i32
      %rem3A_1316 = arith.remsi %add3A_1262, %select_n3A_1315 : i32
      %ne3A_1317 = arith.constant 0 : i32
      %ne3A_1318 = arith.cmpi ne, %rem3A_1316, %ne3A_1317 : i32
      %lt3A_1319 = arith.constant 0 : i32
      %lt3A_1320 = arith.cmpi slt, %rem3A_1316, %lt3A_1319 : i32
      %lt3A_1321 = arith.constant 0 : i32
      %lt3A_1322 = arith.cmpi slt, %select_n3A_1315, %lt3A_1321 : i32
      %ne3A_1323 = arith.xori %lt3A_1320, %lt3A_1322 : i1
      %and3A_1324 = arith.andi %ne3A_1323, %ne3A_1318 : i1
      %add3A_1325 = arith.addi %rem3A_1316, %select_n3A_1315 : i32
      %select_n3A_1326 = arith.select %and3A_1324, %add3A_1325, %rem3A_1316 : i32
      %eq3A_1327 = vector.broadcast %select_n3A_1326 : i32 to vector<3x128xi32>
      %eq3A_1328 = arith.cmpi eq, %iota3A_794, %eq3A_1327 : vector<3x128xi32>
      %and3A_1329 = arith.andi %eq3A_1310, %eq3A_1328 : vector<3x128xi1>
      %jit3A_1330 = arith.constant 0 : i32
      %broadcast_in_dim3A_1331 = vector.shape_cast %broadcast_in_dim3A_1276 : vector<1x1xi32> to vector<1x1xi32>
      %broadcast_in_dim3A_1332 = vector.broadcast %broadcast_in_dim3A_1331 : vector<1x1xi32> to vector<3x128xi32>
      %broadcast_in_dim3A_1333 = vector.broadcast %jit3A_1330 : i32 to vector<3x128xi32>
      %select_n3A_1334 = arith.select %and3A_1329, %broadcast_in_dim3A_1332, %broadcast_in_dim3A_1333 : vector<3x128xi1>, vector<3x128xi32>
      %add3A_1335 = arith.addi %add3A_1190, %select_n3A_1334 : vector<3x128xi32>
      %eq3A_1336 = vector.broadcast %broadcast_in_dim3A_1276 : vector<1x1xi32> to vector<160x128xi32>
      %eq3A_1337 = arith.cmpi eq, %add3A, %eq3A_1336 : vector<160x128xi32>
      %jit3A_1338 = arith.constant 0xFF800000 : f32
      %broadcast_in_dim3A_1339 = vector.broadcast %jit3A_1338 : f32 to vector<160x128xf32>
      %select_n3A_1340 = arith.select %eq3A_1337, %broadcast_in_dim3A_1339, %select_n3A_1195 : vector<160x128xi1>, vector<160x128xf32>
      %jit3A_1341 = arith.constant 128 : i32
      %eq3A_1342 = arith.constant 0 : i32
      %eq3A_1343 = arith.cmpi eq, %jit3A_1341, %eq3A_1342 : i32
      %jit3A_1344 = arith.constant 1 : i32
      %select_n3A_1345 = arith.select %eq3A_1343, %jit3A_1344, %jit3A_1341 : i32
      %rem3A_1346 = vector.broadcast %select_n3A_1345 : i32 to vector<1x1xi32>
      %rem3A_1347 = arith.remsi %broadcast_in_dim3A_1276, %rem3A_1346 : vector<1x1xi32>
      %ne3A_1348 = arith.constant 0 : i32
      %ne3A_1349 = vector.broadcast %ne3A_1348 : i32 to vector<1x1xi32>
      %ne3A_1350 = arith.cmpi ne, %rem3A_1347, %ne3A_1349 : vector<1x1xi32>
      %lt3A_1351 = arith.constant 0 : i32
      %lt3A_1352 = vector.broadcast %lt3A_1351 : i32 to vector<1x1xi32>
      %lt3A_1353 = arith.cmpi slt, %rem3A_1347, %lt3A_1352 : vector<1x1xi32>
      %lt3A_1354 = arith.constant 0 : i32
      %lt3A_1355 = arith.cmpi slt, %select_n3A_1345, %lt3A_1354 : i32
      %ne3A_1356 = vector.broadcast %lt3A_1355 : i1 to vector<1x1xi1>
      %ne3A_1357 = vector.broadcast %ne3A_1356 : vector<1x1xi1> to vector<1x1xi1>
      %ne3A_1358 = arith.xori %lt3A_1353, %ne3A_1357 : vector<1x1xi1>
      %and3A_1359 = arith.andi %ne3A_1358, %ne3A_1350 : vector<1x1xi1>
      %add3A_1360 = vector.broadcast %select_n3A_1345 : i32 to vector<1x1xi32>
      %add3A_1361 = arith.addi %rem3A_1347, %add3A_1360 : vector<1x1xi32>
      %select_n3A_1362 = arith.select %and3A_1359, %add3A_1361, %rem3A_1347 : vector<1x1xi1>, vector<1x1xi32>
      %eq3A_1363 = vector.broadcast %select_n3A_1362 : vector<1x1xi32> to vector<160x128xi32>
      %eq3A_1364 = arith.cmpi eq, %iota3A_798, %eq3A_1363 : vector<160x128xi32>
      %jit3A_1365 = arith.constant 0xFF800000 : f32
      %broadcast_in_dim3A_1366 = vector.broadcast %jit3A_1365 : f32 to vector<160x128xf32>
      %select_n3A_1367 = arith.select %eq3A_1364, %select_n3A_1340, %broadcast_in_dim3A_1366 : vector<160x128xi1>, vector<160x128xf32>
      %reduce_max3A_1368 = arith.constant dense<0xFF800000> : vector<128xf32>
      %reduce_max3A_1369 = vector.multi_reduction <maximumf>, %select_n3A_1367, %reduce_max3A_1368 [0] : vector<160x128xf32> to vector<128xf32>
      %broadcast_in_dim3A_1370 = vector.shape_cast %reduce_max3A_1369 : vector<128xf32> to vector<1x128xf32>
      %eq3A_1371 = vector.broadcast %broadcast_in_dim3A_1370 : vector<1x128xf32> to vector<160x128xf32>
      %eq3A_1372 = arith.cmpf oeq, %select_n3A_1367, %eq3A_1371 : vector<160x128xf32>
      %broadcast_in_dim3A_1373 = vector.broadcast %scan3A : i32 to vector<160x128xi32>
      %select_n3A_1374 = arith.select %eq3A_1372, %iota3A_797, %broadcast_in_dim3A_1373 : vector<160x128xi1>, vector<160x128xi32>
      %reduce_min3A_1375 = arith.constant dense<2147483647> : vector<128xi32>
      %reduce_min3A_1376 = vector.multi_reduction <minsi>, %select_n3A_1374, %reduce_min3A_1375 [0] : vector<160x128xi32> to vector<128xi32>
      %broadcast_in_dim3A_1377 = vector.shape_cast %reduce_min3A_1376 : vector<128xi32> to vector<1x128xi32>
      %jit3A_1378 = arith.constant 128 : i32
      %eq3A_1379 = arith.constant 0 : i32
      %eq3A_1380 = arith.cmpi eq, %jit3A_1378, %eq3A_1379 : i32
      %jit3A_1381 = arith.constant 1 : i32
      %select_n3A_1382 = arith.select %eq3A_1380, %jit3A_1381, %jit3A_1378 : i32
      %rem3A_1383 = vector.broadcast %select_n3A_1382 : i32 to vector<1x1xi32>
      %rem3A_1384 = arith.remsi %broadcast_in_dim3A_1276, %rem3A_1383 : vector<1x1xi32>
      %ne3A_1385 = arith.constant 0 : i32
      %ne3A_1386 = vector.broadcast %ne3A_1385 : i32 to vector<1x1xi32>
      %ne3A_1387 = arith.cmpi ne, %rem3A_1384, %ne3A_1386 : vector<1x1xi32>
      %lt3A_1388 = arith.constant 0 : i32
      %lt3A_1389 = vector.broadcast %lt3A_1388 : i32 to vector<1x1xi32>
      %lt3A_1390 = arith.cmpi slt, %rem3A_1384, %lt3A_1389 : vector<1x1xi32>
      %lt3A_1391 = arith.constant 0 : i32
      %lt3A_1392 = arith.cmpi slt, %select_n3A_1382, %lt3A_1391 : i32
      %ne3A_1393 = vector.broadcast %lt3A_1392 : i1 to vector<1x1xi1>
      %ne3A_1394 = vector.broadcast %ne3A_1393 : vector<1x1xi1> to vector<1x1xi1>
      %ne3A_1395 = arith.xori %lt3A_1390, %ne3A_1394 : vector<1x1xi1>
      %and3A_1396 = arith.andi %ne3A_1395, %ne3A_1387 : vector<1x1xi1>
      %add3A_1397 = vector.broadcast %select_n3A_1382 : i32 to vector<1x1xi32>
      %add3A_1398 = arith.addi %rem3A_1384, %add3A_1397 : vector<1x1xi32>
      %select_n3A_1399 = arith.select %and3A_1396, %add3A_1398, %rem3A_1384 : vector<1x1xi1>, vector<1x1xi32>
      %eq3A_1400 = vector.broadcast %select_n3A_1399 : vector<1x1xi32> to vector<1x128xi32>
      %eq3A_1401 = arith.cmpi eq, %iota3A_796, %eq3A_1400 : vector<1x128xi32>
      %select_n3A_1402 = arith.select %eq3A_1401, %broadcast_in_dim3A_1370, %select_n3A_1257 : vector<1x128xi1>, vector<1x128xf32>
      %select_n3A_1403 = arith.select %eq3A_1401, %broadcast_in_dim3A_1377, %select_n3A_1258 : vector<1x128xi1>, vector<1x128xi32>
      %mul3A_1404 = arith.constant 10 : i32
      %mul3A_1405 = arith.muli %scan3A_825, %mul3A_1404 : i32
      %add3A_1406 = arith.constant 4 : i32
      %add3A_1407 = arith.addi %mul3A_1405, %add3A_1406 : i32
      %reduce_max3A_1408 = arith.constant dense<0xFF800000> : vector<1xf32>
      %reduce_max3A_1409 = vector.multi_reduction <maximumf>, %select_n3A_1402, %reduce_max3A_1408 [1] : vector<1x128xf32> to vector<1xf32>
      %broadcast_in_dim3A_1410 = vector.shape_cast %reduce_max3A_1409 : vector<1xf32> to vector<1x1xf32>
      %eq3A_1411 = vector.broadcast %broadcast_in_dim3A_1410 : vector<1x1xf32> to vector<1x128xf32>
      %eq3A_1412 = arith.cmpf oeq, %select_n3A_1402, %eq3A_1411 : vector<1x128xf32>
      %mul3A_1413 = arith.constant 128 : i32
      %mul3A_1414 = vector.broadcast %mul3A_1413 : i32 to vector<1x128xi32>
      %mul3A_1415 = arith.muli %select_n3A_1403, %mul3A_1414 : vector<1x128xi32>
      %add3A_1416 = arith.addi %mul3A_1415, %iota3A_796 : vector<1x128xi32>
      %broadcast_in_dim3A_1417 = vector.broadcast %scan3A : i32 to vector<1x128xi32>
      %select_n3A_1418 = arith.select %eq3A_1412, %add3A_1416, %broadcast_in_dim3A_1417 : vector<1x128xi1>, vector<1x128xi32>
      %reduce_min3A_1419 = arith.constant dense<2147483647> : vector<1xi32>
      %reduce_min3A_1420 = vector.multi_reduction <minsi>, %select_n3A_1418, %reduce_min3A_1419 [1] : vector<1x128xi32> to vector<1xi32>
      %broadcast_in_dim3A_1421 = vector.shape_cast %reduce_min3A_1420 : vector<1xi32> to vector<1x1xi32>
      %eq3A_1422 = vector.broadcast %add3A_1407 : i32 to vector<1x304xi32>
      %eq3A_1423 = arith.cmpi eq, %iota3A, %eq3A_1422 : vector<1x304xi32>
      %jit3A_1424 = arith.constant 0.000000e+00 : f32
      %broadcast_in_dim3A_1425 = vector.shape_cast %broadcast_in_dim3A_1410 : vector<1x1xf32> to vector<1x1xf32>
      %broadcast_in_dim3A_1426 = vector.broadcast %broadcast_in_dim3A_1425 : vector<1x1xf32> to vector<1x304xf32>
      %broadcast_in_dim3A_1427 = vector.broadcast %jit3A_1424 : f32 to vector<1x304xf32>
      %select_n3A_1428 = arith.select %eq3A_1423, %broadcast_in_dim3A_1426, %broadcast_in_dim3A_1427 : vector<1x304xi1>, vector<1x304xf32>
      %add3A_1429 = arith.addf %add3A_1284, %select_n3A_1428 : vector<1x304xf32>
      %jit3A_1430 = arith.constant 128 : i32
      %div3A_1431 = arith.divsi %add3A_1407, %jit3A_1430 : i32
      %sign3A_1432 = arith.constant 0 : i32
      %sign3A_1433 = arith.cmpi sgt, %add3A_1407, %sign3A_1432 : i32
      %sign3A_1434 = arith.extui %sign3A_1433 : i1 to i32
      %sign3A_1435 = arith.constant 0 : i32
      %sign3A_1436 = arith.cmpi slt, %add3A_1407, %sign3A_1435 : i32
      %sign3A_1437 = arith.extui %sign3A_1436 : i1 to i32
      %sign3A_1438 = arith.subi %sign3A_1434, %sign3A_1437 : i32
      %sign3A_1439 = arith.constant 0 : i32
      %sign3A_1440 = arith.cmpi sgt, %jit3A_1430, %sign3A_1439 : i32
      %sign3A_1441 = arith.extui %sign3A_1440 : i1 to i32
      %sign3A_1442 = arith.constant 0 : i32
      %sign3A_1443 = arith.cmpi slt, %jit3A_1430, %sign3A_1442 : i32
      %sign3A_1444 = arith.extui %sign3A_1443 : i1 to i32
      %sign3A_1445 = arith.subi %sign3A_1441, %sign3A_1444 : i32
      %ne3A_1446 = arith.cmpi ne, %sign3A_1438, %sign3A_1445 : i32
      %rem3A_1447 = arith.remsi %add3A_1407, %jit3A_1430 : i32
      %ne3A_1448 = arith.constant 0 : i32
      %ne3A_1449 = arith.cmpi ne, %rem3A_1447, %ne3A_1448 : i32
      %and3A_1450 = arith.andi %ne3A_1446, %ne3A_1449 : i1
      %sub3A_1451 = arith.constant 1 : i32
      %sub3A_1452 = arith.subi %div3A_1431, %sub3A_1451 : i32
      %select_n3A_1453 = arith.select %and3A_1450, %sub3A_1452, %div3A_1431 : i32
      %eq3A_1454 = vector.broadcast %select_n3A_1453 : i32 to vector<3x128xi32>
      %eq3A_1455 = arith.cmpi eq, %iota3A_795, %eq3A_1454 : vector<3x128xi32>
      %jit3A_1456 = arith.constant 128 : i32
      %eq3A_1457 = arith.constant 0 : i32
      %eq3A_1458 = arith.cmpi eq, %jit3A_1456, %eq3A_1457 : i32
      %jit3A_1459 = arith.constant 1 : i32
      %select_n3A_1460 = arith.select %eq3A_1458, %jit3A_1459, %jit3A_1456 : i32
      %rem3A_1461 = arith.remsi %add3A_1407, %select_n3A_1460 : i32
      %ne3A_1462 = arith.constant 0 : i32
      %ne3A_1463 = arith.cmpi ne, %rem3A_1461, %ne3A_1462 : i32
      %lt3A_1464 = arith.constant 0 : i32
      %lt3A_1465 = arith.cmpi slt, %rem3A_1461, %lt3A_1464 : i32
      %lt3A_1466 = arith.constant 0 : i32
      %lt3A_1467 = arith.cmpi slt, %select_n3A_1460, %lt3A_1466 : i32
      %ne3A_1468 = arith.xori %lt3A_1465, %lt3A_1467 : i1
      %and3A_1469 = arith.andi %ne3A_1468, %ne3A_1463 : i1
      %add3A_1470 = arith.addi %rem3A_1461, %select_n3A_1460 : i32
      %select_n3A_1471 = arith.select %and3A_1469, %add3A_1470, %rem3A_1461 : i32
      %eq3A_1472 = vector.broadcast %select_n3A_1471 : i32 to vector<3x128xi32>
      %eq3A_1473 = arith.cmpi eq, %iota3A_794, %eq3A_1472 : vector<3x128xi32>
      %and3A_1474 = arith.andi %eq3A_1455, %eq3A_1473 : vector<3x128xi1>
      %jit3A_1475 = arith.constant 0 : i32
      %broadcast_in_dim3A_1476 = vector.shape_cast %broadcast_in_dim3A_1421 : vector<1x1xi32> to vector<1x1xi32>
      %broadcast_in_dim3A_1477 = vector.broadcast %broadcast_in_dim3A_1476 : vector<1x1xi32> to vector<3x128xi32>
      %broadcast_in_dim3A_1478 = vector.broadcast %jit3A_1475 : i32 to vector<3x128xi32>
      %select_n3A_1479 = arith.select %and3A_1474, %broadcast_in_dim3A_1477, %broadcast_in_dim3A_1478 : vector<3x128xi1>, vector<3x128xi32>
      %add3A_1480 = arith.addi %add3A_1335, %select_n3A_1479 : vector<3x128xi32>
      %eq3A_1481 = vector.broadcast %broadcast_in_dim3A_1421 : vector<1x1xi32> to vector<160x128xi32>
      %eq3A_1482 = arith.cmpi eq, %add3A, %eq3A_1481 : vector<160x128xi32>
      %jit3A_1483 = arith.constant 0xFF800000 : f32
      %broadcast_in_dim3A_1484 = vector.broadcast %jit3A_1483 : f32 to vector<160x128xf32>
      %select_n3A_1485 = arith.select %eq3A_1482, %broadcast_in_dim3A_1484, %select_n3A_1340 : vector<160x128xi1>, vector<160x128xf32>
      %jit3A_1486 = arith.constant 128 : i32
      %eq3A_1487 = arith.constant 0 : i32
      %eq3A_1488 = arith.cmpi eq, %jit3A_1486, %eq3A_1487 : i32
      %jit3A_1489 = arith.constant 1 : i32
      %select_n3A_1490 = arith.select %eq3A_1488, %jit3A_1489, %jit3A_1486 : i32
      %rem3A_1491 = vector.broadcast %select_n3A_1490 : i32 to vector<1x1xi32>
      %rem3A_1492 = arith.remsi %broadcast_in_dim3A_1421, %rem3A_1491 : vector<1x1xi32>
      %ne3A_1493 = arith.constant 0 : i32
      %ne3A_1494 = vector.broadcast %ne3A_1493 : i32 to vector<1x1xi32>
      %ne3A_1495 = arith.cmpi ne, %rem3A_1492, %ne3A_1494 : vector<1x1xi32>
      %lt3A_1496 = arith.constant 0 : i32
      %lt3A_1497 = vector.broadcast %lt3A_1496 : i32 to vector<1x1xi32>
      %lt3A_1498 = arith.cmpi slt, %rem3A_1492, %lt3A_1497 : vector<1x1xi32>
      %lt3A_1499 = arith.constant 0 : i32
      %lt3A_1500 = arith.cmpi slt, %select_n3A_1490, %lt3A_1499 : i32
      %ne3A_1501 = vector.broadcast %lt3A_1500 : i1 to vector<1x1xi1>
      %ne3A_1502 = vector.broadcast %ne3A_1501 : vector<1x1xi1> to vector<1x1xi1>
      %ne3A_1503 = arith.xori %lt3A_1498, %ne3A_1502 : vector<1x1xi1>
      %and3A_1504 = arith.andi %ne3A_1503, %ne3A_1495 : vector<1x1xi1>
      %add3A_1505 = vector.broadcast %select_n3A_1490 : i32 to vector<1x1xi32>
      %add3A_1506 = arith.addi %rem3A_1492, %add3A_1505 : vector<1x1xi32>
      %select_n3A_1507 = arith.select %and3A_1504, %add3A_1506, %rem3A_1492 : vector<1x1xi1>, vector<1x1xi32>
      %eq3A_1508 = vector.broadcast %select_n3A_1507 : vector<1x1xi32> to vector<160x128xi32>
      %eq3A_1509 = arith.cmpi eq, %iota3A_798, %eq3A_1508 : vector<160x128xi32>
      %jit3A_1510 = arith.constant 0xFF800000 : f32
      %broadcast_in_dim3A_1511 = vector.broadcast %jit3A_1510 : f32 to vector<160x128xf32>
      %select_n3A_1512 = arith.select %eq3A_1509, %select_n3A_1485, %broadcast_in_dim3A_1511 : vector<160x128xi1>, vector<160x128xf32>
      %reduce_max3A_1513 = arith.constant dense<0xFF800000> : vector<128xf32>
      %reduce_max3A_1514 = vector.multi_reduction <maximumf>, %select_n3A_1512, %reduce_max3A_1513 [0] : vector<160x128xf32> to vector<128xf32>
      %broadcast_in_dim3A_1515 = vector.shape_cast %reduce_max3A_1514 : vector<128xf32> to vector<1x128xf32>
      %eq3A_1516 = vector.broadcast %broadcast_in_dim3A_1515 : vector<1x128xf32> to vector<160x128xf32>
      %eq3A_1517 = arith.cmpf oeq, %select_n3A_1512, %eq3A_1516 : vector<160x128xf32>
      %broadcast_in_dim3A_1518 = vector.broadcast %scan3A : i32 to vector<160x128xi32>
      %select_n3A_1519 = arith.select %eq3A_1517, %iota3A_797, %broadcast_in_dim3A_1518 : vector<160x128xi1>, vector<160x128xi32>
      %reduce_min3A_1520 = arith.constant dense<2147483647> : vector<128xi32>
      %reduce_min3A_1521 = vector.multi_reduction <minsi>, %select_n3A_1519, %reduce_min3A_1520 [0] : vector<160x128xi32> to vector<128xi32>
      %broadcast_in_dim3A_1522 = vector.shape_cast %reduce_min3A_1521 : vector<128xi32> to vector<1x128xi32>
      %jit3A_1523 = arith.constant 128 : i32
      %eq3A_1524 = arith.constant 0 : i32
      %eq3A_1525 = arith.cmpi eq, %jit3A_1523, %eq3A_1524 : i32
      %jit3A_1526 = arith.constant 1 : i32
      %select_n3A_1527 = arith.select %eq3A_1525, %jit3A_1526, %jit3A_1523 : i32
      %rem3A_1528 = vector.broadcast %select_n3A_1527 : i32 to vector<1x1xi32>
      %rem3A_1529 = arith.remsi %broadcast_in_dim3A_1421, %rem3A_1528 : vector<1x1xi32>
      %ne3A_1530 = arith.constant 0 : i32
      %ne3A_1531 = vector.broadcast %ne3A_1530 : i32 to vector<1x1xi32>
      %ne3A_1532 = arith.cmpi ne, %rem3A_1529, %ne3A_1531 : vector<1x1xi32>
      %lt3A_1533 = arith.constant 0 : i32
      %lt3A_1534 = vector.broadcast %lt3A_1533 : i32 to vector<1x1xi32>
      %lt3A_1535 = arith.cmpi slt, %rem3A_1529, %lt3A_1534 : vector<1x1xi32>
      %lt3A_1536 = arith.constant 0 : i32
      %lt3A_1537 = arith.cmpi slt, %select_n3A_1527, %lt3A_1536 : i32
      %ne3A_1538 = vector.broadcast %lt3A_1537 : i1 to vector<1x1xi1>
      %ne3A_1539 = vector.broadcast %ne3A_1538 : vector<1x1xi1> to vector<1x1xi1>
      %ne3A_1540 = arith.xori %lt3A_1535, %ne3A_1539 : vector<1x1xi1>
      %and3A_1541 = arith.andi %ne3A_1540, %ne3A_1532 : vector<1x1xi1>
      %add3A_1542 = vector.broadcast %select_n3A_1527 : i32 to vector<1x1xi32>
      %add3A_1543 = arith.addi %rem3A_1529, %add3A_1542 : vector<1x1xi32>
      %select_n3A_1544 = arith.select %and3A_1541, %add3A_1543, %rem3A_1529 : vector<1x1xi1>, vector<1x1xi32>
      %eq3A_1545 = vector.broadcast %select_n3A_1544 : vector<1x1xi32> to vector<1x128xi32>
      %eq3A_1546 = arith.cmpi eq, %iota3A_796, %eq3A_1545 : vector<1x128xi32>
      %select_n3A_1547 = arith.select %eq3A_1546, %broadcast_in_dim3A_1515, %select_n3A_1402 : vector<1x128xi1>, vector<1x128xf32>
      %select_n3A_1548 = arith.select %eq3A_1546, %broadcast_in_dim3A_1522, %select_n3A_1403 : vector<1x128xi1>, vector<1x128xi32>
      %mul3A_1549 = arith.constant 10 : i32
      %mul3A_1550 = arith.muli %scan3A_825, %mul3A_1549 : i32
      %add3A_1551 = arith.constant 5 : i32
      %add3A_1552 = arith.addi %mul3A_1550, %add3A_1551 : i32
      %reduce_max3A_1553 = arith.constant dense<0xFF800000> : vector<1xf32>
      %reduce_max3A_1554 = vector.multi_reduction <maximumf>, %select_n3A_1547, %reduce_max3A_1553 [1] : vector<1x128xf32> to vector<1xf32>
      %broadcast_in_dim3A_1555 = vector.shape_cast %reduce_max3A_1554 : vector<1xf32> to vector<1x1xf32>
      %eq3A_1556 = vector.broadcast %broadcast_in_dim3A_1555 : vector<1x1xf32> to vector<1x128xf32>
      %eq3A_1557 = arith.cmpf oeq, %select_n3A_1547, %eq3A_1556 : vector<1x128xf32>
      %mul3A_1558 = arith.constant 128 : i32
      %mul3A_1559 = vector.broadcast %mul3A_1558 : i32 to vector<1x128xi32>
      %mul3A_1560 = arith.muli %select_n3A_1548, %mul3A_1559 : vector<1x128xi32>
      %add3A_1561 = arith.addi %mul3A_1560, %iota3A_796 : vector<1x128xi32>
      %broadcast_in_dim3A_1562 = vector.broadcast %scan3A : i32 to vector<1x128xi32>
      %select_n3A_1563 = arith.select %eq3A_1557, %add3A_1561, %broadcast_in_dim3A_1562 : vector<1x128xi1>, vector<1x128xi32>
      %reduce_min3A_1564 = arith.constant dense<2147483647> : vector<1xi32>
      %reduce_min3A_1565 = vector.multi_reduction <minsi>, %select_n3A_1563, %reduce_min3A_1564 [1] : vector<1x128xi32> to vector<1xi32>
      %broadcast_in_dim3A_1566 = vector.shape_cast %reduce_min3A_1565 : vector<1xi32> to vector<1x1xi32>
      %eq3A_1567 = vector.broadcast %add3A_1552 : i32 to vector<1x304xi32>
      %eq3A_1568 = arith.cmpi eq, %iota3A, %eq3A_1567 : vector<1x304xi32>
      %jit3A_1569 = arith.constant 0.000000e+00 : f32
      %broadcast_in_dim3A_1570 = vector.shape_cast %broadcast_in_dim3A_1555 : vector<1x1xf32> to vector<1x1xf32>
      %broadcast_in_dim3A_1571 = vector.broadcast %broadcast_in_dim3A_1570 : vector<1x1xf32> to vector<1x304xf32>
      %broadcast_in_dim3A_1572 = vector.broadcast %jit3A_1569 : f32 to vector<1x304xf32>
      %select_n3A_1573 = arith.select %eq3A_1568, %broadcast_in_dim3A_1571, %broadcast_in_dim3A_1572 : vector<1x304xi1>, vector<1x304xf32>
      %add3A_1574 = arith.addf %add3A_1429, %select_n3A_1573 : vector<1x304xf32>
      %jit3A_1575 = arith.constant 128 : i32
      %div3A_1576 = arith.divsi %add3A_1552, %jit3A_1575 : i32
      %sign3A_1577 = arith.constant 0 : i32
      %sign3A_1578 = arith.cmpi sgt, %add3A_1552, %sign3A_1577 : i32
      %sign3A_1579 = arith.extui %sign3A_1578 : i1 to i32
      %sign3A_1580 = arith.constant 0 : i32
      %sign3A_1581 = arith.cmpi slt, %add3A_1552, %sign3A_1580 : i32
      %sign3A_1582 = arith.extui %sign3A_1581 : i1 to i32
      %sign3A_1583 = arith.subi %sign3A_1579, %sign3A_1582 : i32
      %sign3A_1584 = arith.constant 0 : i32
      %sign3A_1585 = arith.cmpi sgt, %jit3A_1575, %sign3A_1584 : i32
      %sign3A_1586 = arith.extui %sign3A_1585 : i1 to i32
      %sign3A_1587 = arith.constant 0 : i32
      %sign3A_1588 = arith.cmpi slt, %jit3A_1575, %sign3A_1587 : i32
      %sign3A_1589 = arith.extui %sign3A_1588 : i1 to i32
      %sign3A_1590 = arith.subi %sign3A_1586, %sign3A_1589 : i32
      %ne3A_1591 = arith.cmpi ne, %sign3A_1583, %sign3A_1590 : i32
      %rem3A_1592 = arith.remsi %add3A_1552, %jit3A_1575 : i32
      %ne3A_1593 = arith.constant 0 : i32
      %ne3A_1594 = arith.cmpi ne, %rem3A_1592, %ne3A_1593 : i32
      %and3A_1595 = arith.andi %ne3A_1591, %ne3A_1594 : i1
      %sub3A_1596 = arith.constant 1 : i32
      %sub3A_1597 = arith.subi %div3A_1576, %sub3A_1596 : i32
      %select_n3A_1598 = arith.select %and3A_1595, %sub3A_1597, %div3A_1576 : i32
      %eq3A_1599 = vector.broadcast %select_n3A_1598 : i32 to vector<3x128xi32>
      %eq3A_1600 = arith.cmpi eq, %iota3A_795, %eq3A_1599 : vector<3x128xi32>
      %jit3A_1601 = arith.constant 128 : i32
      %eq3A_1602 = arith.constant 0 : i32
      %eq3A_1603 = arith.cmpi eq, %jit3A_1601, %eq3A_1602 : i32
      %jit3A_1604 = arith.constant 1 : i32
      %select_n3A_1605 = arith.select %eq3A_1603, %jit3A_1604, %jit3A_1601 : i32
      %rem3A_1606 = arith.remsi %add3A_1552, %select_n3A_1605 : i32
      %ne3A_1607 = arith.constant 0 : i32
      %ne3A_1608 = arith.cmpi ne, %rem3A_1606, %ne3A_1607 : i32
      %lt3A_1609 = arith.constant 0 : i32
      %lt3A_1610 = arith.cmpi slt, %rem3A_1606, %lt3A_1609 : i32
      %lt3A_1611 = arith.constant 0 : i32
      %lt3A_1612 = arith.cmpi slt, %select_n3A_1605, %lt3A_1611 : i32
      %ne3A_1613 = arith.xori %lt3A_1610, %lt3A_1612 : i1
      %and3A_1614 = arith.andi %ne3A_1613, %ne3A_1608 : i1
      %add3A_1615 = arith.addi %rem3A_1606, %select_n3A_1605 : i32
      %select_n3A_1616 = arith.select %and3A_1614, %add3A_1615, %rem3A_1606 : i32
      %eq3A_1617 = vector.broadcast %select_n3A_1616 : i32 to vector<3x128xi32>
      %eq3A_1618 = arith.cmpi eq, %iota3A_794, %eq3A_1617 : vector<3x128xi32>
      %and3A_1619 = arith.andi %eq3A_1600, %eq3A_1618 : vector<3x128xi1>
      %jit3A_1620 = arith.constant 0 : i32
      %broadcast_in_dim3A_1621 = vector.shape_cast %broadcast_in_dim3A_1566 : vector<1x1xi32> to vector<1x1xi32>
      %broadcast_in_dim3A_1622 = vector.broadcast %broadcast_in_dim3A_1621 : vector<1x1xi32> to vector<3x128xi32>
      %broadcast_in_dim3A_1623 = vector.broadcast %jit3A_1620 : i32 to vector<3x128xi32>
      %select_n3A_1624 = arith.select %and3A_1619, %broadcast_in_dim3A_1622, %broadcast_in_dim3A_1623 : vector<3x128xi1>, vector<3x128xi32>
      %add3A_1625 = arith.addi %add3A_1480, %select_n3A_1624 : vector<3x128xi32>
      %eq3A_1626 = vector.broadcast %broadcast_in_dim3A_1566 : vector<1x1xi32> to vector<160x128xi32>
      %eq3A_1627 = arith.cmpi eq, %add3A, %eq3A_1626 : vector<160x128xi32>
      %jit3A_1628 = arith.constant 0xFF800000 : f32
      %broadcast_in_dim3A_1629 = vector.broadcast %jit3A_1628 : f32 to vector<160x128xf32>
      %select_n3A_1630 = arith.select %eq3A_1627, %broadcast_in_dim3A_1629, %select_n3A_1485 : vector<160x128xi1>, vector<160x128xf32>
      %jit3A_1631 = arith.constant 128 : i32
      %eq3A_1632 = arith.constant 0 : i32
      %eq3A_1633 = arith.cmpi eq, %jit3A_1631, %eq3A_1632 : i32
      %jit3A_1634 = arith.constant 1 : i32
      %select_n3A_1635 = arith.select %eq3A_1633, %jit3A_1634, %jit3A_1631 : i32
      %rem3A_1636 = vector.broadcast %select_n3A_1635 : i32 to vector<1x1xi32>
      %rem3A_1637 = arith.remsi %broadcast_in_dim3A_1566, %rem3A_1636 : vector<1x1xi32>
      %ne3A_1638 = arith.constant 0 : i32
      %ne3A_1639 = vector.broadcast %ne3A_1638 : i32 to vector<1x1xi32>
      %ne3A_1640 = arith.cmpi ne, %rem3A_1637, %ne3A_1639 : vector<1x1xi32>
      %lt3A_1641 = arith.constant 0 : i32
      %lt3A_1642 = vector.broadcast %lt3A_1641 : i32 to vector<1x1xi32>
      %lt3A_1643 = arith.cmpi slt, %rem3A_1637, %lt3A_1642 : vector<1x1xi32>
      %lt3A_1644 = arith.constant 0 : i32
      %lt3A_1645 = arith.cmpi slt, %select_n3A_1635, %lt3A_1644 : i32
      %ne3A_1646 = vector.broadcast %lt3A_1645 : i1 to vector<1x1xi1>
      %ne3A_1647 = vector.broadcast %ne3A_1646 : vector<1x1xi1> to vector<1x1xi1>
      %ne3A_1648 = arith.xori %lt3A_1643, %ne3A_1647 : vector<1x1xi1>
      %and3A_1649 = arith.andi %ne3A_1648, %ne3A_1640 : vector<1x1xi1>
      %add3A_1650 = vector.broadcast %select_n3A_1635 : i32 to vector<1x1xi32>
      %add3A_1651 = arith.addi %rem3A_1637, %add3A_1650 : vector<1x1xi32>
      %select_n3A_1652 = arith.select %and3A_1649, %add3A_1651, %rem3A_1637 : vector<1x1xi1>, vector<1x1xi32>
      %eq3A_1653 = vector.broadcast %select_n3A_1652 : vector<1x1xi32> to vector<160x128xi32>
      %eq3A_1654 = arith.cmpi eq, %iota3A_798, %eq3A_1653 : vector<160x128xi32>
      %jit3A_1655 = arith.constant 0xFF800000 : f32
      %broadcast_in_dim3A_1656 = vector.broadcast %jit3A_1655 : f32 to vector<160x128xf32>
      %select_n3A_1657 = arith.select %eq3A_1654, %select_n3A_1630, %broadcast_in_dim3A_1656 : vector<160x128xi1>, vector<160x128xf32>
      %reduce_max3A_1658 = arith.constant dense<0xFF800000> : vector<128xf32>
      %reduce_max3A_1659 = vector.multi_reduction <maximumf>, %select_n3A_1657, %reduce_max3A_1658 [0] : vector<160x128xf32> to vector<128xf32>
      %broadcast_in_dim3A_1660 = vector.shape_cast %reduce_max3A_1659 : vector<128xf32> to vector<1x128xf32>
      %eq3A_1661 = vector.broadcast %broadcast_in_dim3A_1660 : vector<1x128xf32> to vector<160x128xf32>
      %eq3A_1662 = arith.cmpf oeq, %select_n3A_1657, %eq3A_1661 : vector<160x128xf32>
      %broadcast_in_dim3A_1663 = vector.broadcast %scan3A : i32 to vector<160x128xi32>
      %select_n3A_1664 = arith.select %eq3A_1662, %iota3A_797, %broadcast_in_dim3A_1663 : vector<160x128xi1>, vector<160x128xi32>
      %reduce_min3A_1665 = arith.constant dense<2147483647> : vector<128xi32>
      %reduce_min3A_1666 = vector.multi_reduction <minsi>, %select_n3A_1664, %reduce_min3A_1665 [0] : vector<160x128xi32> to vector<128xi32>
      %broadcast_in_dim3A_1667 = vector.shape_cast %reduce_min3A_1666 : vector<128xi32> to vector<1x128xi32>
      %jit3A_1668 = arith.constant 128 : i32
      %eq3A_1669 = arith.constant 0 : i32
      %eq3A_1670 = arith.cmpi eq, %jit3A_1668, %eq3A_1669 : i32
      %jit3A_1671 = arith.constant 1 : i32
      %select_n3A_1672 = arith.select %eq3A_1670, %jit3A_1671, %jit3A_1668 : i32
      %rem3A_1673 = vector.broadcast %select_n3A_1672 : i32 to vector<1x1xi32>
      %rem3A_1674 = arith.remsi %broadcast_in_dim3A_1566, %rem3A_1673 : vector<1x1xi32>
      %ne3A_1675 = arith.constant 0 : i32
      %ne3A_1676 = vector.broadcast %ne3A_1675 : i32 to vector<1x1xi32>
      %ne3A_1677 = arith.cmpi ne, %rem3A_1674, %ne3A_1676 : vector<1x1xi32>
      %lt3A_1678 = arith.constant 0 : i32
      %lt3A_1679 = vector.broadcast %lt3A_1678 : i32 to vector<1x1xi32>
      %lt3A_1680 = arith.cmpi slt, %rem3A_1674, %lt3A_1679 : vector<1x1xi32>
      %lt3A_1681 = arith.constant 0 : i32
      %lt3A_1682 = arith.cmpi slt, %select_n3A_1672, %lt3A_1681 : i32
      %ne3A_1683 = vector.broadcast %lt3A_1682 : i1 to vector<1x1xi1>
      %ne3A_1684 = vector.broadcast %ne3A_1683 : vector<1x1xi1> to vector<1x1xi1>
      %ne3A_1685 = arith.xori %lt3A_1680, %ne3A_1684 : vector<1x1xi1>
      %and3A_1686 = arith.andi %ne3A_1685, %ne3A_1677 : vector<1x1xi1>
      %add3A_1687 = vector.broadcast %select_n3A_1672 : i32 to vector<1x1xi32>
      %add3A_1688 = arith.addi %rem3A_1674, %add3A_1687 : vector<1x1xi32>
      %select_n3A_1689 = arith.select %and3A_1686, %add3A_1688, %rem3A_1674 : vector<1x1xi1>, vector<1x1xi32>
      %eq3A_1690 = vector.broadcast %select_n3A_1689 : vector<1x1xi32> to vector<1x128xi32>
      %eq3A_1691 = arith.cmpi eq, %iota3A_796, %eq3A_1690 : vector<1x128xi32>
      %select_n3A_1692 = arith.select %eq3A_1691, %broadcast_in_dim3A_1660, %select_n3A_1547 : vector<1x128xi1>, vector<1x128xf32>
      %select_n3A_1693 = arith.select %eq3A_1691, %broadcast_in_dim3A_1667, %select_n3A_1548 : vector<1x128xi1>, vector<1x128xi32>
      %mul3A_1694 = arith.constant 10 : i32
      %mul3A_1695 = arith.muli %scan3A_825, %mul3A_1694 : i32
      %add3A_1696 = arith.constant 6 : i32
      %add3A_1697 = arith.addi %mul3A_1695, %add3A_1696 : i32
      %reduce_max3A_1698 = arith.constant dense<0xFF800000> : vector<1xf32>
      %reduce_max3A_1699 = vector.multi_reduction <maximumf>, %select_n3A_1692, %reduce_max3A_1698 [1] : vector<1x128xf32> to vector<1xf32>
      %broadcast_in_dim3A_1700 = vector.shape_cast %reduce_max3A_1699 : vector<1xf32> to vector<1x1xf32>
      %eq3A_1701 = vector.broadcast %broadcast_in_dim3A_1700 : vector<1x1xf32> to vector<1x128xf32>
      %eq3A_1702 = arith.cmpf oeq, %select_n3A_1692, %eq3A_1701 : vector<1x128xf32>
      %mul3A_1703 = arith.constant 128 : i32
      %mul3A_1704 = vector.broadcast %mul3A_1703 : i32 to vector<1x128xi32>
      %mul3A_1705 = arith.muli %select_n3A_1693, %mul3A_1704 : vector<1x128xi32>
      %add3A_1706 = arith.addi %mul3A_1705, %iota3A_796 : vector<1x128xi32>
      %broadcast_in_dim3A_1707 = vector.broadcast %scan3A : i32 to vector<1x128xi32>
      %select_n3A_1708 = arith.select %eq3A_1702, %add3A_1706, %broadcast_in_dim3A_1707 : vector<1x128xi1>, vector<1x128xi32>
      %reduce_min3A_1709 = arith.constant dense<2147483647> : vector<1xi32>
      %reduce_min3A_1710 = vector.multi_reduction <minsi>, %select_n3A_1708, %reduce_min3A_1709 [1] : vector<1x128xi32> to vector<1xi32>
      %broadcast_in_dim3A_1711 = vector.shape_cast %reduce_min3A_1710 : vector<1xi32> to vector<1x1xi32>
      %eq3A_1712 = vector.broadcast %add3A_1697 : i32 to vector<1x304xi32>
      %eq3A_1713 = arith.cmpi eq, %iota3A, %eq3A_1712 : vector<1x304xi32>
      %jit3A_1714 = arith.constant 0.000000e+00 : f32
      %broadcast_in_dim3A_1715 = vector.shape_cast %broadcast_in_dim3A_1700 : vector<1x1xf32> to vector<1x1xf32>
      %broadcast_in_dim3A_1716 = vector.broadcast %broadcast_in_dim3A_1715 : vector<1x1xf32> to vector<1x304xf32>
      %broadcast_in_dim3A_1717 = vector.broadcast %jit3A_1714 : f32 to vector<1x304xf32>
      %select_n3A_1718 = arith.select %eq3A_1713, %broadcast_in_dim3A_1716, %broadcast_in_dim3A_1717 : vector<1x304xi1>, vector<1x304xf32>
      %add3A_1719 = arith.addf %add3A_1574, %select_n3A_1718 : vector<1x304xf32>
      %jit3A_1720 = arith.constant 128 : i32
      %div3A_1721 = arith.divsi %add3A_1697, %jit3A_1720 : i32
      %sign3A_1722 = arith.constant 0 : i32
      %sign3A_1723 = arith.cmpi sgt, %add3A_1697, %sign3A_1722 : i32
      %sign3A_1724 = arith.extui %sign3A_1723 : i1 to i32
      %sign3A_1725 = arith.constant 0 : i32
      %sign3A_1726 = arith.cmpi slt, %add3A_1697, %sign3A_1725 : i32
      %sign3A_1727 = arith.extui %sign3A_1726 : i1 to i32
      %sign3A_1728 = arith.subi %sign3A_1724, %sign3A_1727 : i32
      %sign3A_1729 = arith.constant 0 : i32
      %sign3A_1730 = arith.cmpi sgt, %jit3A_1720, %sign3A_1729 : i32
      %sign3A_1731 = arith.extui %sign3A_1730 : i1 to i32
      %sign3A_1732 = arith.constant 0 : i32
      %sign3A_1733 = arith.cmpi slt, %jit3A_1720, %sign3A_1732 : i32
      %sign3A_1734 = arith.extui %sign3A_1733 : i1 to i32
      %sign3A_1735 = arith.subi %sign3A_1731, %sign3A_1734 : i32
      %ne3A_1736 = arith.cmpi ne, %sign3A_1728, %sign3A_1735 : i32
      %rem3A_1737 = arith.remsi %add3A_1697, %jit3A_1720 : i32
      %ne3A_1738 = arith.constant 0 : i32
      %ne3A_1739 = arith.cmpi ne, %rem3A_1737, %ne3A_1738 : i32
      %and3A_1740 = arith.andi %ne3A_1736, %ne3A_1739 : i1
      %sub3A_1741 = arith.constant 1 : i32
      %sub3A_1742 = arith.subi %div3A_1721, %sub3A_1741 : i32
      %select_n3A_1743 = arith.select %and3A_1740, %sub3A_1742, %div3A_1721 : i32
      %eq3A_1744 = vector.broadcast %select_n3A_1743 : i32 to vector<3x128xi32>
      %eq3A_1745 = arith.cmpi eq, %iota3A_795, %eq3A_1744 : vector<3x128xi32>
      %jit3A_1746 = arith.constant 128 : i32
      %eq3A_1747 = arith.constant 0 : i32
      %eq3A_1748 = arith.cmpi eq, %jit3A_1746, %eq3A_1747 : i32
      %jit3A_1749 = arith.constant 1 : i32
      %select_n3A_1750 = arith.select %eq3A_1748, %jit3A_1749, %jit3A_1746 : i32
      %rem3A_1751 = arith.remsi %add3A_1697, %select_n3A_1750 : i32
      %ne3A_1752 = arith.constant 0 : i32
      %ne3A_1753 = arith.cmpi ne, %rem3A_1751, %ne3A_1752 : i32
      %lt3A_1754 = arith.constant 0 : i32
      %lt3A_1755 = arith.cmpi slt, %rem3A_1751, %lt3A_1754 : i32
      %lt3A_1756 = arith.constant 0 : i32
      %lt3A_1757 = arith.cmpi slt, %select_n3A_1750, %lt3A_1756 : i32
      %ne3A_1758 = arith.xori %lt3A_1755, %lt3A_1757 : i1
      %and3A_1759 = arith.andi %ne3A_1758, %ne3A_1753 : i1
      %add3A_1760 = arith.addi %rem3A_1751, %select_n3A_1750 : i32
      %select_n3A_1761 = arith.select %and3A_1759, %add3A_1760, %rem3A_1751 : i32
      %eq3A_1762 = vector.broadcast %select_n3A_1761 : i32 to vector<3x128xi32>
      %eq3A_1763 = arith.cmpi eq, %iota3A_794, %eq3A_1762 : vector<3x128xi32>
      %and3A_1764 = arith.andi %eq3A_1745, %eq3A_1763 : vector<3x128xi1>
      %jit3A_1765 = arith.constant 0 : i32
      %broadcast_in_dim3A_1766 = vector.shape_cast %broadcast_in_dim3A_1711 : vector<1x1xi32> to vector<1x1xi32>
      %broadcast_in_dim3A_1767 = vector.broadcast %broadcast_in_dim3A_1766 : vector<1x1xi32> to vector<3x128xi32>
      %broadcast_in_dim3A_1768 = vector.broadcast %jit3A_1765 : i32 to vector<3x128xi32>
      %select_n3A_1769 = arith.select %and3A_1764, %broadcast_in_dim3A_1767, %broadcast_in_dim3A_1768 : vector<3x128xi1>, vector<3x128xi32>
      %add3A_1770 = arith.addi %add3A_1625, %select_n3A_1769 : vector<3x128xi32>
      %eq3A_1771 = vector.broadcast %broadcast_in_dim3A_1711 : vector<1x1xi32> to vector<160x128xi32>
      %eq3A_1772 = arith.cmpi eq, %add3A, %eq3A_1771 : vector<160x128xi32>
      %jit3A_1773 = arith.constant 0xFF800000 : f32
      %broadcast_in_dim3A_1774 = vector.broadcast %jit3A_1773 : f32 to vector<160x128xf32>
      %select_n3A_1775 = arith.select %eq3A_1772, %broadcast_in_dim3A_1774, %select_n3A_1630 : vector<160x128xi1>, vector<160x128xf32>
      %jit3A_1776 = arith.constant 128 : i32
      %eq3A_1777 = arith.constant 0 : i32
      %eq3A_1778 = arith.cmpi eq, %jit3A_1776, %eq3A_1777 : i32
      %jit3A_1779 = arith.constant 1 : i32
      %select_n3A_1780 = arith.select %eq3A_1778, %jit3A_1779, %jit3A_1776 : i32
      %rem3A_1781 = vector.broadcast %select_n3A_1780 : i32 to vector<1x1xi32>
      %rem3A_1782 = arith.remsi %broadcast_in_dim3A_1711, %rem3A_1781 : vector<1x1xi32>
      %ne3A_1783 = arith.constant 0 : i32
      %ne3A_1784 = vector.broadcast %ne3A_1783 : i32 to vector<1x1xi32>
      %ne3A_1785 = arith.cmpi ne, %rem3A_1782, %ne3A_1784 : vector<1x1xi32>
      %lt3A_1786 = arith.constant 0 : i32
      %lt3A_1787 = vector.broadcast %lt3A_1786 : i32 to vector<1x1xi32>
      %lt3A_1788 = arith.cmpi slt, %rem3A_1782, %lt3A_1787 : vector<1x1xi32>
      %lt3A_1789 = arith.constant 0 : i32
      %lt3A_1790 = arith.cmpi slt, %select_n3A_1780, %lt3A_1789 : i32
      %ne3A_1791 = vector.broadcast %lt3A_1790 : i1 to vector<1x1xi1>
      %ne3A_1792 = vector.broadcast %ne3A_1791 : vector<1x1xi1> to vector<1x1xi1>
      %ne3A_1793 = arith.xori %lt3A_1788, %ne3A_1792 : vector<1x1xi1>
      %and3A_1794 = arith.andi %ne3A_1793, %ne3A_1785 : vector<1x1xi1>
      %add3A_1795 = vector.broadcast %select_n3A_1780 : i32 to vector<1x1xi32>
      %add3A_1796 = arith.addi %rem3A_1782, %add3A_1795 : vector<1x1xi32>
      %select_n3A_1797 = arith.select %and3A_1794, %add3A_1796, %rem3A_1782 : vector<1x1xi1>, vector<1x1xi32>
      %eq3A_1798 = vector.broadcast %select_n3A_1797 : vector<1x1xi32> to vector<160x128xi32>
      %eq3A_1799 = arith.cmpi eq, %iota3A_798, %eq3A_1798 : vector<160x128xi32>
      %jit3A_1800 = arith.constant 0xFF800000 : f32
      %broadcast_in_dim3A_1801 = vector.broadcast %jit3A_1800 : f32 to vector<160x128xf32>
      %select_n3A_1802 = arith.select %eq3A_1799, %select_n3A_1775, %broadcast_in_dim3A_1801 : vector<160x128xi1>, vector<160x128xf32>
      %reduce_max3A_1803 = arith.constant dense<0xFF800000> : vector<128xf32>
      %reduce_max3A_1804 = vector.multi_reduction <maximumf>, %select_n3A_1802, %reduce_max3A_1803 [0] : vector<160x128xf32> to vector<128xf32>
      %broadcast_in_dim3A_1805 = vector.shape_cast %reduce_max3A_1804 : vector<128xf32> to vector<1x128xf32>
      %eq3A_1806 = vector.broadcast %broadcast_in_dim3A_1805 : vector<1x128xf32> to vector<160x128xf32>
      %eq3A_1807 = arith.cmpf oeq, %select_n3A_1802, %eq3A_1806 : vector<160x128xf32>
      %broadcast_in_dim3A_1808 = vector.broadcast %scan3A : i32 to vector<160x128xi32>
      %select_n3A_1809 = arith.select %eq3A_1807, %iota3A_797, %broadcast_in_dim3A_1808 : vector<160x128xi1>, vector<160x128xi32>
      %reduce_min3A_1810 = arith.constant dense<2147483647> : vector<128xi32>
      %reduce_min3A_1811 = vector.multi_reduction <minsi>, %select_n3A_1809, %reduce_min3A_1810 [0] : vector<160x128xi32> to vector<128xi32>
      %broadcast_in_dim3A_1812 = vector.shape_cast %reduce_min3A_1811 : vector<128xi32> to vector<1x128xi32>
      %jit3A_1813 = arith.constant 128 : i32
      %eq3A_1814 = arith.constant 0 : i32
      %eq3A_1815 = arith.cmpi eq, %jit3A_1813, %eq3A_1814 : i32
      %jit3A_1816 = arith.constant 1 : i32
      %select_n3A_1817 = arith.select %eq3A_1815, %jit3A_1816, %jit3A_1813 : i32
      %rem3A_1818 = vector.broadcast %select_n3A_1817 : i32 to vector<1x1xi32>
      %rem3A_1819 = arith.remsi %broadcast_in_dim3A_1711, %rem3A_1818 : vector<1x1xi32>
      %ne3A_1820 = arith.constant 0 : i32
      %ne3A_1821 = vector.broadcast %ne3A_1820 : i32 to vector<1x1xi32>
      %ne3A_1822 = arith.cmpi ne, %rem3A_1819, %ne3A_1821 : vector<1x1xi32>
      %lt3A_1823 = arith.constant 0 : i32
      %lt3A_1824 = vector.broadcast %lt3A_1823 : i32 to vector<1x1xi32>
      %lt3A_1825 = arith.cmpi slt, %rem3A_1819, %lt3A_1824 : vector<1x1xi32>
      %lt3A_1826 = arith.constant 0 : i32
      %lt3A_1827 = arith.cmpi slt, %select_n3A_1817, %lt3A_1826 : i32
      %ne3A_1828 = vector.broadcast %lt3A_1827 : i1 to vector<1x1xi1>
      %ne3A_1829 = vector.broadcast %ne3A_1828 : vector<1x1xi1> to vector<1x1xi1>
      %ne3A_1830 = arith.xori %lt3A_1825, %ne3A_1829 : vector<1x1xi1>
      %and3A_1831 = arith.andi %ne3A_1830, %ne3A_1822 : vector<1x1xi1>
      %add3A_1832 = vector.broadcast %select_n3A_1817 : i32 to vector<1x1xi32>
      %add3A_1833 = arith.addi %rem3A_1819, %add3A_1832 : vector<1x1xi32>
      %select_n3A_1834 = arith.select %and3A_1831, %add3A_1833, %rem3A_1819 : vector<1x1xi1>, vector<1x1xi32>
      %eq3A_1835 = vector.broadcast %select_n3A_1834 : vector<1x1xi32> to vector<1x128xi32>
      %eq3A_1836 = arith.cmpi eq, %iota3A_796, %eq3A_1835 : vector<1x128xi32>
      %select_n3A_1837 = arith.select %eq3A_1836, %broadcast_in_dim3A_1805, %select_n3A_1692 : vector<1x128xi1>, vector<1x128xf32>
      %select_n3A_1838 = arith.select %eq3A_1836, %broadcast_in_dim3A_1812, %select_n3A_1693 : vector<1x128xi1>, vector<1x128xi32>
      %mul3A_1839 = arith.constant 10 : i32
      %mul3A_1840 = arith.muli %scan3A_825, %mul3A_1839 : i32
      %add3A_1841 = arith.constant 7 : i32
      %add3A_1842 = arith.addi %mul3A_1840, %add3A_1841 : i32
      %reduce_max3A_1843 = arith.constant dense<0xFF800000> : vector<1xf32>
      %reduce_max3A_1844 = vector.multi_reduction <maximumf>, %select_n3A_1837, %reduce_max3A_1843 [1] : vector<1x128xf32> to vector<1xf32>
      %broadcast_in_dim3A_1845 = vector.shape_cast %reduce_max3A_1844 : vector<1xf32> to vector<1x1xf32>
      %eq3A_1846 = vector.broadcast %broadcast_in_dim3A_1845 : vector<1x1xf32> to vector<1x128xf32>
      %eq3A_1847 = arith.cmpf oeq, %select_n3A_1837, %eq3A_1846 : vector<1x128xf32>
      %mul3A_1848 = arith.constant 128 : i32
      %mul3A_1849 = vector.broadcast %mul3A_1848 : i32 to vector<1x128xi32>
      %mul3A_1850 = arith.muli %select_n3A_1838, %mul3A_1849 : vector<1x128xi32>
      %add3A_1851 = arith.addi %mul3A_1850, %iota3A_796 : vector<1x128xi32>
      %broadcast_in_dim3A_1852 = vector.broadcast %scan3A : i32 to vector<1x128xi32>
      %select_n3A_1853 = arith.select %eq3A_1847, %add3A_1851, %broadcast_in_dim3A_1852 : vector<1x128xi1>, vector<1x128xi32>
      %reduce_min3A_1854 = arith.constant dense<2147483647> : vector<1xi32>
      %reduce_min3A_1855 = vector.multi_reduction <minsi>, %select_n3A_1853, %reduce_min3A_1854 [1] : vector<1x128xi32> to vector<1xi32>
      %broadcast_in_dim3A_1856 = vector.shape_cast %reduce_min3A_1855 : vector<1xi32> to vector<1x1xi32>
      %eq3A_1857 = vector.broadcast %add3A_1842 : i32 to vector<1x304xi32>
      %eq3A_1858 = arith.cmpi eq, %iota3A, %eq3A_1857 : vector<1x304xi32>
      %jit3A_1859 = arith.constant 0.000000e+00 : f32
      %broadcast_in_dim3A_1860 = vector.shape_cast %broadcast_in_dim3A_1845 : vector<1x1xf32> to vector<1x1xf32>
      %broadcast_in_dim3A_1861 = vector.broadcast %broadcast_in_dim3A_1860 : vector<1x1xf32> to vector<1x304xf32>
      %broadcast_in_dim3A_1862 = vector.broadcast %jit3A_1859 : f32 to vector<1x304xf32>
      %select_n3A_1863 = arith.select %eq3A_1858, %broadcast_in_dim3A_1861, %broadcast_in_dim3A_1862 : vector<1x304xi1>, vector<1x304xf32>
      %add3A_1864 = arith.addf %add3A_1719, %select_n3A_1863 : vector<1x304xf32>
      %jit3A_1865 = arith.constant 128 : i32
      %div3A_1866 = arith.divsi %add3A_1842, %jit3A_1865 : i32
      %sign3A_1867 = arith.constant 0 : i32
      %sign3A_1868 = arith.cmpi sgt, %add3A_1842, %sign3A_1867 : i32
      %sign3A_1869 = arith.extui %sign3A_1868 : i1 to i32
      %sign3A_1870 = arith.constant 0 : i32
      %sign3A_1871 = arith.cmpi slt, %add3A_1842, %sign3A_1870 : i32
      %sign3A_1872 = arith.extui %sign3A_1871 : i1 to i32
      %sign3A_1873 = arith.subi %sign3A_1869, %sign3A_1872 : i32
      %sign3A_1874 = arith.constant 0 : i32
      %sign3A_1875 = arith.cmpi sgt, %jit3A_1865, %sign3A_1874 : i32
      %sign3A_1876 = arith.extui %sign3A_1875 : i1 to i32
      %sign3A_1877 = arith.constant 0 : i32
      %sign3A_1878 = arith.cmpi slt, %jit3A_1865, %sign3A_1877 : i32
      %sign3A_1879 = arith.extui %sign3A_1878 : i1 to i32
      %sign3A_1880 = arith.subi %sign3A_1876, %sign3A_1879 : i32
      %ne3A_1881 = arith.cmpi ne, %sign3A_1873, %sign3A_1880 : i32
      %rem3A_1882 = arith.remsi %add3A_1842, %jit3A_1865 : i32
      %ne3A_1883 = arith.constant 0 : i32
      %ne3A_1884 = arith.cmpi ne, %rem3A_1882, %ne3A_1883 : i32
      %and3A_1885 = arith.andi %ne3A_1881, %ne3A_1884 : i1
      %sub3A_1886 = arith.constant 1 : i32
      %sub3A_1887 = arith.subi %div3A_1866, %sub3A_1886 : i32
      %select_n3A_1888 = arith.select %and3A_1885, %sub3A_1887, %div3A_1866 : i32
      %eq3A_1889 = vector.broadcast %select_n3A_1888 : i32 to vector<3x128xi32>
      %eq3A_1890 = arith.cmpi eq, %iota3A_795, %eq3A_1889 : vector<3x128xi32>
      %jit3A_1891 = arith.constant 128 : i32
      %eq3A_1892 = arith.constant 0 : i32
      %eq3A_1893 = arith.cmpi eq, %jit3A_1891, %eq3A_1892 : i32
      %jit3A_1894 = arith.constant 1 : i32
      %select_n3A_1895 = arith.select %eq3A_1893, %jit3A_1894, %jit3A_1891 : i32
      %rem3A_1896 = arith.remsi %add3A_1842, %select_n3A_1895 : i32
      %ne3A_1897 = arith.constant 0 : i32
      %ne3A_1898 = arith.cmpi ne, %rem3A_1896, %ne3A_1897 : i32
      %lt3A_1899 = arith.constant 0 : i32
      %lt3A_1900 = arith.cmpi slt, %rem3A_1896, %lt3A_1899 : i32
      %lt3A_1901 = arith.constant 0 : i32
      %lt3A_1902 = arith.cmpi slt, %select_n3A_1895, %lt3A_1901 : i32
      %ne3A_1903 = arith.xori %lt3A_1900, %lt3A_1902 : i1
      %and3A_1904 = arith.andi %ne3A_1903, %ne3A_1898 : i1
      %add3A_1905 = arith.addi %rem3A_1896, %select_n3A_1895 : i32
      %select_n3A_1906 = arith.select %and3A_1904, %add3A_1905, %rem3A_1896 : i32
      %eq3A_1907 = vector.broadcast %select_n3A_1906 : i32 to vector<3x128xi32>
      %eq3A_1908 = arith.cmpi eq, %iota3A_794, %eq3A_1907 : vector<3x128xi32>
      %and3A_1909 = arith.andi %eq3A_1890, %eq3A_1908 : vector<3x128xi1>
      %jit3A_1910 = arith.constant 0 : i32
      %broadcast_in_dim3A_1911 = vector.shape_cast %broadcast_in_dim3A_1856 : vector<1x1xi32> to vector<1x1xi32>
      %broadcast_in_dim3A_1912 = vector.broadcast %broadcast_in_dim3A_1911 : vector<1x1xi32> to vector<3x128xi32>
      %broadcast_in_dim3A_1913 = vector.broadcast %jit3A_1910 : i32 to vector<3x128xi32>
      %select_n3A_1914 = arith.select %and3A_1909, %broadcast_in_dim3A_1912, %broadcast_in_dim3A_1913 : vector<3x128xi1>, vector<3x128xi32>
      %add3A_1915 = arith.addi %add3A_1770, %select_n3A_1914 : vector<3x128xi32>
      %eq3A_1916 = vector.broadcast %broadcast_in_dim3A_1856 : vector<1x1xi32> to vector<160x128xi32>
      %eq3A_1917 = arith.cmpi eq, %add3A, %eq3A_1916 : vector<160x128xi32>
      %jit3A_1918 = arith.constant 0xFF800000 : f32
      %broadcast_in_dim3A_1919 = vector.broadcast %jit3A_1918 : f32 to vector<160x128xf32>
      %select_n3A_1920 = arith.select %eq3A_1917, %broadcast_in_dim3A_1919, %select_n3A_1775 : vector<160x128xi1>, vector<160x128xf32>
      %jit3A_1921 = arith.constant 128 : i32
      %eq3A_1922 = arith.constant 0 : i32
      %eq3A_1923 = arith.cmpi eq, %jit3A_1921, %eq3A_1922 : i32
      %jit3A_1924 = arith.constant 1 : i32
      %select_n3A_1925 = arith.select %eq3A_1923, %jit3A_1924, %jit3A_1921 : i32
      %rem3A_1926 = vector.broadcast %select_n3A_1925 : i32 to vector<1x1xi32>
      %rem3A_1927 = arith.remsi %broadcast_in_dim3A_1856, %rem3A_1926 : vector<1x1xi32>
      %ne3A_1928 = arith.constant 0 : i32
      %ne3A_1929 = vector.broadcast %ne3A_1928 : i32 to vector<1x1xi32>
      %ne3A_1930 = arith.cmpi ne, %rem3A_1927, %ne3A_1929 : vector<1x1xi32>
      %lt3A_1931 = arith.constant 0 : i32
      %lt3A_1932 = vector.broadcast %lt3A_1931 : i32 to vector<1x1xi32>
      %lt3A_1933 = arith.cmpi slt, %rem3A_1927, %lt3A_1932 : vector<1x1xi32>
      %lt3A_1934 = arith.constant 0 : i32
      %lt3A_1935 = arith.cmpi slt, %select_n3A_1925, %lt3A_1934 : i32
      %ne3A_1936 = vector.broadcast %lt3A_1935 : i1 to vector<1x1xi1>
      %ne3A_1937 = vector.broadcast %ne3A_1936 : vector<1x1xi1> to vector<1x1xi1>
      %ne3A_1938 = arith.xori %lt3A_1933, %ne3A_1937 : vector<1x1xi1>
      %and3A_1939 = arith.andi %ne3A_1938, %ne3A_1930 : vector<1x1xi1>
      %add3A_1940 = vector.broadcast %select_n3A_1925 : i32 to vector<1x1xi32>
      %add3A_1941 = arith.addi %rem3A_1927, %add3A_1940 : vector<1x1xi32>
      %select_n3A_1942 = arith.select %and3A_1939, %add3A_1941, %rem3A_1927 : vector<1x1xi1>, vector<1x1xi32>
      %eq3A_1943 = vector.broadcast %select_n3A_1942 : vector<1x1xi32> to vector<160x128xi32>
      %eq3A_1944 = arith.cmpi eq, %iota3A_798, %eq3A_1943 : vector<160x128xi32>
      %jit3A_1945 = arith.constant 0xFF800000 : f32
      %broadcast_in_dim3A_1946 = vector.broadcast %jit3A_1945 : f32 to vector<160x128xf32>
      %select_n3A_1947 = arith.select %eq3A_1944, %select_n3A_1920, %broadcast_in_dim3A_1946 : vector<160x128xi1>, vector<160x128xf32>
      %reduce_max3A_1948 = arith.constant dense<0xFF800000> : vector<128xf32>
      %reduce_max3A_1949 = vector.multi_reduction <maximumf>, %select_n3A_1947, %reduce_max3A_1948 [0] : vector<160x128xf32> to vector<128xf32>
      %broadcast_in_dim3A_1950 = vector.shape_cast %reduce_max3A_1949 : vector<128xf32> to vector<1x128xf32>
      %eq3A_1951 = vector.broadcast %broadcast_in_dim3A_1950 : vector<1x128xf32> to vector<160x128xf32>
      %eq3A_1952 = arith.cmpf oeq, %select_n3A_1947, %eq3A_1951 : vector<160x128xf32>
      %broadcast_in_dim3A_1953 = vector.broadcast %scan3A : i32 to vector<160x128xi32>
      %select_n3A_1954 = arith.select %eq3A_1952, %iota3A_797, %broadcast_in_dim3A_1953 : vector<160x128xi1>, vector<160x128xi32>
      %reduce_min3A_1955 = arith.constant dense<2147483647> : vector<128xi32>
      %reduce_min3A_1956 = vector.multi_reduction <minsi>, %select_n3A_1954, %reduce_min3A_1955 [0] : vector<160x128xi32> to vector<128xi32>
      %broadcast_in_dim3A_1957 = vector.shape_cast %reduce_min3A_1956 : vector<128xi32> to vector<1x128xi32>
      %jit3A_1958 = arith.constant 128 : i32
      %eq3A_1959 = arith.constant 0 : i32
      %eq3A_1960 = arith.cmpi eq, %jit3A_1958, %eq3A_1959 : i32
      %jit3A_1961 = arith.constant 1 : i32
      %select_n3A_1962 = arith.select %eq3A_1960, %jit3A_1961, %jit3A_1958 : i32
      %rem3A_1963 = vector.broadcast %select_n3A_1962 : i32 to vector<1x1xi32>
      %rem3A_1964 = arith.remsi %broadcast_in_dim3A_1856, %rem3A_1963 : vector<1x1xi32>
      %ne3A_1965 = arith.constant 0 : i32
      %ne3A_1966 = vector.broadcast %ne3A_1965 : i32 to vector<1x1xi32>
      %ne3A_1967 = arith.cmpi ne, %rem3A_1964, %ne3A_1966 : vector<1x1xi32>
      %lt3A_1968 = arith.constant 0 : i32
      %lt3A_1969 = vector.broadcast %lt3A_1968 : i32 to vector<1x1xi32>
      %lt3A_1970 = arith.cmpi slt, %rem3A_1964, %lt3A_1969 : vector<1x1xi32>
      %lt3A_1971 = arith.constant 0 : i32
      %lt3A_1972 = arith.cmpi slt, %select_n3A_1962, %lt3A_1971 : i32
      %ne3A_1973 = vector.broadcast %lt3A_1972 : i1 to vector<1x1xi1>
      %ne3A_1974 = vector.broadcast %ne3A_1973 : vector<1x1xi1> to vector<1x1xi1>
      %ne3A_1975 = arith.xori %lt3A_1970, %ne3A_1974 : vector<1x1xi1>
      %and3A_1976 = arith.andi %ne3A_1975, %ne3A_1967 : vector<1x1xi1>
      %add3A_1977 = vector.broadcast %select_n3A_1962 : i32 to vector<1x1xi32>
      %add3A_1978 = arith.addi %rem3A_1964, %add3A_1977 : vector<1x1xi32>
      %select_n3A_1979 = arith.select %and3A_1976, %add3A_1978, %rem3A_1964 : vector<1x1xi1>, vector<1x1xi32>
      %eq3A_1980 = vector.broadcast %select_n3A_1979 : vector<1x1xi32> to vector<1x128xi32>
      %eq3A_1981 = arith.cmpi eq, %iota3A_796, %eq3A_1980 : vector<1x128xi32>
      %select_n3A_1982 = arith.select %eq3A_1981, %broadcast_in_dim3A_1950, %select_n3A_1837 : vector<1x128xi1>, vector<1x128xf32>
      %select_n3A_1983 = arith.select %eq3A_1981, %broadcast_in_dim3A_1957, %select_n3A_1838 : vector<1x128xi1>, vector<1x128xi32>
      %mul3A_1984 = arith.constant 10 : i32
      %mul3A_1985 = arith.muli %scan3A_825, %mul3A_1984 : i32
      %add3A_1986 = arith.constant 8 : i32
      %add3A_1987 = arith.addi %mul3A_1985, %add3A_1986 : i32
      %reduce_max3A_1988 = arith.constant dense<0xFF800000> : vector<1xf32>
      %reduce_max3A_1989 = vector.multi_reduction <maximumf>, %select_n3A_1982, %reduce_max3A_1988 [1] : vector<1x128xf32> to vector<1xf32>
      %broadcast_in_dim3A_1990 = vector.shape_cast %reduce_max3A_1989 : vector<1xf32> to vector<1x1xf32>
      %eq3A_1991 = vector.broadcast %broadcast_in_dim3A_1990 : vector<1x1xf32> to vector<1x128xf32>
      %eq3A_1992 = arith.cmpf oeq, %select_n3A_1982, %eq3A_1991 : vector<1x128xf32>
      %mul3A_1993 = arith.constant 128 : i32
      %mul3A_1994 = vector.broadcast %mul3A_1993 : i32 to vector<1x128xi32>
      %mul3A_1995 = arith.muli %select_n3A_1983, %mul3A_1994 : vector<1x128xi32>
      %add3A_1996 = arith.addi %mul3A_1995, %iota3A_796 : vector<1x128xi32>
      %broadcast_in_dim3A_1997 = vector.broadcast %scan3A : i32 to vector<1x128xi32>
      %select_n3A_1998 = arith.select %eq3A_1992, %add3A_1996, %broadcast_in_dim3A_1997 : vector<1x128xi1>, vector<1x128xi32>
      %reduce_min3A_1999 = arith.constant dense<2147483647> : vector<1xi32>
      %reduce_min3A_2000 = vector.multi_reduction <minsi>, %select_n3A_1998, %reduce_min3A_1999 [1] : vector<1x128xi32> to vector<1xi32>
      %broadcast_in_dim3A_2001 = vector.shape_cast %reduce_min3A_2000 : vector<1xi32> to vector<1x1xi32>
      %eq3A_2002 = vector.broadcast %add3A_1987 : i32 to vector<1x304xi32>
      %eq3A_2003 = arith.cmpi eq, %iota3A, %eq3A_2002 : vector<1x304xi32>
      %jit3A_2004 = arith.constant 0.000000e+00 : f32
      %broadcast_in_dim3A_2005 = vector.shape_cast %broadcast_in_dim3A_1990 : vector<1x1xf32> to vector<1x1xf32>
      %broadcast_in_dim3A_2006 = vector.broadcast %broadcast_in_dim3A_2005 : vector<1x1xf32> to vector<1x304xf32>
      %broadcast_in_dim3A_2007 = vector.broadcast %jit3A_2004 : f32 to vector<1x304xf32>
      %select_n3A_2008 = arith.select %eq3A_2003, %broadcast_in_dim3A_2006, %broadcast_in_dim3A_2007 : vector<1x304xi1>, vector<1x304xf32>
      %add3A_2009 = arith.addf %add3A_1864, %select_n3A_2008 : vector<1x304xf32>
      %jit3A_2010 = arith.constant 128 : i32
      %div3A_2011 = arith.divsi %add3A_1987, %jit3A_2010 : i32
      %sign3A_2012 = arith.constant 0 : i32
      %sign3A_2013 = arith.cmpi sgt, %add3A_1987, %sign3A_2012 : i32
      %sign3A_2014 = arith.extui %sign3A_2013 : i1 to i32
      %sign3A_2015 = arith.constant 0 : i32
      %sign3A_2016 = arith.cmpi slt, %add3A_1987, %sign3A_2015 : i32
      %sign3A_2017 = arith.extui %sign3A_2016 : i1 to i32
      %sign3A_2018 = arith.subi %sign3A_2014, %sign3A_2017 : i32
      %sign3A_2019 = arith.constant 0 : i32
      %sign3A_2020 = arith.cmpi sgt, %jit3A_2010, %sign3A_2019 : i32
      %sign3A_2021 = arith.extui %sign3A_2020 : i1 to i32
      %sign3A_2022 = arith.constant 0 : i32
      %sign3A_2023 = arith.cmpi slt, %jit3A_2010, %sign3A_2022 : i32
      %sign3A_2024 = arith.extui %sign3A_2023 : i1 to i32
      %sign3A_2025 = arith.subi %sign3A_2021, %sign3A_2024 : i32
      %ne3A_2026 = arith.cmpi ne, %sign3A_2018, %sign3A_2025 : i32
      %rem3A_2027 = arith.remsi %add3A_1987, %jit3A_2010 : i32
      %ne3A_2028 = arith.constant 0 : i32
      %ne3A_2029 = arith.cmpi ne, %rem3A_2027, %ne3A_2028 : i32
      %and3A_2030 = arith.andi %ne3A_2026, %ne3A_2029 : i1
      %sub3A_2031 = arith.constant 1 : i32
      %sub3A_2032 = arith.subi %div3A_2011, %sub3A_2031 : i32
      %select_n3A_2033 = arith.select %and3A_2030, %sub3A_2032, %div3A_2011 : i32
      %eq3A_2034 = vector.broadcast %select_n3A_2033 : i32 to vector<3x128xi32>
      %eq3A_2035 = arith.cmpi eq, %iota3A_795, %eq3A_2034 : vector<3x128xi32>
      %jit3A_2036 = arith.constant 128 : i32
      %eq3A_2037 = arith.constant 0 : i32
      %eq3A_2038 = arith.cmpi eq, %jit3A_2036, %eq3A_2037 : i32
      %jit3A_2039 = arith.constant 1 : i32
      %select_n3A_2040 = arith.select %eq3A_2038, %jit3A_2039, %jit3A_2036 : i32
      %rem3A_2041 = arith.remsi %add3A_1987, %select_n3A_2040 : i32
      %ne3A_2042 = arith.constant 0 : i32
      %ne3A_2043 = arith.cmpi ne, %rem3A_2041, %ne3A_2042 : i32
      %lt3A_2044 = arith.constant 0 : i32
      %lt3A_2045 = arith.cmpi slt, %rem3A_2041, %lt3A_2044 : i32
      %lt3A_2046 = arith.constant 0 : i32
      %lt3A_2047 = arith.cmpi slt, %select_n3A_2040, %lt3A_2046 : i32
      %ne3A_2048 = arith.xori %lt3A_2045, %lt3A_2047 : i1
      %and3A_2049 = arith.andi %ne3A_2048, %ne3A_2043 : i1
      %add3A_2050 = arith.addi %rem3A_2041, %select_n3A_2040 : i32
      %select_n3A_2051 = arith.select %and3A_2049, %add3A_2050, %rem3A_2041 : i32
      %eq3A_2052 = vector.broadcast %select_n3A_2051 : i32 to vector<3x128xi32>
      %eq3A_2053 = arith.cmpi eq, %iota3A_794, %eq3A_2052 : vector<3x128xi32>
      %and3A_2054 = arith.andi %eq3A_2035, %eq3A_2053 : vector<3x128xi1>
      %jit3A_2055 = arith.constant 0 : i32
      %broadcast_in_dim3A_2056 = vector.shape_cast %broadcast_in_dim3A_2001 : vector<1x1xi32> to vector<1x1xi32>
      %broadcast_in_dim3A_2057 = vector.broadcast %broadcast_in_dim3A_2056 : vector<1x1xi32> to vector<3x128xi32>
      %broadcast_in_dim3A_2058 = vector.broadcast %jit3A_2055 : i32 to vector<3x128xi32>
      %select_n3A_2059 = arith.select %and3A_2054, %broadcast_in_dim3A_2057, %broadcast_in_dim3A_2058 : vector<3x128xi1>, vector<3x128xi32>
      %add3A_2060 = arith.addi %add3A_1915, %select_n3A_2059 : vector<3x128xi32>
      %eq3A_2061 = vector.broadcast %broadcast_in_dim3A_2001 : vector<1x1xi32> to vector<160x128xi32>
      %eq3A_2062 = arith.cmpi eq, %add3A, %eq3A_2061 : vector<160x128xi32>
      %jit3A_2063 = arith.constant 0xFF800000 : f32
      %broadcast_in_dim3A_2064 = vector.broadcast %jit3A_2063 : f32 to vector<160x128xf32>
      %select_n3A_2065 = arith.select %eq3A_2062, %broadcast_in_dim3A_2064, %select_n3A_1920 : vector<160x128xi1>, vector<160x128xf32>
      %jit3A_2066 = arith.constant 128 : i32
      %eq3A_2067 = arith.constant 0 : i32
      %eq3A_2068 = arith.cmpi eq, %jit3A_2066, %eq3A_2067 : i32
      %jit3A_2069 = arith.constant 1 : i32
      %select_n3A_2070 = arith.select %eq3A_2068, %jit3A_2069, %jit3A_2066 : i32
      %rem3A_2071 = vector.broadcast %select_n3A_2070 : i32 to vector<1x1xi32>
      %rem3A_2072 = arith.remsi %broadcast_in_dim3A_2001, %rem3A_2071 : vector<1x1xi32>
      %ne3A_2073 = arith.constant 0 : i32
      %ne3A_2074 = vector.broadcast %ne3A_2073 : i32 to vector<1x1xi32>
      %ne3A_2075 = arith.cmpi ne, %rem3A_2072, %ne3A_2074 : vector<1x1xi32>
      %lt3A_2076 = arith.constant 0 : i32
      %lt3A_2077 = vector.broadcast %lt3A_2076 : i32 to vector<1x1xi32>
      %lt3A_2078 = arith.cmpi slt, %rem3A_2072, %lt3A_2077 : vector<1x1xi32>
      %lt3A_2079 = arith.constant 0 : i32
      %lt3A_2080 = arith.cmpi slt, %select_n3A_2070, %lt3A_2079 : i32
      %ne3A_2081 = vector.broadcast %lt3A_2080 : i1 to vector<1x1xi1>
      %ne3A_2082 = vector.broadcast %ne3A_2081 : vector<1x1xi1> to vector<1x1xi1>
      %ne3A_2083 = arith.xori %lt3A_2078, %ne3A_2082 : vector<1x1xi1>
      %and3A_2084 = arith.andi %ne3A_2083, %ne3A_2075 : vector<1x1xi1>
      %add3A_2085 = vector.broadcast %select_n3A_2070 : i32 to vector<1x1xi32>
      %add3A_2086 = arith.addi %rem3A_2072, %add3A_2085 : vector<1x1xi32>
      %select_n3A_2087 = arith.select %and3A_2084, %add3A_2086, %rem3A_2072 : vector<1x1xi1>, vector<1x1xi32>
      %eq3A_2088 = vector.broadcast %select_n3A_2087 : vector<1x1xi32> to vector<160x128xi32>
      %eq3A_2089 = arith.cmpi eq, %iota3A_798, %eq3A_2088 : vector<160x128xi32>
      %jit3A_2090 = arith.constant 0xFF800000 : f32
      %broadcast_in_dim3A_2091 = vector.broadcast %jit3A_2090 : f32 to vector<160x128xf32>
      %select_n3A_2092 = arith.select %eq3A_2089, %select_n3A_2065, %broadcast_in_dim3A_2091 : vector<160x128xi1>, vector<160x128xf32>
      %reduce_max3A_2093 = arith.constant dense<0xFF800000> : vector<128xf32>
      %reduce_max3A_2094 = vector.multi_reduction <maximumf>, %select_n3A_2092, %reduce_max3A_2093 [0] : vector<160x128xf32> to vector<128xf32>
      %broadcast_in_dim3A_2095 = vector.shape_cast %reduce_max3A_2094 : vector<128xf32> to vector<1x128xf32>
      %eq3A_2096 = vector.broadcast %broadcast_in_dim3A_2095 : vector<1x128xf32> to vector<160x128xf32>
      %eq3A_2097 = arith.cmpf oeq, %select_n3A_2092, %eq3A_2096 : vector<160x128xf32>
      %broadcast_in_dim3A_2098 = vector.broadcast %scan3A : i32 to vector<160x128xi32>
      %select_n3A_2099 = arith.select %eq3A_2097, %iota3A_797, %broadcast_in_dim3A_2098 : vector<160x128xi1>, vector<160x128xi32>
      %reduce_min3A_2100 = arith.constant dense<2147483647> : vector<128xi32>
      %reduce_min3A_2101 = vector.multi_reduction <minsi>, %select_n3A_2099, %reduce_min3A_2100 [0] : vector<160x128xi32> to vector<128xi32>
      %broadcast_in_dim3A_2102 = vector.shape_cast %reduce_min3A_2101 : vector<128xi32> to vector<1x128xi32>
      %jit3A_2103 = arith.constant 128 : i32
      %eq3A_2104 = arith.constant 0 : i32
      %eq3A_2105 = arith.cmpi eq, %jit3A_2103, %eq3A_2104 : i32
      %jit3A_2106 = arith.constant 1 : i32
      %select_n3A_2107 = arith.select %eq3A_2105, %jit3A_2106, %jit3A_2103 : i32
      %rem3A_2108 = vector.broadcast %select_n3A_2107 : i32 to vector<1x1xi32>
      %rem3A_2109 = arith.remsi %broadcast_in_dim3A_2001, %rem3A_2108 : vector<1x1xi32>
      %ne3A_2110 = arith.constant 0 : i32
      %ne3A_2111 = vector.broadcast %ne3A_2110 : i32 to vector<1x1xi32>
      %ne3A_2112 = arith.cmpi ne, %rem3A_2109, %ne3A_2111 : vector<1x1xi32>
      %lt3A_2113 = arith.constant 0 : i32
      %lt3A_2114 = vector.broadcast %lt3A_2113 : i32 to vector<1x1xi32>
      %lt3A_2115 = arith.cmpi slt, %rem3A_2109, %lt3A_2114 : vector<1x1xi32>
      %lt3A_2116 = arith.constant 0 : i32
      %lt3A_2117 = arith.cmpi slt, %select_n3A_2107, %lt3A_2116 : i32
      %ne3A_2118 = vector.broadcast %lt3A_2117 : i1 to vector<1x1xi1>
      %ne3A_2119 = vector.broadcast %ne3A_2118 : vector<1x1xi1> to vector<1x1xi1>
      %ne3A_2120 = arith.xori %lt3A_2115, %ne3A_2119 : vector<1x1xi1>
      %and3A_2121 = arith.andi %ne3A_2120, %ne3A_2112 : vector<1x1xi1>
      %add3A_2122 = vector.broadcast %select_n3A_2107 : i32 to vector<1x1xi32>
      %add3A_2123 = arith.addi %rem3A_2109, %add3A_2122 : vector<1x1xi32>
      %select_n3A_2124 = arith.select %and3A_2121, %add3A_2123, %rem3A_2109 : vector<1x1xi1>, vector<1x1xi32>
      %eq3A_2125 = vector.broadcast %select_n3A_2124 : vector<1x1xi32> to vector<1x128xi32>
      %eq3A_2126 = arith.cmpi eq, %iota3A_796, %eq3A_2125 : vector<1x128xi32>
      %select_n3A_2127 = arith.select %eq3A_2126, %broadcast_in_dim3A_2095, %select_n3A_1982 : vector<1x128xi1>, vector<1x128xf32>
      %select_n3A_2128 = arith.select %eq3A_2126, %broadcast_in_dim3A_2102, %select_n3A_1983 : vector<1x128xi1>, vector<1x128xi32>
      %mul3A_2129 = arith.constant 10 : i32
      %mul3A_2130 = arith.muli %scan3A_825, %mul3A_2129 : i32
      %add3A_2131 = arith.constant 9 : i32
      %add3A_2132 = arith.addi %mul3A_2130, %add3A_2131 : i32
      %reduce_max3A_2133 = arith.constant dense<0xFF800000> : vector<1xf32>
      %reduce_max3A_2134 = vector.multi_reduction <maximumf>, %select_n3A_2127, %reduce_max3A_2133 [1] : vector<1x128xf32> to vector<1xf32>
      %broadcast_in_dim3A_2135 = vector.shape_cast %reduce_max3A_2134 : vector<1xf32> to vector<1x1xf32>
      %eq3A_2136 = vector.broadcast %broadcast_in_dim3A_2135 : vector<1x1xf32> to vector<1x128xf32>
      %eq3A_2137 = arith.cmpf oeq, %select_n3A_2127, %eq3A_2136 : vector<1x128xf32>
      %mul3A_2138 = arith.constant 128 : i32
      %mul3A_2139 = vector.broadcast %mul3A_2138 : i32 to vector<1x128xi32>
      %mul3A_2140 = arith.muli %select_n3A_2128, %mul3A_2139 : vector<1x128xi32>
      %add3A_2141 = arith.addi %mul3A_2140, %iota3A_796 : vector<1x128xi32>
      %broadcast_in_dim3A_2142 = vector.broadcast %scan3A : i32 to vector<1x128xi32>
      %select_n3A_2143 = arith.select %eq3A_2137, %add3A_2141, %broadcast_in_dim3A_2142 : vector<1x128xi1>, vector<1x128xi32>
      %reduce_min3A_2144 = arith.constant dense<2147483647> : vector<1xi32>
      %reduce_min3A_2145 = vector.multi_reduction <minsi>, %select_n3A_2143, %reduce_min3A_2144 [1] : vector<1x128xi32> to vector<1xi32>
      %broadcast_in_dim3A_2146 = vector.shape_cast %reduce_min3A_2145 : vector<1xi32> to vector<1x1xi32>
      %eq3A_2147 = vector.broadcast %add3A_2132 : i32 to vector<1x304xi32>
      %eq3A_2148 = arith.cmpi eq, %iota3A, %eq3A_2147 : vector<1x304xi32>
      %jit3A_2149 = arith.constant 0.000000e+00 : f32
      %broadcast_in_dim3A_2150 = vector.shape_cast %broadcast_in_dim3A_2135 : vector<1x1xf32> to vector<1x1xf32>
      %broadcast_in_dim3A_2151 = vector.broadcast %broadcast_in_dim3A_2150 : vector<1x1xf32> to vector<1x304xf32>
      %broadcast_in_dim3A_2152 = vector.broadcast %jit3A_2149 : f32 to vector<1x304xf32>
      %select_n3A_2153 = arith.select %eq3A_2148, %broadcast_in_dim3A_2151, %broadcast_in_dim3A_2152 : vector<1x304xi1>, vector<1x304xf32>
      %add3A_2154 = arith.addf %add3A_2009, %select_n3A_2153 : vector<1x304xf32>
      %jit3A_2155 = arith.constant 128 : i32
      %div3A_2156 = arith.divsi %add3A_2132, %jit3A_2155 : i32
      %sign3A_2157 = arith.constant 0 : i32
      %sign3A_2158 = arith.cmpi sgt, %add3A_2132, %sign3A_2157 : i32
      %sign3A_2159 = arith.extui %sign3A_2158 : i1 to i32
      %sign3A_2160 = arith.constant 0 : i32
      %sign3A_2161 = arith.cmpi slt, %add3A_2132, %sign3A_2160 : i32
      %sign3A_2162 = arith.extui %sign3A_2161 : i1 to i32
      %sign3A_2163 = arith.subi %sign3A_2159, %sign3A_2162 : i32
      %sign3A_2164 = arith.constant 0 : i32
      %sign3A_2165 = arith.cmpi sgt, %jit3A_2155, %sign3A_2164 : i32
      %sign3A_2166 = arith.extui %sign3A_2165 : i1 to i32
      %sign3A_2167 = arith.constant 0 : i32
      %sign3A_2168 = arith.cmpi slt, %jit3A_2155, %sign3A_2167 : i32
      %sign3A_2169 = arith.extui %sign3A_2168 : i1 to i32
      %sign3A_2170 = arith.subi %sign3A_2166, %sign3A_2169 : i32
      %ne3A_2171 = arith.cmpi ne, %sign3A_2163, %sign3A_2170 : i32
      %rem3A_2172 = arith.remsi %add3A_2132, %jit3A_2155 : i32
      %ne3A_2173 = arith.constant 0 : i32
      %ne3A_2174 = arith.cmpi ne, %rem3A_2172, %ne3A_2173 : i32
      %and3A_2175 = arith.andi %ne3A_2171, %ne3A_2174 : i1
      %sub3A_2176 = arith.constant 1 : i32
      %sub3A_2177 = arith.subi %div3A_2156, %sub3A_2176 : i32
      %select_n3A_2178 = arith.select %and3A_2175, %sub3A_2177, %div3A_2156 : i32
      %eq3A_2179 = vector.broadcast %select_n3A_2178 : i32 to vector<3x128xi32>
      %eq3A_2180 = arith.cmpi eq, %iota3A_795, %eq3A_2179 : vector<3x128xi32>
      %jit3A_2181 = arith.constant 128 : i32
      %eq3A_2182 = arith.constant 0 : i32
      %eq3A_2183 = arith.cmpi eq, %jit3A_2181, %eq3A_2182 : i32
      %jit3A_2184 = arith.constant 1 : i32
      %select_n3A_2185 = arith.select %eq3A_2183, %jit3A_2184, %jit3A_2181 : i32
      %rem3A_2186 = arith.remsi %add3A_2132, %select_n3A_2185 : i32
      %ne3A_2187 = arith.constant 0 : i32
      %ne3A_2188 = arith.cmpi ne, %rem3A_2186, %ne3A_2187 : i32
      %lt3A_2189 = arith.constant 0 : i32
      %lt3A_2190 = arith.cmpi slt, %rem3A_2186, %lt3A_2189 : i32
      %lt3A_2191 = arith.constant 0 : i32
      %lt3A_2192 = arith.cmpi slt, %select_n3A_2185, %lt3A_2191 : i32
      %ne3A_2193 = arith.xori %lt3A_2190, %lt3A_2192 : i1
      %and3A_2194 = arith.andi %ne3A_2193, %ne3A_2188 : i1
      %add3A_2195 = arith.addi %rem3A_2186, %select_n3A_2185 : i32
      %select_n3A_2196 = arith.select %and3A_2194, %add3A_2195, %rem3A_2186 : i32
      %eq3A_2197 = vector.broadcast %select_n3A_2196 : i32 to vector<3x128xi32>
      %eq3A_2198 = arith.cmpi eq, %iota3A_794, %eq3A_2197 : vector<3x128xi32>
      %and3A_2199 = arith.andi %eq3A_2180, %eq3A_2198 : vector<3x128xi1>
      %jit3A_2200 = arith.constant 0 : i32
      %broadcast_in_dim3A_2201 = vector.shape_cast %broadcast_in_dim3A_2146 : vector<1x1xi32> to vector<1x1xi32>
      %broadcast_in_dim3A_2202 = vector.broadcast %broadcast_in_dim3A_2201 : vector<1x1xi32> to vector<3x128xi32>
      %broadcast_in_dim3A_2203 = vector.broadcast %jit3A_2200 : i32 to vector<3x128xi32>
      %select_n3A_2204 = arith.select %and3A_2199, %broadcast_in_dim3A_2202, %broadcast_in_dim3A_2203 : vector<3x128xi1>, vector<3x128xi32>
      %add3A_2205 = arith.addi %add3A_2060, %select_n3A_2204 : vector<3x128xi32>
      %eq3A_2206 = vector.broadcast %broadcast_in_dim3A_2146 : vector<1x1xi32> to vector<160x128xi32>
      %eq3A_2207 = arith.cmpi eq, %add3A, %eq3A_2206 : vector<160x128xi32>
      %jit3A_2208 = arith.constant 0xFF800000 : f32
      %broadcast_in_dim3A_2209 = vector.broadcast %jit3A_2208 : f32 to vector<160x128xf32>
      %select_n3A_2210 = arith.select %eq3A_2207, %broadcast_in_dim3A_2209, %select_n3A_2065 : vector<160x128xi1>, vector<160x128xf32>
      %jit3A_2211 = arith.constant 128 : i32
      %eq3A_2212 = arith.constant 0 : i32
      %eq3A_2213 = arith.cmpi eq, %jit3A_2211, %eq3A_2212 : i32
      %jit3A_2214 = arith.constant 1 : i32
      %select_n3A_2215 = arith.select %eq3A_2213, %jit3A_2214, %jit3A_2211 : i32
      %rem3A_2216 = vector.broadcast %select_n3A_2215 : i32 to vector<1x1xi32>
      %rem3A_2217 = arith.remsi %broadcast_in_dim3A_2146, %rem3A_2216 : vector<1x1xi32>
      %ne3A_2218 = arith.constant 0 : i32
      %ne3A_2219 = vector.broadcast %ne3A_2218 : i32 to vector<1x1xi32>
      %ne3A_2220 = arith.cmpi ne, %rem3A_2217, %ne3A_2219 : vector<1x1xi32>
      %lt3A_2221 = arith.constant 0 : i32
      %lt3A_2222 = vector.broadcast %lt3A_2221 : i32 to vector<1x1xi32>
      %lt3A_2223 = arith.cmpi slt, %rem3A_2217, %lt3A_2222 : vector<1x1xi32>
      %lt3A_2224 = arith.constant 0 : i32
      %lt3A_2225 = arith.cmpi slt, %select_n3A_2215, %lt3A_2224 : i32
      %ne3A_2226 = vector.broadcast %lt3A_2225 : i1 to vector<1x1xi1>
      %ne3A_2227 = vector.broadcast %ne3A_2226 : vector<1x1xi1> to vector<1x1xi1>
      %ne3A_2228 = arith.xori %lt3A_2223, %ne3A_2227 : vector<1x1xi1>
      %and3A_2229 = arith.andi %ne3A_2228, %ne3A_2220 : vector<1x1xi1>
      %add3A_2230 = vector.broadcast %select_n3A_2215 : i32 to vector<1x1xi32>
      %add3A_2231 = arith.addi %rem3A_2217, %add3A_2230 : vector<1x1xi32>
      %select_n3A_2232 = arith.select %and3A_2229, %add3A_2231, %rem3A_2217 : vector<1x1xi1>, vector<1x1xi32>
      %eq3A_2233 = vector.broadcast %select_n3A_2232 : vector<1x1xi32> to vector<160x128xi32>
      %eq3A_2234 = arith.cmpi eq, %iota3A_798, %eq3A_2233 : vector<160x128xi32>
      %jit3A_2235 = arith.constant 0xFF800000 : f32
      %broadcast_in_dim3A_2236 = vector.broadcast %jit3A_2235 : f32 to vector<160x128xf32>
      %select_n3A_2237 = arith.select %eq3A_2234, %select_n3A_2210, %broadcast_in_dim3A_2236 : vector<160x128xi1>, vector<160x128xf32>
      %reduce_max3A_2238 = arith.constant dense<0xFF800000> : vector<128xf32>
      %reduce_max3A_2239 = vector.multi_reduction <maximumf>, %select_n3A_2237, %reduce_max3A_2238 [0] : vector<160x128xf32> to vector<128xf32>
      %broadcast_in_dim3A_2240 = vector.shape_cast %reduce_max3A_2239 : vector<128xf32> to vector<1x128xf32>
      %eq3A_2241 = vector.broadcast %broadcast_in_dim3A_2240 : vector<1x128xf32> to vector<160x128xf32>
      %eq3A_2242 = arith.cmpf oeq, %select_n3A_2237, %eq3A_2241 : vector<160x128xf32>
      %broadcast_in_dim3A_2243 = vector.broadcast %scan3A : i32 to vector<160x128xi32>
      %select_n3A_2244 = arith.select %eq3A_2242, %iota3A_797, %broadcast_in_dim3A_2243 : vector<160x128xi1>, vector<160x128xi32>
      %reduce_min3A_2245 = arith.constant dense<2147483647> : vector<128xi32>
      %reduce_min3A_2246 = vector.multi_reduction <minsi>, %select_n3A_2244, %reduce_min3A_2245 [0] : vector<160x128xi32> to vector<128xi32>
      %broadcast_in_dim3A_2247 = vector.shape_cast %reduce_min3A_2246 : vector<128xi32> to vector<1x128xi32>
      %jit3A_2248 = arith.constant 128 : i32
      %eq3A_2249 = arith.constant 0 : i32
      %eq3A_2250 = arith.cmpi eq, %jit3A_2248, %eq3A_2249 : i32
      %jit3A_2251 = arith.constant 1 : i32
      %select_n3A_2252 = arith.select %eq3A_2250, %jit3A_2251, %jit3A_2248 : i32
      %rem3A_2253 = vector.broadcast %select_n3A_2252 : i32 to vector<1x1xi32>
      %rem3A_2254 = arith.remsi %broadcast_in_dim3A_2146, %rem3A_2253 : vector<1x1xi32>
      %ne3A_2255 = arith.constant 0 : i32
      %ne3A_2256 = vector.broadcast %ne3A_2255 : i32 to vector<1x1xi32>
      %ne3A_2257 = arith.cmpi ne, %rem3A_2254, %ne3A_2256 : vector<1x1xi32>
      %lt3A_2258 = arith.constant 0 : i32
      %lt3A_2259 = vector.broadcast %lt3A_2258 : i32 to vector<1x1xi32>
      %lt3A_2260 = arith.cmpi slt, %rem3A_2254, %lt3A_2259 : vector<1x1xi32>
      %lt3A_2261 = arith.constant 0 : i32
      %lt3A_2262 = arith.cmpi slt, %select_n3A_2252, %lt3A_2261 : i32
      %ne3A_2263 = vector.broadcast %lt3A_2262 : i1 to vector<1x1xi1>
      %ne3A_2264 = vector.broadcast %ne3A_2263 : vector<1x1xi1> to vector<1x1xi1>
      %ne3A_2265 = arith.xori %lt3A_2260, %ne3A_2264 : vector<1x1xi1>
      %and3A_2266 = arith.andi %ne3A_2265, %ne3A_2257 : vector<1x1xi1>
      %add3A_2267 = vector.broadcast %select_n3A_2252 : i32 to vector<1x1xi32>
      %add3A_2268 = arith.addi %rem3A_2254, %add3A_2267 : vector<1x1xi32>
      %select_n3A_2269 = arith.select %and3A_2266, %add3A_2268, %rem3A_2254 : vector<1x1xi1>, vector<1x1xi32>
      %eq3A_2270 = vector.broadcast %select_n3A_2269 : vector<1x1xi32> to vector<1x128xi32>
      %eq3A_2271 = arith.cmpi eq, %iota3A_796, %eq3A_2270 : vector<1x128xi32>
      %select_n3A_2272 = arith.select %eq3A_2271, %broadcast_in_dim3A_2240, %select_n3A_2127 : vector<1x128xi1>, vector<1x128xf32>
      %select_n3A_2273 = arith.select %eq3A_2271, %broadcast_in_dim3A_2247, %select_n3A_2128 : vector<1x128xi1>, vector<1x128xi32>
      scf.yield %select_n3A_2210, %select_n3A_2272, %select_n3A_2273, %add3A_2154, %add3A_2205 : vector<160x128xf32>, vector<1x128xf32>, vector<1x128xi32>, vector<1x304xf32>, vector<3x128xi32>
    }
    %scan3A_818 = arith.constant 30 : i32
    %swap3A_819 = arith.constant 0 : index
    %swap3A_820 = arith.constant 0 : index
    %swap3A_821 = vector.load %arg1[%swap3A_819, %swap3A_820] : memref<1x304xf32, #tpu.memory_space<vmem>>, vector<1x304xf32>
    tpu.vector_store %arg1[%swap3A_819, %swap3A_820], %scan3A_817#3 {strides = array<i32>} : memref<1x304xf32, #tpu.memory_space<vmem>>, vector<1x304xf32>,
    %swap3A_822 = arith.constant 0 : index
    %swap3A_823 = arith.constant 0 : index
    %swap3A_824 = vector.load %arg2[%swap3A_822, %swap3A_823] : memref<3x128xi32, #tpu.memory_space<vmem>>, vector<3x128xi32>
    tpu.vector_store %arg2[%swap3A_822, %swap3A_823], %scan3A_817#4 {strides = array<i32>} : memref<3x128xi32, #tpu.memory_space<vmem>>, vector<3x128xi32>,
    return
  }
}

module attributes {stable_mosaic.version = 14 : i64} {
  func.func @_nms_body(%arg0: memref<1x304xf32, #tpu.memory_space<vmem>>, %arg1: memref<5x384xf32, #tpu.memory_space<vmem>>, %arg2: memref<8x304xf32, #tpu.memory_space<vmem>>, %arg3: memref<304x304xf32, #tpu.memory_space<vmem>>) attributes {dimension_semantics = [], scalar_prefetch = 0 : i64, scratch_operands = 1 : i64, tpu.core_type = #tpu.core_type<tc>} {
    %iota3A = tpu.iota {dimensions = array<i32: 1>} : vector<1x304xi32>
    %broadcast_in_dim3A = arith.constant 0.000000e+00 : f32
    %broadcast_in_dim3A_0 = vector.broadcast %broadcast_in_dim3A : f32 to vector<1x304xf32>
    %get3A = arith.constant 0 : index
    %get3A_1 = arith.constant 0 : index
    %get3A_2 = vector.load %arg0[%get3A, %get3A_1] : memref<1x304xf32, #tpu.memory_space<vmem>>, vector<1x304xf32>
    %get3A_3 = arith.constant 0 : index
    %get3A_4 = arith.constant 0 : index
    %get3A_5 = vector.load %arg1[%get3A_3, %get3A_4] : memref<5x384xf32, #tpu.memory_space<vmem>>, vector<1x304xf32>
    %get3A_6 = arith.constant 1 : index
    %get3A_7 = arith.constant 0 : index
    %get3A_8 = vector.load %arg1[%get3A_6, %get3A_7] : memref<5x384xf32, #tpu.memory_space<vmem>>, vector<1x304xf32>
    %get3A_9 = arith.constant 2 : index
    %get3A_10 = arith.constant 0 : index
    %get3A_11 = vector.load %arg1[%get3A_9, %get3A_10] : memref<5x384xf32, #tpu.memory_space<vmem>>, vector<1x304xf32>
    %get3A_12 = arith.constant 3 : index
    %get3A_13 = arith.constant 0 : index
    %get3A_14 = vector.load %arg1[%get3A_12, %get3A_13] : memref<5x384xf32, #tpu.memory_space<vmem>>, vector<1x304xf32>
    %get3A_15 = arith.constant 4 : index
    %get3A_16 = arith.constant 0 : index
    %get3A_17 = vector.load %arg1[%get3A_15, %get3A_16] : memref<5x384xf32, #tpu.memory_space<vmem>>, vector<1x304xf32>
    %div3A = arith.constant 2.000000e+00 : f32
    %div3A_18 = vector.broadcast %div3A : f32 to vector<1x304xf32>
    %div3A_19 = arith.divf %get3A_11, %div3A_18 : vector<1x304xf32>
    %sub3A = arith.subf %get3A_5, %div3A_19 : vector<1x304xf32>
    %div3A_20 = arith.constant 2.000000e+00 : f32
    %div3A_21 = vector.broadcast %div3A_20 : f32 to vector<1x304xf32>
    %div3A_22 = arith.divf %get3A_14, %div3A_21 : vector<1x304xf32>
    %sub3A_23 = arith.subf %get3A_8, %div3A_22 : vector<1x304xf32>
    %div3A_24 = arith.constant 2.000000e+00 : f32
    %div3A_25 = vector.broadcast %div3A_24 : f32 to vector<1x304xf32>
    %div3A_26 = arith.divf %get3A_11, %div3A_25 : vector<1x304xf32>
    %add3A = arith.addf %get3A_5, %div3A_26 : vector<1x304xf32>
    %div3A_27 = arith.constant 2.000000e+00 : f32
    %div3A_28 = vector.broadcast %div3A_27 : f32 to vector<1x304xf32>
    %div3A_29 = arith.divf %get3A_14, %div3A_28 : vector<1x304xf32>
    %add3A_30 = arith.addf %get3A_8, %div3A_29 : vector<1x304xf32>
    %sub3A_31 = arith.subf %add3A, %sub3A : vector<1x304xf32>
    %sub3A_32 = arith.subf %add3A_30, %sub3A_23 : vector<1x304xf32>
    %mul3A = arith.mulf %sub3A_31, %sub3A_32 : vector<1x304xf32>
    %gt3A = arith.constant 5.000000e-01 : f32
    %gt3A_33 = vector.broadcast %gt3A : f32 to vector<1x304xf32>
    %gt3A_34 = arith.cmpf ogt, %get3A_2, %gt3A_33 : vector<1x304xf32>
    %lt3A = arith.constant 300 : i32
    %lt3A_35 = vector.broadcast %lt3A : i32 to vector<1x304xi32>
    %lt3A_36 = arith.cmpi slt, %iota3A, %lt3A_35 : vector<1x304xi32>
    %and3A = arith.andi %gt3A_34, %lt3A_36 : vector<1x304xi1>
    %convert_element_type3A = arith.extui %and3A : vector<1x304xi1> to vector<1x304xi32>
    %convert_element_type3A_37 = arith.sitofp %convert_element_type3A : vector<1x304xi32> to vector<1x304xf32>
    %concatenate3A = tpu.concatenate %sub3A, %sub3A_23, %add3A, %add3A_30, %mul3A, %broadcast_in_dim3A_0, %broadcast_in_dim3A_0, %broadcast_in_dim3A_0 in 0 : vector<1x304xf32>, vector<1x304xf32>, vector<1x304xf32>, vector<1x304xf32>, vector<1x304xf32>, vector<1x304xf32>, vector<1x304xf32>, vector<1x304xf32> -> vector<8x304xf32>
    %iota3A_38 = tpu.iota {dimensions = array<i32: 0>} : vector<304x304xi32>
    %iota3A_39 = tpu.iota {dimensions = array<i32: 1>} : vector<304x304xi32>
    %eq3A = arith.cmpi eq, %iota3A_38, %iota3A_39 : vector<304x304xi32>
    %convert_element_type3A_40 = arith.extui %eq3A : vector<304x304xi1> to vector<304x304xi32>
    %convert_element_type3A_41 = arith.sitofp %convert_element_type3A_40 : vector<304x304xi32> to vector<304x304xf32>
    %dot_general3A = arith.constant dense<0.000000e+00> : vector<304x8xf32>
    %dot_general3A_42 = tpu.matmul %convert_element_type3A_41, %concatenate3A, %dot_general3A {dimension_numbers = #tpu.dot_dimension_numbers<[1], [1], [0], [0], [0, 0, 1, 0], [], []>, precision = #tpu.contract_precision<fp32>, transpose_lhs_hint = false} : vector<304x304xf32>, vector<8x304xf32>, vector<304x8xf32> -> vector<304x8xf32>
    %slice3A = vector.extract_strided_slice %dot_general3A_42 {offsets = [0, 0], sizes = [304, 1], strides = [1, 1]} : vector<304x8xf32> to vector<304x1xf32>
    %slice3A_43 = vector.extract_strided_slice %dot_general3A_42 {offsets = [0, 1], sizes = [304, 1], strides = [1, 1]} : vector<304x8xf32> to vector<304x1xf32>
    %slice3A_44 = vector.extract_strided_slice %dot_general3A_42 {offsets = [0, 2], sizes = [304, 1], strides = [1, 1]} : vector<304x8xf32> to vector<304x1xf32>
    %slice3A_45 = vector.extract_strided_slice %dot_general3A_42 {offsets = [0, 3], sizes = [304, 1], strides = [1, 1]} : vector<304x8xf32> to vector<304x1xf32>
    %slice3A_46 = vector.extract_strided_slice %dot_general3A_42 {offsets = [0, 4], sizes = [304, 1], strides = [1, 1]} : vector<304x8xf32> to vector<304x1xf32>
    %min3A = vector.broadcast %slice3A_44 : vector<304x1xf32> to vector<304x304xf32>
    %min3A_47 = vector.broadcast %add3A : vector<1x304xf32> to vector<304x304xf32>
    %min3A_48 = arith.minimumf %min3A, %min3A_47 : vector<304x304xf32>
    %max3A = vector.broadcast %slice3A : vector<304x1xf32> to vector<304x304xf32>
    %max3A_49 = vector.broadcast %sub3A : vector<1x304xf32> to vector<304x304xf32>
    %max3A_50 = arith.maximumf %max3A, %max3A_49 : vector<304x304xf32>
    %sub3A_51 = arith.subf %min3A_48, %max3A_50 : vector<304x304xf32>
    %max3A_52 = arith.constant 0.000000e+00 : f32
    %max3A_53 = vector.broadcast %max3A_52 : f32 to vector<304x304xf32>
    %max3A_54 = arith.maximumf %sub3A_51, %max3A_53 : vector<304x304xf32>
    %min3A_55 = vector.broadcast %slice3A_45 : vector<304x1xf32> to vector<304x304xf32>
    %min3A_56 = vector.broadcast %add3A_30 : vector<1x304xf32> to vector<304x304xf32>
    %min3A_57 = arith.minimumf %min3A_55, %min3A_56 : vector<304x304xf32>
    %max3A_58 = vector.broadcast %slice3A_43 : vector<304x1xf32> to vector<304x304xf32>
    %max3A_59 = vector.broadcast %sub3A_23 : vector<1x304xf32> to vector<304x304xf32>
    %max3A_60 = arith.maximumf %max3A_58, %max3A_59 : vector<304x304xf32>
    %sub3A_61 = arith.subf %min3A_57, %max3A_60 : vector<304x304xf32>
    %max3A_62 = arith.constant 0.000000e+00 : f32
    %max3A_63 = vector.broadcast %max3A_62 : f32 to vector<304x304xf32>
    %max3A_64 = arith.maximumf %sub3A_61, %max3A_63 : vector<304x304xf32>
    %mul3A_65 = arith.mulf %max3A_54, %max3A_64 : vector<304x304xf32>
    %add3A_66 = vector.broadcast %slice3A_46 : vector<304x1xf32> to vector<304x304xf32>
    %add3A_67 = vector.broadcast %mul3A : vector<1x304xf32> to vector<304x304xf32>
    %add3A_68 = arith.addf %add3A_66, %add3A_67 : vector<304x304xf32>
    %sub3A_69 = arith.subf %add3A_68, %mul3A_65 : vector<304x304xf32>
    %add3A_70 = arith.constant 9.99999971E-10 : f32
    %add3A_71 = vector.broadcast %add3A_70 : f32 to vector<304x304xf32>
    %add3A_72 = arith.addf %sub3A_69, %add3A_71 : vector<304x304xf32>
    %div3A_73 = arith.divf %mul3A_65, %add3A_72 : vector<304x304xf32>
    %swap3A = arith.constant 0 : index
    %swap3A_74 = arith.constant 0 : index
    %swap3A_75 = vector.load %arg3[%swap3A, %swap3A_74] : memref<304x304xf32, #tpu.memory_space<vmem>>, vector<304x304xf32>
    tpu.vector_store %arg3[%swap3A, %swap3A_74], %div3A_73 {strides = array<i32>} : memref<304x304xf32, #tpu.memory_space<vmem>>, vector<304x304xf32>,
    %scan3A = arith.constant 0 : i32
    %scan3A_76 = arith.constant 30 : i32
    %scan3A_77 = arith.addi %scan3A, %scan3A_76 : i32
    %scan3A_78 = arith.constant 1 : i32
    %scan3A_79 = scf.for %scan3A_114 = %scan3A to %scan3A_77 step %scan3A_78 iter_args(%scan3A_115 = %convert_element_type3A_37) -> (vector<1x304xf32>)  : i32 {
      %mul3A_116 = arith.constant 10 : i32
      %mul3A_117 = arith.muli %scan3A_114, %mul3A_116 : i32
      %add3A_118 = arith.constant 0 : i32
      %add3A_119 = arith.addi %mul3A_117, %add3A_118 : i32
      %get3A_120 = arith.index_cast %add3A_119 : i32 to index
      %get3A_121 = arith.constant 0 : index
      %get3A_122 = vector.load %arg3[%get3A_120, %get3A_121] : memref<304x304xf32, #tpu.memory_space<vmem>>, vector<1x304xf32>
      %eq3A_123 = vector.broadcast %add3A_119 : i32 to vector<1x304xi32>
      %eq3A_124 = arith.cmpi eq, %iota3A, %eq3A_123 : vector<1x304xi32>
      %convert_element_type3A_125 = arith.extui %eq3A_124 : vector<1x304xi1> to vector<1x304xi32>
      %convert_element_type3A_126 = arith.sitofp %convert_element_type3A_125 : vector<1x304xi32> to vector<1x304xf32>
      %mul3A_127 = arith.mulf %scan3A_115, %convert_element_type3A_126 : vector<1x304xf32>
      %reduce_sum3A = arith.constant dense<0.000000e+00> : vector<1xf32>
      %reduce_sum3A_128 = vector.multi_reduction <add>, %mul3A_127, %reduce_sum3A [1] : vector<1x304xf32> to vector<1xf32>
      %broadcast_in_dim3A_129 = vector.shape_cast %reduce_sum3A_128 : vector<1xf32> to vector<1x1xf32>
      %gt3A_130 = arith.constant 4.000000e-01 : f32
      %gt3A_131 = vector.broadcast %gt3A_130 : f32 to vector<1x304xf32>
      %gt3A_132 = arith.cmpf ogt, %get3A_122, %gt3A_131 : vector<1x304xf32>
      %gt3A_133 = vector.broadcast %add3A_119 : i32 to vector<1x304xi32>
      %gt3A_134 = arith.cmpi sgt, %iota3A, %gt3A_133 : vector<1x304xi32>
      %and3A_135 = arith.andi %gt3A_132, %gt3A_134 : vector<1x304xi1>
      %convert_element_type3A_136 = arith.extui %and3A_135 : vector<1x304xi1> to vector<1x304xi32>
      %convert_element_type3A_137 = arith.sitofp %convert_element_type3A_136 : vector<1x304xi32> to vector<1x304xf32>
      %mul3A_138 = vector.broadcast %broadcast_in_dim3A_129 : vector<1x1xf32> to vector<1x304xf32>
      %mul3A_139 = arith.mulf %convert_element_type3A_137, %mul3A_138 : vector<1x304xf32>
      %sub3A_140 = arith.constant 1.000000e+00 : f32
      %sub3A_141 = vector.broadcast %sub3A_140 : f32 to vector<1x304xf32>
      %sub3A_142 = arith.subf %sub3A_141, %mul3A_139 : vector<1x304xf32>
      %mul3A_143 = arith.mulf %scan3A_115, %sub3A_142 : vector<1x304xf32>
      %mul3A_144 = arith.constant 10 : i32
      %mul3A_145 = arith.muli %scan3A_114, %mul3A_144 : i32
      %add3A_146 = arith.constant 1 : i32
      %add3A_147 = arith.addi %mul3A_145, %add3A_146 : i32
      %get3A_148 = arith.index_cast %add3A_147 : i32 to index
      %get3A_149 = arith.constant 0 : index
      %get3A_150 = vector.load %arg3[%get3A_148, %get3A_149] : memref<304x304xf32, #tpu.memory_space<vmem>>, vector<1x304xf32>
      %eq3A_151 = vector.broadcast %add3A_147 : i32 to vector<1x304xi32>
      %eq3A_152 = arith.cmpi eq, %iota3A, %eq3A_151 : vector<1x304xi32>
      %convert_element_type3A_153 = arith.extui %eq3A_152 : vector<1x304xi1> to vector<1x304xi32>
      %convert_element_type3A_154 = arith.sitofp %convert_element_type3A_153 : vector<1x304xi32> to vector<1x304xf32>
      %mul3A_155 = arith.mulf %mul3A_143, %convert_element_type3A_154 : vector<1x304xf32>
      %reduce_sum3A_156 = arith.constant dense<0.000000e+00> : vector<1xf32>
      %reduce_sum3A_157 = vector.multi_reduction <add>, %mul3A_155, %reduce_sum3A_156 [1] : vector<1x304xf32> to vector<1xf32>
      %broadcast_in_dim3A_158 = vector.shape_cast %reduce_sum3A_157 : vector<1xf32> to vector<1x1xf32>
      %gt3A_159 = arith.constant 4.000000e-01 : f32
      %gt3A_160 = vector.broadcast %gt3A_159 : f32 to vector<1x304xf32>
      %gt3A_161 = arith.cmpf ogt, %get3A_150, %gt3A_160 : vector<1x304xf32>
      %gt3A_162 = vector.broadcast %add3A_147 : i32 to vector<1x304xi32>
      %gt3A_163 = arith.cmpi sgt, %iota3A, %gt3A_162 : vector<1x304xi32>
      %and3A_164 = arith.andi %gt3A_161, %gt3A_163 : vector<1x304xi1>
      %convert_element_type3A_165 = arith.extui %and3A_164 : vector<1x304xi1> to vector<1x304xi32>
      %convert_element_type3A_166 = arith.sitofp %convert_element_type3A_165 : vector<1x304xi32> to vector<1x304xf32>
      %mul3A_167 = vector.broadcast %broadcast_in_dim3A_158 : vector<1x1xf32> to vector<1x304xf32>
      %mul3A_168 = arith.mulf %convert_element_type3A_166, %mul3A_167 : vector<1x304xf32>
      %sub3A_169 = arith.constant 1.000000e+00 : f32
      %sub3A_170 = vector.broadcast %sub3A_169 : f32 to vector<1x304xf32>
      %sub3A_171 = arith.subf %sub3A_170, %mul3A_168 : vector<1x304xf32>
      %mul3A_172 = arith.mulf %mul3A_143, %sub3A_171 : vector<1x304xf32>
      %mul3A_173 = arith.constant 10 : i32
      %mul3A_174 = arith.muli %scan3A_114, %mul3A_173 : i32
      %add3A_175 = arith.constant 2 : i32
      %add3A_176 = arith.addi %mul3A_174, %add3A_175 : i32
      %get3A_177 = arith.index_cast %add3A_176 : i32 to index
      %get3A_178 = arith.constant 0 : index
      %get3A_179 = vector.load %arg3[%get3A_177, %get3A_178] : memref<304x304xf32, #tpu.memory_space<vmem>>, vector<1x304xf32>
      %eq3A_180 = vector.broadcast %add3A_176 : i32 to vector<1x304xi32>
      %eq3A_181 = arith.cmpi eq, %iota3A, %eq3A_180 : vector<1x304xi32>
      %convert_element_type3A_182 = arith.extui %eq3A_181 : vector<1x304xi1> to vector<1x304xi32>
      %convert_element_type3A_183 = arith.sitofp %convert_element_type3A_182 : vector<1x304xi32> to vector<1x304xf32>
      %mul3A_184 = arith.mulf %mul3A_172, %convert_element_type3A_183 : vector<1x304xf32>
      %reduce_sum3A_185 = arith.constant dense<0.000000e+00> : vector<1xf32>
      %reduce_sum3A_186 = vector.multi_reduction <add>, %mul3A_184, %reduce_sum3A_185 [1] : vector<1x304xf32> to vector<1xf32>
      %broadcast_in_dim3A_187 = vector.shape_cast %reduce_sum3A_186 : vector<1xf32> to vector<1x1xf32>
      %gt3A_188 = arith.constant 4.000000e-01 : f32
      %gt3A_189 = vector.broadcast %gt3A_188 : f32 to vector<1x304xf32>
      %gt3A_190 = arith.cmpf ogt, %get3A_179, %gt3A_189 : vector<1x304xf32>
      %gt3A_191 = vector.broadcast %add3A_176 : i32 to vector<1x304xi32>
      %gt3A_192 = arith.cmpi sgt, %iota3A, %gt3A_191 : vector<1x304xi32>
      %and3A_193 = arith.andi %gt3A_190, %gt3A_192 : vector<1x304xi1>
      %convert_element_type3A_194 = arith.extui %and3A_193 : vector<1x304xi1> to vector<1x304xi32>
      %convert_element_type3A_195 = arith.sitofp %convert_element_type3A_194 : vector<1x304xi32> to vector<1x304xf32>
      %mul3A_196 = vector.broadcast %broadcast_in_dim3A_187 : vector<1x1xf32> to vector<1x304xf32>
      %mul3A_197 = arith.mulf %convert_element_type3A_195, %mul3A_196 : vector<1x304xf32>
      %sub3A_198 = arith.constant 1.000000e+00 : f32
      %sub3A_199 = vector.broadcast %sub3A_198 : f32 to vector<1x304xf32>
      %sub3A_200 = arith.subf %sub3A_199, %mul3A_197 : vector<1x304xf32>
      %mul3A_201 = arith.mulf %mul3A_172, %sub3A_200 : vector<1x304xf32>
      %mul3A_202 = arith.constant 10 : i32
      %mul3A_203 = arith.muli %scan3A_114, %mul3A_202 : i32
      %add3A_204 = arith.constant 3 : i32
      %add3A_205 = arith.addi %mul3A_203, %add3A_204 : i32
      %get3A_206 = arith.index_cast %add3A_205 : i32 to index
      %get3A_207 = arith.constant 0 : index
      %get3A_208 = vector.load %arg3[%get3A_206, %get3A_207] : memref<304x304xf32, #tpu.memory_space<vmem>>, vector<1x304xf32>
      %eq3A_209 = vector.broadcast %add3A_205 : i32 to vector<1x304xi32>
      %eq3A_210 = arith.cmpi eq, %iota3A, %eq3A_209 : vector<1x304xi32>
      %convert_element_type3A_211 = arith.extui %eq3A_210 : vector<1x304xi1> to vector<1x304xi32>
      %convert_element_type3A_212 = arith.sitofp %convert_element_type3A_211 : vector<1x304xi32> to vector<1x304xf32>
      %mul3A_213 = arith.mulf %mul3A_201, %convert_element_type3A_212 : vector<1x304xf32>
      %reduce_sum3A_214 = arith.constant dense<0.000000e+00> : vector<1xf32>
      %reduce_sum3A_215 = vector.multi_reduction <add>, %mul3A_213, %reduce_sum3A_214 [1] : vector<1x304xf32> to vector<1xf32>
      %broadcast_in_dim3A_216 = vector.shape_cast %reduce_sum3A_215 : vector<1xf32> to vector<1x1xf32>
      %gt3A_217 = arith.constant 4.000000e-01 : f32
      %gt3A_218 = vector.broadcast %gt3A_217 : f32 to vector<1x304xf32>
      %gt3A_219 = arith.cmpf ogt, %get3A_208, %gt3A_218 : vector<1x304xf32>
      %gt3A_220 = vector.broadcast %add3A_205 : i32 to vector<1x304xi32>
      %gt3A_221 = arith.cmpi sgt, %iota3A, %gt3A_220 : vector<1x304xi32>
      %and3A_222 = arith.andi %gt3A_219, %gt3A_221 : vector<1x304xi1>
      %convert_element_type3A_223 = arith.extui %and3A_222 : vector<1x304xi1> to vector<1x304xi32>
      %convert_element_type3A_224 = arith.sitofp %convert_element_type3A_223 : vector<1x304xi32> to vector<1x304xf32>
      %mul3A_225 = vector.broadcast %broadcast_in_dim3A_216 : vector<1x1xf32> to vector<1x304xf32>
      %mul3A_226 = arith.mulf %convert_element_type3A_224, %mul3A_225 : vector<1x304xf32>
      %sub3A_227 = arith.constant 1.000000e+00 : f32
      %sub3A_228 = vector.broadcast %sub3A_227 : f32 to vector<1x304xf32>
      %sub3A_229 = arith.subf %sub3A_228, %mul3A_226 : vector<1x304xf32>
      %mul3A_230 = arith.mulf %mul3A_201, %sub3A_229 : vector<1x304xf32>
      %mul3A_231 = arith.constant 10 : i32
      %mul3A_232 = arith.muli %scan3A_114, %mul3A_231 : i32
      %add3A_233 = arith.constant 4 : i32
      %add3A_234 = arith.addi %mul3A_232, %add3A_233 : i32
      %get3A_235 = arith.index_cast %add3A_234 : i32 to index
      %get3A_236 = arith.constant 0 : index
      %get3A_237 = vector.load %arg3[%get3A_235, %get3A_236] : memref<304x304xf32, #tpu.memory_space<vmem>>, vector<1x304xf32>
      %eq3A_238 = vector.broadcast %add3A_234 : i32 to vector<1x304xi32>
      %eq3A_239 = arith.cmpi eq, %iota3A, %eq3A_238 : vector<1x304xi32>
      %convert_element_type3A_240 = arith.extui %eq3A_239 : vector<1x304xi1> to vector<1x304xi32>
      %convert_element_type3A_241 = arith.sitofp %convert_element_type3A_240 : vector<1x304xi32> to vector<1x304xf32>
      %mul3A_242 = arith.mulf %mul3A_230, %convert_element_type3A_241 : vector<1x304xf32>
      %reduce_sum3A_243 = arith.constant dense<0.000000e+00> : vector<1xf32>
      %reduce_sum3A_244 = vector.multi_reduction <add>, %mul3A_242, %reduce_sum3A_243 [1] : vector<1x304xf32> to vector<1xf32>
      %broadcast_in_dim3A_245 = vector.shape_cast %reduce_sum3A_244 : vector<1xf32> to vector<1x1xf32>
      %gt3A_246 = arith.constant 4.000000e-01 : f32
      %gt3A_247 = vector.broadcast %gt3A_246 : f32 to vector<1x304xf32>
      %gt3A_248 = arith.cmpf ogt, %get3A_237, %gt3A_247 : vector<1x304xf32>
      %gt3A_249 = vector.broadcast %add3A_234 : i32 to vector<1x304xi32>
      %gt3A_250 = arith.cmpi sgt, %iota3A, %gt3A_249 : vector<1x304xi32>
      %and3A_251 = arith.andi %gt3A_248, %gt3A_250 : vector<1x304xi1>
      %convert_element_type3A_252 = arith.extui %and3A_251 : vector<1x304xi1> to vector<1x304xi32>
      %convert_element_type3A_253 = arith.sitofp %convert_element_type3A_252 : vector<1x304xi32> to vector<1x304xf32>
      %mul3A_254 = vector.broadcast %broadcast_in_dim3A_245 : vector<1x1xf32> to vector<1x304xf32>
      %mul3A_255 = arith.mulf %convert_element_type3A_253, %mul3A_254 : vector<1x304xf32>
      %sub3A_256 = arith.constant 1.000000e+00 : f32
      %sub3A_257 = vector.broadcast %sub3A_256 : f32 to vector<1x304xf32>
      %sub3A_258 = arith.subf %sub3A_257, %mul3A_255 : vector<1x304xf32>
      %mul3A_259 = arith.mulf %mul3A_230, %sub3A_258 : vector<1x304xf32>
      %mul3A_260 = arith.constant 10 : i32
      %mul3A_261 = arith.muli %scan3A_114, %mul3A_260 : i32
      %add3A_262 = arith.constant 5 : i32
      %add3A_263 = arith.addi %mul3A_261, %add3A_262 : i32
      %get3A_264 = arith.index_cast %add3A_263 : i32 to index
      %get3A_265 = arith.constant 0 : index
      %get3A_266 = vector.load %arg3[%get3A_264, %get3A_265] : memref<304x304xf32, #tpu.memory_space<vmem>>, vector<1x304xf32>
      %eq3A_267 = vector.broadcast %add3A_263 : i32 to vector<1x304xi32>
      %eq3A_268 = arith.cmpi eq, %iota3A, %eq3A_267 : vector<1x304xi32>
      %convert_element_type3A_269 = arith.extui %eq3A_268 : vector<1x304xi1> to vector<1x304xi32>
      %convert_element_type3A_270 = arith.sitofp %convert_element_type3A_269 : vector<1x304xi32> to vector<1x304xf32>
      %mul3A_271 = arith.mulf %mul3A_259, %convert_element_type3A_270 : vector<1x304xf32>
      %reduce_sum3A_272 = arith.constant dense<0.000000e+00> : vector<1xf32>
      %reduce_sum3A_273 = vector.multi_reduction <add>, %mul3A_271, %reduce_sum3A_272 [1] : vector<1x304xf32> to vector<1xf32>
      %broadcast_in_dim3A_274 = vector.shape_cast %reduce_sum3A_273 : vector<1xf32> to vector<1x1xf32>
      %gt3A_275 = arith.constant 4.000000e-01 : f32
      %gt3A_276 = vector.broadcast %gt3A_275 : f32 to vector<1x304xf32>
      %gt3A_277 = arith.cmpf ogt, %get3A_266, %gt3A_276 : vector<1x304xf32>
      %gt3A_278 = vector.broadcast %add3A_263 : i32 to vector<1x304xi32>
      %gt3A_279 = arith.cmpi sgt, %iota3A, %gt3A_278 : vector<1x304xi32>
      %and3A_280 = arith.andi %gt3A_277, %gt3A_279 : vector<1x304xi1>
      %convert_element_type3A_281 = arith.extui %and3A_280 : vector<1x304xi1> to vector<1x304xi32>
      %convert_element_type3A_282 = arith.sitofp %convert_element_type3A_281 : vector<1x304xi32> to vector<1x304xf32>
      %mul3A_283 = vector.broadcast %broadcast_in_dim3A_274 : vector<1x1xf32> to vector<1x304xf32>
      %mul3A_284 = arith.mulf %convert_element_type3A_282, %mul3A_283 : vector<1x304xf32>
      %sub3A_285 = arith.constant 1.000000e+00 : f32
      %sub3A_286 = vector.broadcast %sub3A_285 : f32 to vector<1x304xf32>
      %sub3A_287 = arith.subf %sub3A_286, %mul3A_284 : vector<1x304xf32>
      %mul3A_288 = arith.mulf %mul3A_259, %sub3A_287 : vector<1x304xf32>
      %mul3A_289 = arith.constant 10 : i32
      %mul3A_290 = arith.muli %scan3A_114, %mul3A_289 : i32
      %add3A_291 = arith.constant 6 : i32
      %add3A_292 = arith.addi %mul3A_290, %add3A_291 : i32
      %get3A_293 = arith.index_cast %add3A_292 : i32 to index
      %get3A_294 = arith.constant 0 : index
      %get3A_295 = vector.load %arg3[%get3A_293, %get3A_294] : memref<304x304xf32, #tpu.memory_space<vmem>>, vector<1x304xf32>
      %eq3A_296 = vector.broadcast %add3A_292 : i32 to vector<1x304xi32>
      %eq3A_297 = arith.cmpi eq, %iota3A, %eq3A_296 : vector<1x304xi32>
      %convert_element_type3A_298 = arith.extui %eq3A_297 : vector<1x304xi1> to vector<1x304xi32>
      %convert_element_type3A_299 = arith.sitofp %convert_element_type3A_298 : vector<1x304xi32> to vector<1x304xf32>
      %mul3A_300 = arith.mulf %mul3A_288, %convert_element_type3A_299 : vector<1x304xf32>
      %reduce_sum3A_301 = arith.constant dense<0.000000e+00> : vector<1xf32>
      %reduce_sum3A_302 = vector.multi_reduction <add>, %mul3A_300, %reduce_sum3A_301 [1] : vector<1x304xf32> to vector<1xf32>
      %broadcast_in_dim3A_303 = vector.shape_cast %reduce_sum3A_302 : vector<1xf32> to vector<1x1xf32>
      %gt3A_304 = arith.constant 4.000000e-01 : f32
      %gt3A_305 = vector.broadcast %gt3A_304 : f32 to vector<1x304xf32>
      %gt3A_306 = arith.cmpf ogt, %get3A_295, %gt3A_305 : vector<1x304xf32>
      %gt3A_307 = vector.broadcast %add3A_292 : i32 to vector<1x304xi32>
      %gt3A_308 = arith.cmpi sgt, %iota3A, %gt3A_307 : vector<1x304xi32>
      %and3A_309 = arith.andi %gt3A_306, %gt3A_308 : vector<1x304xi1>
      %convert_element_type3A_310 = arith.extui %and3A_309 : vector<1x304xi1> to vector<1x304xi32>
      %convert_element_type3A_311 = arith.sitofp %convert_element_type3A_310 : vector<1x304xi32> to vector<1x304xf32>
      %mul3A_312 = vector.broadcast %broadcast_in_dim3A_303 : vector<1x1xf32> to vector<1x304xf32>
      %mul3A_313 = arith.mulf %convert_element_type3A_311, %mul3A_312 : vector<1x304xf32>
      %sub3A_314 = arith.constant 1.000000e+00 : f32
      %sub3A_315 = vector.broadcast %sub3A_314 : f32 to vector<1x304xf32>
      %sub3A_316 = arith.subf %sub3A_315, %mul3A_313 : vector<1x304xf32>
      %mul3A_317 = arith.mulf %mul3A_288, %sub3A_316 : vector<1x304xf32>
      %mul3A_318 = arith.constant 10 : i32
      %mul3A_319 = arith.muli %scan3A_114, %mul3A_318 : i32
      %add3A_320 = arith.constant 7 : i32
      %add3A_321 = arith.addi %mul3A_319, %add3A_320 : i32
      %get3A_322 = arith.index_cast %add3A_321 : i32 to index
      %get3A_323 = arith.constant 0 : index
      %get3A_324 = vector.load %arg3[%get3A_322, %get3A_323] : memref<304x304xf32, #tpu.memory_space<vmem>>, vector<1x304xf32>
      %eq3A_325 = vector.broadcast %add3A_321 : i32 to vector<1x304xi32>
      %eq3A_326 = arith.cmpi eq, %iota3A, %eq3A_325 : vector<1x304xi32>
      %convert_element_type3A_327 = arith.extui %eq3A_326 : vector<1x304xi1> to vector<1x304xi32>
      %convert_element_type3A_328 = arith.sitofp %convert_element_type3A_327 : vector<1x304xi32> to vector<1x304xf32>
      %mul3A_329 = arith.mulf %mul3A_317, %convert_element_type3A_328 : vector<1x304xf32>
      %reduce_sum3A_330 = arith.constant dense<0.000000e+00> : vector<1xf32>
      %reduce_sum3A_331 = vector.multi_reduction <add>, %mul3A_329, %reduce_sum3A_330 [1] : vector<1x304xf32> to vector<1xf32>
      %broadcast_in_dim3A_332 = vector.shape_cast %reduce_sum3A_331 : vector<1xf32> to vector<1x1xf32>
      %gt3A_333 = arith.constant 4.000000e-01 : f32
      %gt3A_334 = vector.broadcast %gt3A_333 : f32 to vector<1x304xf32>
      %gt3A_335 = arith.cmpf ogt, %get3A_324, %gt3A_334 : vector<1x304xf32>
      %gt3A_336 = vector.broadcast %add3A_321 : i32 to vector<1x304xi32>
      %gt3A_337 = arith.cmpi sgt, %iota3A, %gt3A_336 : vector<1x304xi32>
      %and3A_338 = arith.andi %gt3A_335, %gt3A_337 : vector<1x304xi1>
      %convert_element_type3A_339 = arith.extui %and3A_338 : vector<1x304xi1> to vector<1x304xi32>
      %convert_element_type3A_340 = arith.sitofp %convert_element_type3A_339 : vector<1x304xi32> to vector<1x304xf32>
      %mul3A_341 = vector.broadcast %broadcast_in_dim3A_332 : vector<1x1xf32> to vector<1x304xf32>
      %mul3A_342 = arith.mulf %convert_element_type3A_340, %mul3A_341 : vector<1x304xf32>
      %sub3A_343 = arith.constant 1.000000e+00 : f32
      %sub3A_344 = vector.broadcast %sub3A_343 : f32 to vector<1x304xf32>
      %sub3A_345 = arith.subf %sub3A_344, %mul3A_342 : vector<1x304xf32>
      %mul3A_346 = arith.mulf %mul3A_317, %sub3A_345 : vector<1x304xf32>
      %mul3A_347 = arith.constant 10 : i32
      %mul3A_348 = arith.muli %scan3A_114, %mul3A_347 : i32
      %add3A_349 = arith.constant 8 : i32
      %add3A_350 = arith.addi %mul3A_348, %add3A_349 : i32
      %get3A_351 = arith.index_cast %add3A_350 : i32 to index
      %get3A_352 = arith.constant 0 : index
      %get3A_353 = vector.load %arg3[%get3A_351, %get3A_352] : memref<304x304xf32, #tpu.memory_space<vmem>>, vector<1x304xf32>
      %eq3A_354 = vector.broadcast %add3A_350 : i32 to vector<1x304xi32>
      %eq3A_355 = arith.cmpi eq, %iota3A, %eq3A_354 : vector<1x304xi32>
      %convert_element_type3A_356 = arith.extui %eq3A_355 : vector<1x304xi1> to vector<1x304xi32>
      %convert_element_type3A_357 = arith.sitofp %convert_element_type3A_356 : vector<1x304xi32> to vector<1x304xf32>
      %mul3A_358 = arith.mulf %mul3A_346, %convert_element_type3A_357 : vector<1x304xf32>
      %reduce_sum3A_359 = arith.constant dense<0.000000e+00> : vector<1xf32>
      %reduce_sum3A_360 = vector.multi_reduction <add>, %mul3A_358, %reduce_sum3A_359 [1] : vector<1x304xf32> to vector<1xf32>
      %broadcast_in_dim3A_361 = vector.shape_cast %reduce_sum3A_360 : vector<1xf32> to vector<1x1xf32>
      %gt3A_362 = arith.constant 4.000000e-01 : f32
      %gt3A_363 = vector.broadcast %gt3A_362 : f32 to vector<1x304xf32>
      %gt3A_364 = arith.cmpf ogt, %get3A_353, %gt3A_363 : vector<1x304xf32>
      %gt3A_365 = vector.broadcast %add3A_350 : i32 to vector<1x304xi32>
      %gt3A_366 = arith.cmpi sgt, %iota3A, %gt3A_365 : vector<1x304xi32>
      %and3A_367 = arith.andi %gt3A_364, %gt3A_366 : vector<1x304xi1>
      %convert_element_type3A_368 = arith.extui %and3A_367 : vector<1x304xi1> to vector<1x304xi32>
      %convert_element_type3A_369 = arith.sitofp %convert_element_type3A_368 : vector<1x304xi32> to vector<1x304xf32>
      %mul3A_370 = vector.broadcast %broadcast_in_dim3A_361 : vector<1x1xf32> to vector<1x304xf32>
      %mul3A_371 = arith.mulf %convert_element_type3A_369, %mul3A_370 : vector<1x304xf32>
      %sub3A_372 = arith.constant 1.000000e+00 : f32
      %sub3A_373 = vector.broadcast %sub3A_372 : f32 to vector<1x304xf32>
      %sub3A_374 = arith.subf %sub3A_373, %mul3A_371 : vector<1x304xf32>
      %mul3A_375 = arith.mulf %mul3A_346, %sub3A_374 : vector<1x304xf32>
      %mul3A_376 = arith.constant 10 : i32
      %mul3A_377 = arith.muli %scan3A_114, %mul3A_376 : i32
      %add3A_378 = arith.constant 9 : i32
      %add3A_379 = arith.addi %mul3A_377, %add3A_378 : i32
      %get3A_380 = arith.index_cast %add3A_379 : i32 to index
      %get3A_381 = arith.constant 0 : index
      %get3A_382 = vector.load %arg3[%get3A_380, %get3A_381] : memref<304x304xf32, #tpu.memory_space<vmem>>, vector<1x304xf32>
      %eq3A_383 = vector.broadcast %add3A_379 : i32 to vector<1x304xi32>
      %eq3A_384 = arith.cmpi eq, %iota3A, %eq3A_383 : vector<1x304xi32>
      %convert_element_type3A_385 = arith.extui %eq3A_384 : vector<1x304xi1> to vector<1x304xi32>
      %convert_element_type3A_386 = arith.sitofp %convert_element_type3A_385 : vector<1x304xi32> to vector<1x304xf32>
      %mul3A_387 = arith.mulf %mul3A_375, %convert_element_type3A_386 : vector<1x304xf32>
      %reduce_sum3A_388 = arith.constant dense<0.000000e+00> : vector<1xf32>
      %reduce_sum3A_389 = vector.multi_reduction <add>, %mul3A_387, %reduce_sum3A_388 [1] : vector<1x304xf32> to vector<1xf32>
      %broadcast_in_dim3A_390 = vector.shape_cast %reduce_sum3A_389 : vector<1xf32> to vector<1x1xf32>
      %gt3A_391 = arith.constant 4.000000e-01 : f32
      %gt3A_392 = vector.broadcast %gt3A_391 : f32 to vector<1x304xf32>
      %gt3A_393 = arith.cmpf ogt, %get3A_382, %gt3A_392 : vector<1x304xf32>
      %gt3A_394 = vector.broadcast %add3A_379 : i32 to vector<1x304xi32>
      %gt3A_395 = arith.cmpi sgt, %iota3A, %gt3A_394 : vector<1x304xi32>
      %and3A_396 = arith.andi %gt3A_393, %gt3A_395 : vector<1x304xi1>
      %convert_element_type3A_397 = arith.extui %and3A_396 : vector<1x304xi1> to vector<1x304xi32>
      %convert_element_type3A_398 = arith.sitofp %convert_element_type3A_397 : vector<1x304xi32> to vector<1x304xf32>
      %mul3A_399 = vector.broadcast %broadcast_in_dim3A_390 : vector<1x1xf32> to vector<1x304xf32>
      %mul3A_400 = arith.mulf %convert_element_type3A_398, %mul3A_399 : vector<1x304xf32>
      %sub3A_401 = arith.constant 1.000000e+00 : f32
      %sub3A_402 = vector.broadcast %sub3A_401 : f32 to vector<1x304xf32>
      %sub3A_403 = arith.subf %sub3A_402, %mul3A_400 : vector<1x304xf32>
      %mul3A_404 = arith.mulf %mul3A_375, %sub3A_403 : vector<1x304xf32>
      scf.yield %mul3A_404 : vector<1x304xf32>
    }
    %scan3A_80 = arith.constant 30 : i32
    %jit3A = arith.constant 0.000000e+00 : f32
    %jit3A_81 = arith.constant 5.120000e+02 : f32
    %max3A_82 = vector.broadcast %jit3A : f32 to vector<1x304xf32>
    %max3A_83 = arith.maximumf %max3A_82, %sub3A : vector<1x304xf32>
    %min3A_84 = vector.broadcast %jit3A_81 : f32 to vector<1x304xf32>
    %min3A_85 = arith.minimumf %min3A_84, %max3A_83 : vector<1x304xf32>
    %mul3A_86 = arith.mulf %min3A_85, %scan3A_79 : vector<1x304xf32>
    %jit3A_87 = arith.constant 0.000000e+00 : f32
    %jit3A_88 = arith.constant 5.120000e+02 : f32
    %max3A_89 = vector.broadcast %jit3A_87 : f32 to vector<1x304xf32>
    %max3A_90 = arith.maximumf %max3A_89, %sub3A_23 : vector<1x304xf32>
    %min3A_91 = vector.broadcast %jit3A_88 : f32 to vector<1x304xf32>
    %min3A_92 = arith.minimumf %min3A_91, %max3A_90 : vector<1x304xf32>
    %mul3A_93 = arith.mulf %min3A_92, %scan3A_79 : vector<1x304xf32>
    %jit3A_94 = arith.constant 0.000000e+00 : f32
    %jit3A_95 = arith.constant 5.120000e+02 : f32
    %max3A_96 = vector.broadcast %jit3A_94 : f32 to vector<1x304xf32>
    %max3A_97 = arith.maximumf %max3A_96, %add3A : vector<1x304xf32>
    %min3A_98 = vector.broadcast %jit3A_95 : f32 to vector<1x304xf32>
    %min3A_99 = arith.minimumf %min3A_98, %max3A_97 : vector<1x304xf32>
    %mul3A_100 = arith.mulf %min3A_99, %scan3A_79 : vector<1x304xf32>
    %jit3A_101 = arith.constant 0.000000e+00 : f32
    %jit3A_102 = arith.constant 5.120000e+02 : f32
    %max3A_103 = vector.broadcast %jit3A_101 : f32 to vector<1x304xf32>
    %max3A_104 = arith.maximumf %max3A_103, %add3A_30 : vector<1x304xf32>
    %min3A_105 = vector.broadcast %jit3A_102 : f32 to vector<1x304xf32>
    %min3A_106 = arith.minimumf %min3A_105, %max3A_104 : vector<1x304xf32>
    %mul3A_107 = arith.mulf %min3A_106, %scan3A_79 : vector<1x304xf32>
    %mul3A_108 = arith.mulf %get3A_2, %scan3A_79 : vector<1x304xf32>
    %mul3A_109 = arith.mulf %get3A_17, %scan3A_79 : vector<1x304xf32>
    %concatenate3A_110 = tpu.concatenate %mul3A_86, %mul3A_93, %mul3A_100, %mul3A_107, %mul3A_108, %mul3A_109, %broadcast_in_dim3A_0, %broadcast_in_dim3A_0 in 0 : vector<1x304xf32>, vector<1x304xf32>, vector<1x304xf32>, vector<1x304xf32>, vector<1x304xf32>, vector<1x304xf32>, vector<1x304xf32>, vector<1x304xf32> -> vector<8x304xf32>
    %swap3A_111 = arith.constant 0 : index
    %swap3A_112 = arith.constant 0 : index
    %swap3A_113 = vector.load %arg2[%swap3A_111, %swap3A_112] : memref<8x304xf32, #tpu.memory_space<vmem>>, vector<8x304xf32>
    tpu.vector_store %arg2[%swap3A_111, %swap3A_112], %concatenate3A_110 {strides = array<i32>} : memref<8x304xf32, #tpu.memory_space<vmem>>, vector<8x304xf32>,
    return
  }
}

</mosaic_0001>

<sc_bundles>
// kernel: kernel.5.cloned.1.call-start
scs
__scs_entry_jumppad:
0x0: {  	(pc) =	sbr.rel $0x88, $3  }
0x1: {  	(tag) =	ssettag $0x0;
	lr =	simm.s32 $0x1  }
0x2: {  	[smem:$0x3FA0] =	sst lr;
	_ =	strace $0xD0000000  }
0x3: {  	_ = 	snop  }
0x4: {  	_ = 	snop  }
0x5: {  	_ = 	snop  }
0x6: {  	_ = 	snop  }
0x7: {  	_ = 	snop  }
__scs_overlays_trampoline_lowered:
0x8: {  	[smem:$0x3FAF] =	sst s0  }
0x9: {  	[smem:$0x3FB0] =	sst s1  }
0xa: {  	[smem:$0x3FB1] =	sst s2  }
0xb: {  	[smem:$0x3FB2] =	sst s3  }
0xc: {  	[smem:$0x3FB3] =	sst s4  }
0xd: {  	[smem:$0x3FB4] =	sst s5  }
0xe: {  	[smem:$0x3FB5] =	sst s6  }
0xf: {  	[smem:$0x3FB6] =	sst s7  }
0x10: {  	[smem:$0x3FB7] =	sst s8  }
0x11: {  	[smem:$0x3FB8] =	sst s9;
	s0 =	simm.s32 @!p0 $0x0  }
0x12: {  	s1 =	sld [smem:$0x3F9E];
	s0 =	simm.s32 @p0 $0x1  }
0x13: {  	[smem:$0x3FB9] =	sst s0;
	s0 =	simm.s32 @!p1 $0x0  }
0x14: {  	s2 =	sld [smem:$0x3F9D];
	s0 =	simm.s32 @p1 $0x1  }
0x15: {  	[smem:$0x3FBA] =	sst s0;
	s0 =	simm.s32 @!p2 $0x0  }
0x16: {  	s3 =	sld [smem:$0x3FDB];
	s0 =	simm.s32 @p2 $0x1  }
0x17: {  	s4 =	simm.s32 $0x1BF5;
	[smem:$0x3FBC] =	sst s0  }
0x18: {  	s0 =	sld [smem:$0x3F9F];
	_ =	swait.ge [sflag:s4], $0x0  }
0x19: {  	s7 =	sld [smem:$0x3FA0]  }
0x1a: {  	s8 =	sadd.s32 $0xFFFFE003, lr  }
0x1b: {  	s9 =	sadd.s32 $0xFFFFFEF7, lr;
	s5 =	simm.s32 $0xFFFFFFFF;
	p2 =	slt.u32 s8, $0xFFFFF086  }
0x1c: {  	p1 =	slt.u32 s9, $0xF7A;
	s5 =	simm.s32 @!p2 $0x0  }
0x1d: {  	s5 =	simm.s32 @p1 $0x1;
	p0 =	seq.s32 s7, s2  }
0x1e: {  	s7 =	smul.u32 @!p0 $0xF7A, s2;
	p2 =	seq.s32 @!p0 s5, $0x0  }
0x1f: {  	s9 =	smul.u32 $0xF7A, s1;
	s8 =	simm.s32 @!p0 $0x1BF5;
	p2 =	por !p2, p0  }
0x20: {  	[sflag:s8] =	ssyncset.s32 @!p0 $0xFFFFF086;
	s6 =	sadd.s32 @!p0 s3, s7;
	s7 =	simm.s32 @!p0 $0x108  }
0x21: {  	s3 =	sadd.s32 s3, s9;
	s6 =	sadd.s32 @!p0 $0x88, s6;
	s7 =	simm.s32 @p2 $0x1082  }
0x22: {  	[simem:s7], [sflag:s8] =	dma.local @!p0 [hbm:s6], $0xF7A  }
0x23: {  	s9 =	sor.u32 $0xD0000000, s2;
	s6 =	simm.s32 $0x108;
	_ =	swait.ge @!p0 [sflag:s8], $0x0  }
0x24: {  	s3 =	sadd.s32 $0x88, s3;
	s6 =	simm.s32 @!p1 $0x1082;
	[sflag:s4] =	ssyncset.s32 $0xFFFFF086  }
0x25: {  	[simem:s6], [sflag:s4] =	dma.local [hbm:s3], $0xF7A  }
0x26: {  	[smem:$0x3FA0] =	sst s1;
	(tag) =	ssettag s2;
	_ =	strace s9  }
0x27: {  	s1 =	sld [smem:$0x3FB0]  }
0x28: {  	s2 =	sld [smem:$0x3FB1]  }
0x29: {  	s4 =	sld [smem:$0x3FB3]  }
0x2a: {  	p0 =	seq.s32 s5, $0x0;
	s5 =	sld [smem:$0x3FB4]  }
0x2b: {  	s6 =	sld [smem:$0x3FB5]  }
0x2c: {  	s7 =	sld [smem:$0x3FB6]  }
0x2d: {  	s3 =	simm.s32 $0x108;
	s8 =	sld [smem:$0x3FB7]  }
0x2e: {  	s3 =	simm.s32 @!p0 $0x1082;
	s9 =	sld [smem:$0x3FB8]  }
0x2f: {  	lr =	sadd.s32 s0, s3;
	s0 =	sld [smem:$0x3FAF]  }
0x30: {  	s3 =	sld [smem:$0x3FB2]  }
0x31: {  	[smem:$0x3FBB] =	sst s10  }
0x32: {  	s10 =	sld [smem:$0x3FB9];
	_ =	sdelay $0x3  }
0x33: {  	p0 =	seq.s32 s10, $0x1;
	s10 =	sld [smem:$0x3FBB];
	_ =	sdelay $0x3  }
0x34: {  	[smem:$0x3FBB] =	sst s10  }
0x35: {  	s10 =	sld [smem:$0x3FBA];
	_ =	sdelay $0x3  }
0x36: {  	p1 =	seq.s32 s10, $0x1;
	s10 =	sld [smem:$0x3FBB];
	_ =	sdelay $0x3  }
0x37: {  	[smem:$0x3FBB] =	sst s10  }
0x38: {  	s10 =	sld [smem:$0x3FBC]  }
0x39: {  	_ = 	snop;
	(pc) =	sbr.ind lr, $3  }
0x3a: {  	_ = 	snop  }
0x3b: {  	_ = 	snop  }
0x3c: {  	p2 =	seq.s32 s10, $0x1;
	s10 =	sld [smem:$0x3FBB]  }
0x3d: {  	_ =	shalt  }
0x3e: {  	_ =	shalt  }
0x3f: {  	_ =	shalt  }
0x40: {  	_ =	shalt  }
0x41: {  	_ =	shalt  }
0x42: {  	_ =	shalt  }
0x43: {  	_ =	shalt  }
0x44: {  	_ =	shalt  }
0x45: {  	_ =	shalt  }
0x46: {  	_ =	shalt  }
0x47: {  	_ =	shalt  }
0x48: {  	_ =	shalt  }
0x49: {  	_ =	shalt  }
0x4a: {  	_ =	shalt  }
0x4b: {  	_ =	shalt  }
0x4c: {  	_ =	shalt  }
0x4d: {  	_ =	shalt  }
0x4e: {  	_ =	shalt  }
0x4f: {  	_ =	shalt  }
0x50: {  	_ =	shalt  }
0x51: {  	_ =	shalt  }
0x52: {  	_ =	shalt  }
0x53: {  	_ =	shalt  }
0x54: {  	_ =	shalt  }
0x55: {  	_ =	shalt  }
0x56: {  	_ =	shalt  }
0x57: {  	_ =	shalt  }
0x58: {  	_ =	shalt  }
0x59: {  	_ =	shalt  }
0x5a: {  	_ =	shalt  }
0x5b: {  	_ =	shalt  }
0x5c: {  	_ =	shalt  }
0x5d: {  	_ =	shalt  }
0x5e: {  	_ =	shalt  }
0x5f: {  	_ =	shalt  }
0x60: {  	_ =	shalt  }
0x61: {  	_ =	shalt  }
0x62: {  	_ =	shalt  }
0x63: {  	_ =	shalt  }
0x64: {  	_ =	shalt  }
0x65: {  	_ =	shalt  }
0x66: {  	_ =	shalt  }
0x67: {  	_ =	shalt  }
0x68: {  	_ =	shalt  }
0x69: {  	_ =	shalt  }
0x6a: {  	_ =	shalt  }
0x6b: {  	_ =	shalt  }
0x6c: {  	_ =	shalt  }
0x6d: {  	_ =	shalt  }
0x6e: {  	_ =	shalt  }
0x6f: {  	_ =	shalt  }
0x70: {  	_ =	shalt  }
0x71: {  	_ =	shalt  }
0x72: {  	_ =	shalt  }
0x73: {  	_ =	shalt  }
0x74: {  	_ =	shalt  }
0x75: {  	_ =	shalt  }
0x76: {  	_ =	shalt  }
0x77: {  	_ =	shalt  }
0x78: {  	_ =	shalt  }
0x79: {  	_ =	shalt  }
0x7a: {  	_ =	shalt  }
0x7b: {  	_ =	shalt  }
0x7c: {  	_ =	shalt  }
0x7d: {  	_ =	shalt  }
0x7e: {  	_ =	shalt  }
0x7f: {  	_ =	shalt  }
0x80: {  	_ =	shalt  }
0x81: {  	_ =	shalt  }
0x82: {  	_ =	shalt  }
0x83: {  	_ =	shalt  }
0x84: {  	_ =	shalt  }
0x85: {  	_ =	shalt  }
0x86: {  	_ =	shalt  }
0x87: {  	_ =	shalt  }
.Lfunc_end0:
.L_simem_size_0:
called_computation_lowered:
.L_overlay_start_0:
0x88: {  	s2 =	sld [smem:$0x3FD9]  }
0x89: {  	s3 =	sld [smem:$0x3FFE];
	_ =	sdelay $0x1  }
0x8a: {  	s1 =	srdreg.scid  }
0x8b: {  	s0 =	sand.u32 $0x1, s1  }
0x8c: {  	s17 =	sshll.u32 s0, $0xA;
	s2 =	sadd.s32 s3, s2  }
0x8d: {  	s2 =	sadd.s32 s2, s17  }
0x8e: {  	[smem:$0x3FC7] =	sst s2  }
0x8f: {  	_ = 	snop  }
0x90: {  	s2 =	sld [smem:$0x3FD0];
	(tm) =	ssettm $0x1  }
0x91: {  	s18 =	sld [smem:$0x3FFB];
	_ =	sdelay $0x3  }
0x92: {  	_ =	strace s18  }
0x93: {  	s3 =	sld [smem:$0x3FFC];
	_ =	sdelay $0x3  }
0x94: {  	_ =	strace s3  }
0x95: {  	s3 =	sld [smem:$0x3FFD];
	_ =	sdelay $0x3  }
0x96: {  	_ =	strace s3  }
0x97: {  	_ =	strace $0x8FFFFFFF  }
0x98: {  	s19 =	sld [smem:$0x3FDB];
	_ =	sdelay $0x1  }
0x99: {  	s4 =	simm.s32 $_scs_section_size  }
0x9a: {  	s5 =	simm.s32 $_size__tile_overlayer_lowered;
	s6 =	simm.s32 $_tile_overlayer_lowered  }
0x9b: {  	s22 =	simm.s32 $0x1BFF;
	s21 =	sshll.u32 s6, $0x1;
	s3 =	sadd.s32 s4, s19  }
0x9c: {  	s7 =	simm.s32 $0x0;
	s20 =	sshll.u32 s5, $0x1;
	s5 =	sadd.s32 s21, s3  }
0x9d: {  	[timem:s7], [sflag:s22] =	dma.local [hbm:s5], s20  }
0x9e: {  	_ =	swait.ge [sflag:s22], s20  }
0x9f: {  	s4 =	ssub.s32 $0x0, s20;
	[sflag:s22] =	ssyncset.done $0x0  }
0xa0: {  	[sflag:s22] =	ssyncadd.s32 s4;
	_ =	sdelay $0x1  }
0xa1: {  	s23 =	simm.s32 $0x1B8B  }
0xa2: {  	_ =	swait.ge [sflag:s23], $0x1  }
0xa3: {  	[sflag:s23] =	ssyncset.done $0x0  }
0xa4: {  	s25 =	simm.s32 $0x1B8E;
	s24 =	sld [smem:$0x3FFE];
	[sflag:s23] =	ssyncadd.s32 $0xFFFFFFFF  }
0xa5: {  	s26 =	simm.s32 $execute0_lowered;
	[smem:$0x3FD2] =	sst s25  }
0xa6: {  	s5 =	sshll.u32 s26, $0x1;
	_ =	strace $0x80000046;
	[dreg:$0x1] =	wrdreg $0xFFFFFFFF  }
0xa7: {  	s28 =	simm.s32 $_size_execute0_lowered;
	s3 =	sadd.s32 s3, s5;
	[dreg:$0x0] =	wrdreg $0x0  }
0xa8: {  	s5 =	sshll.u32 s28, $0x1;
	[dreg:$0x2] =	wrdreg s3  }
0xa9: {  	[dreg:$0x3] =	wrdreg s5  }
0xaa: {  	[dreg:$0x4] =	wrdreg $0xC0  }
0xab: {  	_ =	task [dreg:s7], $0x5FFFF  }
0xac: {  	[dreg:$0x1] =	wrdreg $0xFFFFFFFF  }
0xad: {  	[dreg:$0x0] =	wrdreg $0x60  }
0xae: {  	[dreg:$0x2] =	wrdreg s24  }
0xaf: {  	[dreg:$0x3] =	wrdreg s2  }
0xb0: {  	[dreg:$0x4] =	wrdreg $0x9  }
0xb1: {  	_ =	task.clear_ibuf [dreg:s7], $0x5FFFF;
	_ =	strace $0x90000046  }
0xb2: {  	s29 =	simm.s32 $0x9;
	_ =	strace $0x80000048  }
0xb3: {  	_ =	swait.ge [sflag:s29], $0x1  }
0xb4: {  	[sflag:s29] =	ssyncadd.s32 $0xFFFFFFFF  }
0xb5: {  	_ =	strace $0x90000048  }
0xb6: {  	_ =	sfence  }
0xb7: {  	s30 =	sld [smem:$0x0];
	_ =	sdelay $0x2  }
0xb8: {  	s31 =	sshll.u32 s1, $0xD;
	s1 =	sshrl.u32 s1, $0x2  }
0xb9: {  	s3 =	sand.u32 $0x4000, s31;
	s1 =	sadd.s32 s1, s30  }
0xba: {  	s0 =	sor.u32 s3, s0;
	s1 =	sshll.u32 s1, $0x11  }
0xbb: {  	s0 =	sor.u32 s1, s0  }
0xbc: {  	s0 =	sadd.s32 $0x8F2B, s0  }
0xbd: {  	[sflag:s0] =	ssyncadd.remote.s32 $0x1  }
0xbe: {  	_ =	sfence.sel $0xFFFF  }
0xbf: {  	[dreg:$0x0] =	wrdreg $0xFFFFFFFF;
	(pc) =	sbr.abs _section_cstart, $3  }
0xc0: {  	[dreg:$0x1] =	wrdreg $0xFFFFFFFF  }
0xc1: {  	_ =	task.clear_ibuf [dreg:s7], $0x2FFFF;
	_ =	strace $0x9FFFFFFF  }
0xc2: {  	(tm) =	ssettm $0x7FFFFFFF  }
0xc3: {  	_ =	shalt  }
tec
execute0_lowered:
.L_overlay_start_1:
0x0: {  	(tag) =	ssettag $0x1  }
0x1: {  	s9 =	rddreg [dreg:$0x0]  }
0x2: {  	s1 =	rddreg [dreg:$0x1]  }
0x3: {  	s0 =	rddreg [dreg:$0x2]  }
0x4: {  	s2 =	simm.s32 $0x0;
	s4 =	srdreg.scid;
	s15 =	simm.s32 $0x2  }
0x5: {  	s16 =	simm.s32 $0x80;
	s17 =	simm.s32 $0x200;
	s18 =	simm.s32 $0x1  }
0x6: {  	s19 =	simm.s32 $0x280;
	s20 =	simm.s32 $0x100;
	s21 =	simm.s32 $0x300  }
0x7: {  	[smem:$0x7FF] =	sst s2;
	s3 =	sadd.s32 $0x1A00, s9;
	s5 =	sadd.s32 $0x2400, s9  }
0x8: {  	s6 =	sadd.s32 $0x2E00, s9;
	s10 =	sand.u32 $0x1, s4;
	s7 =	sadd.s32 $0x1000, s9  }
0x9: {  	s4 =	stileid.u32;
	s8 =	sadd.s32 $0x3800, s9;
	s9 =	sadd.s32 $0x4200, s9  }
0xa: {  	_ =	strace $0x80000047;
	s11 =	ssub.s32 $0x2, s10;
	s13 =	sshll.u32 s4, $0x1  }
.Ltmp0:
0xb: {  	s12 =	sshrl.u32 s11, $0x1;
	s22 =	sor.u32 s10, s13;
	(pc) =	sbr.rel .LBB2_1-.Ltmp0, $4  }
0xc: {  	s10 =	sadd.s32 $0x100, s1;
	s13 =	sadd.s32 $0x40, s1;
	s14 =	ssub.s32 s11, s12  }
0xd: {  	s11 =	sadd.s32 $0xC0, s1;
	s12 =	sadd.s32 $0x80, s1;
	p0 =	sgt.s32 s22, $0x1  }
0xe: {  	p1 =	seq.s32 s22, $0x0;
	p2 =	seq.s32 s22, $0x1;
	p3 =	seq.s32 s22, $0x2  }
0xf: {  	p4 =	seq.s32 s22, $0x3;
	p5 =	seq.s32 s22, $0x4;
	s14 =	smax.u32 s14, $0x1  }
.LBB2_10:
0x10: {  	[tilespmem:s2], [sflag:$0x2] =	stream.linear.gather [hbm4b:s9+s2], $0x180, $0x38;
	[tilespmem:$0x400] =	vst v63  }
0x11: {  	_ =	swait.ge [sflag:s15], $0x180  }
0x12: {  	[sflag:s15] =	ssyncset.done $0x0  }
0x13: {  	[sflag:s15] =	ssyncadd.s32 $0xFFFFFE80  }
0x14: {  	[tilespmem:s17], [sflag:$0x1] =	stream.indirect.gather [hbm4b:s6+s16], $0x1, s2, s16, $0xb8;
	[tilespmem:$0x400] =	vst v63  }
0x15: {  	_ =	swait.ge [sflag:s18], $0x80  }
0x16: {  	[sflag:s18] =	ssyncset.done $0x0  }
0x17: {  	[sflag:s18] =	ssyncadd.s32 $0xFFFFFF80  }
0x18: {  	[tilespmem:s19], [sflag:$0x1] =	stream.indirect.gather [hbm4b:s6+s16], $0x1, s16, s16, $0xb8;
	[tilespmem:$0x400] =	vst v63  }
0x19: {  	_ =	swait.ge [sflag:s18], $0x80  }
0x1a: {  	[sflag:s18] =	ssyncset.done $0x0  }
0x1b: {  	[sflag:s18] =	ssyncadd.s32 $0xFFFFFF80  }
0x1c: {  	[tilespmem:s21], [sflag:$0x1] =	stream.indirect.gather [hbm4b:s6+s16], $0x1, s20, s16, $0xb8;
	[tilespmem:$0x400] =	vst v63  }
0x1d: {  	_ =	swait.ge [sflag:s18], $0x80  }
0x1e: {  	[sflag:s18] =	ssyncset.done $0x0  }
0x1f: {  	[sflag:s18] =	ssyncadd.s32 $0xFFFFFF80  }
0x20: {  	[hbm4b:s12+s2] =	stream.linear.scatter [tilespmem:s17], [sflag:$0x2], $0x180, $0x38;
	[tilespmem:$0x400] =	vst v63  }
.LBB2_12:
0x21: {  	_ =	swait.ge [sflag:s15], $0x180  }
0x22: {  	[sflag:s15] =	ssyncset.done $0x0  }
0x23: {  	[sflag:s15] =	ssyncadd.s32 $0xFFFFFE80  }
.LBB2_13:
0x24: {  	s14 =	sadd.s32 $0xFFFFFFFF, s14  }
0x25: {  	p6 =	sne.s32 s14, $0x0  }
.Ltmp1:
0x26: {  	_ = 	snop;
	(pc) =	sbr.rel @!p6 .LBB2_14-.Ltmp1, $1  }
0x27: {  	_ =	sdelay $0x3  }
.LBB2_1:
.Ltmp2:
0x28: {  	(pc) =	sbr.rel @!p0 .LBB2_2-.Ltmp2, $1  }
0x29: {  	_ =	sdelay $0x3  }
.Ltmp3:
0x2a: {  	(pc) =	sbr.rel @p3 .LBB2_10-.Ltmp3, $1  }
0x2b: {  	_ =	sdelay $0x3  }
.Ltmp4:
0x2c: {  	(pc) =	sbr.rel @p4 .LBB2_11-.Ltmp4, $1  }
0x2d: {  	_ =	sdelay $0x3  }
.Ltmp5:
0x2e: {  	(pc) =	sbr.rel @!p5 .LBB2_13-.Ltmp5, $1  }
0x2f: {  	_ =	sdelay $0x3  }
0x30: {  	[tilespmem:s2], [sflag:$0x2] =	stream.linear.gather [hbm4b:s9+s2], $0x180, $0x38;
	[tilespmem:$0x400] =	vst v63  }
0x31: {  	_ =	swait.ge [sflag:s15], $0x180  }
0x32: {  	[sflag:s15] =	ssyncset.done $0x0  }
0x33: {  	[sflag:s15] =	ssyncadd.s32 $0xFFFFFE80  }
0x34: {  	[tilespmem:s17], [sflag:$0x1] =	stream.indirect.gather [hbm4b:s8+s16], $0x1, s2, s16, $0xb8;
	[tilespmem:$0x400] =	vst v63  }
0x35: {  	_ =	swait.ge [sflag:s18], $0x80  }
0x36: {  	[sflag:s18] =	ssyncset.done $0x0  }
0x37: {  	[sflag:s18] =	ssyncadd.s32 $0xFFFFFF80  }
0x38: {  	[tilespmem:s19], [sflag:$0x1] =	stream.indirect.gather [hbm4b:s8+s16], $0x1, s16, s16, $0xb8;
	[tilespmem:$0x400] =	vst v63  }
0x39: {  	_ =	swait.ge [sflag:s18], $0x80  }
0x3a: {  	[sflag:s18] =	ssyncset.done $0x0  }
0x3b: {  	[sflag:s18] =	ssyncadd.s32 $0xFFFFFF80  }
0x3c: {  	[tilespmem:s21], [sflag:$0x1] =	stream.indirect.gather [hbm4b:s8+s16], $0x1, s20, s16, $0xb8;
	[tilespmem:$0x400] =	vst v63  }
.Ltmp6:
0x3d: {  	_ = 	snop;
	(pc) =	sbr.rel .LBB2_12-.Ltmp6, $4  }
0x3e: {  	_ =	swait.ge [sflag:s18], $0x80  }
0x3f: {  	[sflag:s18] =	ssyncset.done $0x0  }
0x40: {  	[sflag:s18] =	ssyncadd.s32 $0xFFFFFF80  }
0x41: {  	[hbm4b:s10+s2] =	stream.linear.scatter [tilespmem:s17], [sflag:$0x2], $0x180, $0x38;
	[tilespmem:$0x400] =	vst v63  }
.LBB2_2:
.Ltmp7:
0x42: {  	(pc) =	sbr.rel @p1 .LBB2_9-.Ltmp7, $1  }
0x43: {  	_ =	sdelay $0x3  }
.Ltmp8:
0x44: {  	(pc) =	sbr.rel @!p2 .LBB2_13-.Ltmp8, $1  }
0x45: {  	_ =	sdelay $0x3  }
0x46: {  	[tilespmem:s2], [sflag:$0x2] =	stream.linear.gather [hbm4b:s9+s2], $0x180, $0x38;
	[tilespmem:$0x400] =	vst v63  }
0x47: {  	_ =	swait.ge [sflag:s15], $0x180  }
0x48: {  	[sflag:s15] =	ssyncset.done $0x0  }
0x49: {  	[sflag:s15] =	ssyncadd.s32 $0xFFFFFE80  }
0x4a: {  	[tilespmem:s17], [sflag:$0x1] =	stream.indirect.gather [hbm4b:s5+s16], $0x1, s2, s16, $0xb8;
	[tilespmem:$0x400] =	vst v63  }
0x4b: {  	_ =	swait.ge [sflag:s18], $0x80  }
0x4c: {  	[sflag:s18] =	ssyncset.done $0x0  }
0x4d: {  	[sflag:s18] =	ssyncadd.s32 $0xFFFFFF80  }
0x4e: {  	[tilespmem:s19], [sflag:$0x1] =	stream.indirect.gather [hbm4b:s5+s16], $0x1, s16, s16, $0xb8;
	[tilespmem:$0x400] =	vst v63  }
0x4f: {  	_ =	swait.ge [sflag:s18], $0x80  }
0x50: {  	[sflag:s18] =	ssyncset.done $0x0  }
0x51: {  	[sflag:s18] =	ssyncadd.s32 $0xFFFFFF80  }
0x52: {  	[tilespmem:s21], [sflag:$0x1] =	stream.indirect.gather [hbm4b:s5+s16], $0x1, s20, s16, $0xb8;
	[tilespmem:$0x400] =	vst v63  }
.Ltmp9:
0x53: {  	_ = 	snop;
	(pc) =	sbr.rel .LBB2_12-.Ltmp9, $4  }
0x54: {  	_ =	swait.ge [sflag:s18], $0x80  }
0x55: {  	[sflag:s18] =	ssyncset.done $0x0  }
0x56: {  	[sflag:s18] =	ssyncadd.s32 $0xFFFFFF80  }
0x57: {  	[hbm4b:s13+s2] =	stream.linear.scatter [tilespmem:s17], [sflag:$0x2], $0x180, $0x38;
	[tilespmem:$0x400] =	vst v63  }
.LBB2_11:
0x58: {  	[tilespmem:s2], [sflag:$0x2] =	stream.linear.gather [hbm4b:s9+s2], $0x180, $0x38;
	[tilespmem:$0x400] =	vst v63  }
0x59: {  	_ =	swait.ge [sflag:s15], $0x180  }
0x5a: {  	[sflag:s15] =	ssyncset.done $0x0  }
0x5b: {  	[sflag:s15] =	ssyncadd.s32 $0xFFFFFE80  }
0x5c: {  	[tilespmem:s17], [sflag:$0x1] =	stream.indirect.gather [hbm4b:s7+s16], $0x1, s2, s16, $0xb8;
	[tilespmem:$0x400] =	vst v63  }
0x5d: {  	_ =	swait.ge [sflag:s18], $0x80  }
0x5e: {  	[sflag:s18] =	ssyncset.done $0x0  }
0x5f: {  	[sflag:s18] =	ssyncadd.s32 $0xFFFFFF80  }
0x60: {  	[tilespmem:s19], [sflag:$0x1] =	stream.indirect.gather [hbm4b:s7+s16], $0x1, s16, s16, $0xb8;
	[tilespmem:$0x400] =	vst v63  }
0x61: {  	_ =	swait.ge [sflag:s18], $0x80  }
0x62: {  	[sflag:s18] =	ssyncset.done $0x0  }
0x63: {  	[sflag:s18] =	ssyncadd.s32 $0xFFFFFF80  }
0x64: {  	[tilespmem:s21], [sflag:$0x1] =	stream.indirect.gather [hbm4b:s7+s16], $0x1, s20, s16, $0xb8;
	[tilespmem:$0x400] =	vst v63  }
.Ltmp10:
0x65: {  	_ = 	snop;
	(pc) =	sbr.rel .LBB2_12-.Ltmp10, $4  }
0x66: {  	_ =	swait.ge [sflag:s18], $0x80  }
0x67: {  	[sflag:s18] =	ssyncset.done $0x0  }
0x68: {  	[sflag:s18] =	ssyncadd.s32 $0xFFFFFF80  }
0x69: {  	[hbm4b:s11+s2] =	stream.linear.scatter [tilespmem:s17], [sflag:$0x2], $0x180, $0x38;
	[tilespmem:$0x400] =	vst v63  }
.LBB2_9:
0x6a: {  	[tilespmem:s2], [sflag:$0x2] =	stream.linear.gather [hbm4b:s9+s2], $0x180, $0x38;
	[tilespmem:$0x400] =	vst v63  }
0x6b: {  	_ =	swait.ge [sflag:s15], $0x180  }
0x6c: {  	[sflag:s15] =	ssyncset.done $0x0  }
0x6d: {  	[sflag:s15] =	ssyncadd.s32 $0xFFFFFE80  }
0x6e: {  	[tilespmem:s17], [sflag:$0x1] =	stream.indirect.gather [hbm4b:s3+s16], $0x1, s2, s16, $0xb8;
	[tilespmem:$0x400] =	vst v63  }
0x6f: {  	_ =	swait.ge [sflag:s18], $0x80  }
0x70: {  	[sflag:s18] =	ssyncset.done $0x0  }
0x71: {  	[sflag:s18] =	ssyncadd.s32 $0xFFFFFF80  }
0x72: {  	[tilespmem:s19], [sflag:$0x1] =	stream.indirect.gather [hbm4b:s3+s16], $0x1, s16, s16, $0xb8;
	[tilespmem:$0x400] =	vst v63  }
0x73: {  	_ =	swait.ge [sflag:s18], $0x80  }
0x74: {  	[sflag:s18] =	ssyncset.done $0x0  }
0x75: {  	[sflag:s18] =	ssyncadd.s32 $0xFFFFFF80  }
0x76: {  	[tilespmem:s21], [sflag:$0x1] =	stream.indirect.gather [hbm4b:s3+s16], $0x1, s20, s16, $0xb8;
	[tilespmem:$0x400] =	vst v63  }
.Ltmp11:
0x77: {  	_ = 	snop;
	(pc) =	sbr.rel .LBB2_12-.Ltmp11, $4  }
0x78: {  	_ =	swait.ge [sflag:s18], $0x80  }
0x79: {  	[sflag:s18] =	ssyncset.done $0x0  }
0x7a: {  	[sflag:s18] =	ssyncadd.s32 $0xFFFFFF80  }
0x7b: {  	[hbm4b:s1+s2] =	stream.linear.scatter [tilespmem:s17], [sflag:$0x2], $0x180, $0x38;
	[tilespmem:$0x400] =	vst v63  }
.LBB2_14:
0x7c: {  	_ =	sfence.sel $0x180000  }
0x7d: {  	[bflag:$0x0] =	sbarrier.arrive $0xFFFF  }
0x7e: {  	p0 =	sne.s32 s4, $0x0;
	_ =	strace $0x90000047  }
0x7f: {  	s0 =	sadd.s32 @!p0 $0x100000, s0;
	[bflag:$0x2] =	sbarrier.arrive $0xFFFF  }
0x80: {  	[sflag:s0] =	ssyncadd.tile.s32 @!p0 $0x1;
	_ =	shalt  }
.Lfunc_end2:
_tile_overlayer_lowered:
.L_overlay_start_2:
0x81: {  	(tag) =	ssettag $0x2  }
0x82: {  	s0 =	rddreg [dreg:$0x0];
	s2 =	stileid.u32  }
0x83: {  	s1 =	rddreg [dreg:$0x1];
	p0 =	sne.s32 s2, $0x0  }
0x84: {  	s3 =	rddreg [dreg:$0x2];
	[bflag:$0x3] =	sbarrier.arrive $0xFFFF;
	s2 =	simm.s32 @!p0 $0x1C02  }
0x85: {  	[timem:s3], [sflag:s2] =	dma.local @!p0 [hbm:s0], s1  }
0x86: {  	s0 =	simm.s32 @!p0 $0x2  }
0x87: {  	_ =	swait.ge @!p0 [sflag:s0], s1  }
0x88: {  	s1 =	ssub.s32 @!p0 $0x0, s1;
	[sflag:s0] =	ssyncset.done @!p0 $0x0  }
0x89: {  	[sflag:s0] =	ssyncadd.s32 @!p0 s1  }
0x8a: {  	[bflag:$0x3] =	sbarrier.arrive $0xFFFF  }
0x8b: {  	_ =	shalt  }

</sc_bundles>
